<compile_context>
chip_gen: v7x
topology: tpu7x:2x2x1
jax: 0.10.2.dev20260603
libtpu: 0.0.44.dev20260713+nightly
codegen_flags: <defaults>
</compile_context>

<pallas_src>
import functools

import jax
import jax.numpy as jnp
from jax import lax
from jax.experimental import pallas as pl
from jax.experimental.pallas import tpu as pltpu
from jax.experimental.pallas import tpu_sc as plsc
NC = 2
NS = 16
NW = NC * NS
LANES = 16


def _make_kernel(B, L, V, D):
    rows_total = B * L
    per_w = rows_total // NW
    CH = 128
    n_chunks = per_w // CH
    chunks_per_seq = L // CH
    vecs_per_row = D // LANES

    mesh = plsc.VectorSubcoreMesh(core_axis_name="c", subcore_axis_name="s")

    @functools.partial(
        pl.kernel,
        mesh=mesh,
        out_type=jax.ShapeDtypeStruct((rows_total, D), jnp.float32),
        scratch_types=[
            pltpu.VMEM((2, CH), jnp.int32),
            pltpu.VMEM((2, CH, D), jnp.float32),
            pltpu.VMEM((2, CH, D), jnp.float32),
            pltpu.SemaphoreType.DMA,
            pltpu.SemaphoreType.DMA,
        ],
    )
    def k(idx_hbm, wt_hbm, pt_hbm, out_hbm, idx_v, g_v, pos_v, gsem, psem):
        cid = lax.axis_index("c")
        sid = lax.axis_index("s")
        wid = sid * NC + cid
        jbase = wid * per_w

        def fire(c, buf):
            pltpu.sync_copy(idx_hbm.at[pl.ds(jbase + c * CH, CH)],
                            idx_v.at[buf])

            def issue(g, _):
                ivec = idx_v[buf, pl.ds(g * LANES, LANES)]
                for j in range(LANES):
                    pltpu.async_copy(
                        wt_hbm.at[ivec[j]], g_v.at[buf, g * LANES + j], gsem
                    )
                return 0

            lax.fori_loop(0, CH // LANES, issue, 0)
            l0 = lax.rem(c, chunks_per_seq) * CH
            pltpu.async_copy(pt_hbm.at[pl.ds(l0, CH)], pos_v.at[buf], psem)

        def process(c, buf):
            pltpu.make_async_copy(
                pt_hbm.at[pl.ds(0, CH)], g_v.at[buf], gsem).wait()
            pltpu.make_async_copy(
                pt_hbm.at[pl.ds(0, CH)], pos_v.at[buf], psem).wait()

            def add_row(r, _):
                for u in range(vecs_per_row):
                    sl = pl.ds(u * LANES, LANES)
                    g_v[buf, r, sl] = g_v[buf, r, sl] + pos_v[buf, r, sl]
                return 0

            lax.fori_loop(0, CH, add_row, 0, unroll=4)
            pltpu.sync_copy(g_v.at[buf],
                            out_hbm.at[pl.ds(jbase + c * CH, CH)])

        fire(0, 0)

        def pipe(h, _):
            c0 = h * 2
            fire(c0 + 1, 1)
            process(c0, 0)

            @pl.when(c0 + 2 < n_chunks)
            def _():
                fire(c0 + 2, 0)

            process(c0 + 1, 1)
            return 0

        lax.fori_loop(0, n_chunks // 2, pipe, 0)

    return k


def kernel(inputs, word_table, pos_table):
    B, L = inputs.shape
    V, D = word_table.shape
    flat_idx = inputs.reshape(B * L).astype(jnp.int32)
    k = _make_kernel(B, L, V, D)
    out = k(flat_idx, word_table, pos_table)
    return out.reshape(B, L, D)

# --- scband reference (transcript-rebuilt; emitter-appended) ---
"""Pipeline reference for scband-position-embedding-layer-72370198937674 (READ-ONLY COPY).

The authoritative reference and input builder live on the scoring server;
editing this copy changes nothing except your own understanding.
"""

import jax, jax.numpy as jnp
import numpy as np

VOCAB = 1000000
SEQ_LEN = 2048
DIM = 64
BATCH = 64

def setup_inputs(seed: int = 0) -> dict:
    key = jax.random.key(seed)
    k1, k2, k3 = jax.random.split(key, 3)
    inputs = jax.random.randint(k1, (BATCH, SEQ_LEN), 0, VOCAB, dtype=jnp.int64 if jax.config.jax_enable_x64 else jnp.int32)
    word_table = jax.random.normal(k2, (VOCAB, DIM), dtype=jnp.float32) * 0.02
    pos_table = jax.random.normal(k3, (SEQ_LEN, DIM), dtype=jnp.float32) * 0.02
    return {"inputs": inputs, "word_table": word_table, "pos_table": pos_table}

def reference(inputs, word_table, pos_table):
    # word embedding lookup: gather rows from the large table
    embedded_words = jnp.take(word_table, inputs, axis=0)          # [B, L, D]
    # position embedding lookup over range(seq_len)
    position_indices = jnp.arange(inputs.shape[-1])
    embedded_indices = jnp.take(pos_table, position_indices, axis=0)  # [L, D]
    return embedded_words + embedded_indices[None, :, :]

if __name__ == "__main__":
    import jax
    _d = setup_inputs()
    print(jax.jit(kernel)(*tuple(_d.values())))

</pallas_src>

<mosaic_0001>
#map = affine_map<(d0, d1) -> (0)>
#map1 = affine_map<(d0, d1) -> (0, 0)>
module attributes {stable_mosaic.version = 14 : i64} {
  func.func @k(%arg0: i32, %arg1: i32, %arg2: memref<131072xi32, #tpu.memory_space<hbm>>, %arg3: memref<1000000x64xf32, #tpu.memory_space<hbm>>, %arg4: memref<2048x64xf32, #tpu.memory_space<hbm>>, %arg5: memref<131072x64xf32, #tpu.memory_space<hbm>>, %arg6: memref<2x128xi32, #tpu.memory_space<vmem>>, %arg7: memref<2x128x64xf32, #tpu.memory_space<vmem>>, %arg8: memref<2x128x64xf32, #tpu.memory_space<vmem>>, %arg9: memref<!tpu.dma_semaphore, #tpu.memory_space<semaphore_mem>>, %arg10: memref<!tpu.dma_semaphore, #tpu.memory_space<semaphore_mem>>) attributes {dimension_semantics = [#tpu.dimension_semantics<core_parallel>, #tpu.dimension_semantics<subcore_parallel>], iteration_bounds = array<i64: 2, 16>, scalar_prefetch = 0 : i64, scratch_operands = 5 : i64, tpu.core_type = #tpu.core_type<sc_vector_subcore>, window_params = [{transform_indices = #map}, {transform_indices = #map1}, {transform_indices = #map1}, {transform_indices = #map1}]} {
    %mul3A = arith.constant 2 : i32
    %mul3A_0 = arith.muli %arg1, %mul3A : i32
    %add3A = arith.addi %mul3A_0, %arg0 : i32
    %mul3A_1 = arith.constant 4096 : i32
    %mul3A_2 = arith.muli %add3A, %mul3A_1 : i32
    %add3A_3 = arith.constant 0 : i32
    %add3A_4 = arith.addi %mul3A_2, %add3A_3 : i32
    %run_scoped3A = arith.constant 0 : i32
    "tpu.region"() ({
      %run_scoped3A_34 = tpu.sem_alloc : memref<!tpu.dma_semaphore, #tpu.memory_space<semaphore_mem>>
      %dma_start3A_35 = arith.constant 0 : i32
      %dma_start3A_36 = tpu.memref_slice %arg6[%run_scoped3A, %dma_start3A_35] : memref<2x128xi32, #tpu.memory_space<vmem>> -> memref<1x128xi32, #tpu.memory_space<vmem>>
      %dma_start3A_37 = tpu.memref_squeeze %dma_start3A_36 : memref<1x128xi32, #tpu.memory_space<vmem>> -> memref<128xi32, #tpu.memory_space<vmem>>
      %dma_start3A_38 = tpu.memref_slice %arg2[%add3A_4] : memref<131072xi32, #tpu.memory_space<hbm>> -> memref<128xi32, #tpu.memory_space<hbm>>
      %dma_start3A_39 = arith.constant 0 : i32
      %dma_start3A_40 = tpu.memref_slice %arg6[%run_scoped3A, %dma_start3A_39] : memref<2x128xi32, #tpu.memory_space<vmem>> -> memref<1x128xi32, #tpu.memory_space<vmem>>
      %dma_start3A_41 = tpu.memref_squeeze %dma_start3A_40 : memref<1x128xi32, #tpu.memory_space<vmem>> -> memref<128xi32, #tpu.memory_space<vmem>>
      %dma_start3A_42 = tpu.memref_slice %arg2[%add3A_4] : memref<131072xi32, #tpu.memory_space<hbm>> -> memref<128xi32, #tpu.memory_space<hbm>>
      tpu.enqueue_dma source(%dma_start3A_42 : memref<128xi32, #tpu.memory_space<hbm>>) target(%dma_start3A_41 : memref<128xi32, #tpu.memory_space<vmem>>) target_semaphore(%run_scoped3A_34 : memref<!tpu.dma_semaphore, #tpu.memory_space<semaphore_mem>>)
      %dma_wait3A = arith.constant 0 : i32
      %dma_wait3A_43 = tpu.memref_slice %arg6[%run_scoped3A, %dma_wait3A] : memref<2x128xi32, #tpu.memory_space<vmem>> -> memref<1x128xi32, #tpu.memory_space<vmem>>
      %dma_wait3A_44 = tpu.memref_squeeze %dma_wait3A_43 : memref<1x128xi32, #tpu.memory_space<vmem>> -> memref<128xi32, #tpu.memory_space<vmem>>
      %dma_wait3A_45 = tpu.memref_slice %arg2[%add3A_4] : memref<131072xi32, #tpu.memory_space<hbm>> -> memref<128xi32, #tpu.memory_space<hbm>>
      %dma_wait3A_46 = arith.constant 0 : i32
      %dma_wait3A_47 = tpu.memref_slice %arg6[%run_scoped3A, %dma_wait3A_46] : memref<2x128xi32, #tpu.memory_space<vmem>> -> memref<1x128xi32, #tpu.memory_space<vmem>>
      %dma_wait3A_48 = tpu.memref_squeeze %dma_wait3A_47 : memref<1x128xi32, #tpu.memory_space<vmem>> -> memref<128xi32, #tpu.memory_space<vmem>>
      %dma_wait3A_49 = tpu.memref_slice %arg2[%add3A_4] : memref<131072xi32, #tpu.memory_space<hbm>> -> memref<128xi32, #tpu.memory_space<hbm>>
      tpu.wait_dma2 semaphore(%run_scoped3A_34 : memref<!tpu.dma_semaphore, #tpu.memory_space<semaphore_mem>>) src(%dma_wait3A_49 : memref<128xi32, #tpu.memory_space<hbm>>) dst(%dma_wait3A_48 : memref<128xi32, #tpu.memory_space<vmem>>)
      tpu.yield
    }) : () -> ()
    %scan3A = arith.constant 0 : i32
    %scan3A_5 = arith.constant 0 : i32
    %scan3A_6 = arith.constant 8 : i32
    %scan3A_7 = arith.addi %scan3A_5, %scan3A_6 : i32
    %scan3A_8 = arith.constant 1 : i32
    %scan3A_9 = scf.for %scan3A_34 = %scan3A_5 to %scan3A_7 step %scan3A_8 iter_args(%scan3A_35 = %scan3A) -> (i32)  : i32 {
      %mul3A_36 = arith.constant 16 : i32
      %mul3A_37 = arith.muli %scan3A_34, %mul3A_36 : i32
      %get3A = arith.constant 0 : i32
      %get3A_38 = arith.index_cast %get3A : i32 to index
      %get3A_39 = arith.index_cast %mul3A_37 : i32 to index
      %get3A_40 = tpu.vector_load %arg6[%get3A_38, %get3A_39] {strides = array<i32>} : memref<2x128xi32, #tpu.memory_space<vmem>>, vector<1x16xi32>,
      %get3A_41 = vector.shape_cast %get3A_40 : vector<1x16xi32> to vector<16xi32>
      %slice3A = vector.extract_strided_slice %get3A_41 {offsets = [0], sizes = [1], strides = [1]} : vector<16xi32> to vector<1xi32>
      %squeeze3A = vector.extract %slice3A[0] : i32 from vector<1xi32>
      %mul3A_42 = arith.constant 16 : i32
      %mul3A_43 = arith.muli %scan3A_34, %mul3A_42 : i32
      %add3A_44 = arith.constant 0 : i32
      %add3A_45 = arith.addi %mul3A_43, %add3A_44 : i32
      %dma_start3A_46 = arith.constant 0 : i32
      %dma_start3A_47 = arith.constant 0 : i32
      %dma_start3A_48 = tpu.memref_slice %arg7[%dma_start3A_46, %add3A_45, %dma_start3A_47] : memref<2x128x64xf32, #tpu.memory_space<vmem>> -> memref<1x1x64xf32, #tpu.memory_space<vmem>>
      %dma_start3A_49 = tpu.memref_squeeze %dma_start3A_48 : memref<1x1x64xf32, #tpu.memory_space<vmem>> -> memref<64xf32, #tpu.memory_space<vmem>>
      %dma_start3A_50 = arith.constant 0 : i32
      %dma_start3A_51 = tpu.memref_slice %arg3[%squeeze3A, %dma_start3A_50] : memref<1000000x64xf32, #tpu.memory_space<hbm>> -> memref<1x64xf32, #tpu.memory_space<hbm>>
      %dma_start3A_52 = tpu.memref_squeeze %dma_start3A_51 : memref<1x64xf32, #tpu.memory_space<hbm>> -> memref<64xf32, #tpu.memory_space<hbm>>
      %dma_start3A_53 = arith.constant 0 : i32
      %dma_start3A_54 = tpu.memref_slice %arg7[%dma_start3A_46, %add3A_45, %dma_start3A_53] : memref<2x128x64xf32, #tpu.memory_space<vmem>> -> memref<1x1x64xf32, #tpu.memory_space<vmem>>
      %dma_start3A_55 = tpu.memref_squeeze %dma_start3A_54 : memref<1x1x64xf32, #tpu.memory_space<vmem>> -> memref<64xf32, #tpu.memory_space<vmem>>
      %dma_start3A_56 = arith.constant 0 : i32
      %dma_start3A_57 = tpu.memref_slice %arg3[%squeeze3A, %dma_start3A_56] : memref<1000000x64xf32, #tpu.memory_space<hbm>> -> memref<1x64xf32, #tpu.memory_space<hbm>>
      %dma_start3A_58 = tpu.memref_squeeze %dma_start3A_57 : memref<1x64xf32, #tpu.memory_space<hbm>> -> memref<64xf32, #tpu.memory_space<hbm>>
      tpu.enqueue_dma source(%dma_start3A_58 : memref<64xf32, #tpu.memory_space<hbm>>) target(%dma_start3A_55 : memref<64xf32, #tpu.memory_space<vmem>>) target_semaphore(%arg9 : memref<!tpu.dma_semaphore, #tpu.memory_space<semaphore_mem>>)
      %slice3A_59 = vector.extract_strided_slice %get3A_41 {offsets = [1], sizes = [1], strides = [1]} : vector<16xi32> to vector<1xi32>
      %squeeze3A_60 = vector.extract %slice3A_59[0] : i32 from vector<1xi32>
      %mul3A_61 = arith.constant 16 : i32
      %mul3A_62 = arith.muli %scan3A_34, %mul3A_61 : i32
      %add3A_63 = arith.constant 1 : i32
      %add3A_64 = arith.addi %mul3A_62, %add3A_63 : i32
      %dma_start3A_65 = arith.constant 0 : i32
      %dma_start3A_66 = arith.constant 0 : i32
      %dma_start3A_67 = tpu.memref_slice %arg7[%dma_start3A_65, %add3A_64, %dma_start3A_66] : memref<2x128x64xf32, #tpu.memory_space<vmem>> -> memref<1x1x64xf32, #tpu.memory_space<vmem>>
      %dma_start3A_68 = tpu.memref_squeeze %dma_start3A_67 : memref<1x1x64xf32, #tpu.memory_space<vmem>> -> memref<64xf32, #tpu.memory_space<vmem>>
      %dma_start3A_69 = arith.constant 0 : i32
      %dma_start3A_70 = tpu.memref_slice %arg3[%squeeze3A_60, %dma_start3A_69] : memref<1000000x64xf32, #tpu.memory_space<hbm>> -> memref<1x64xf32, #tpu.memory_space<hbm>>
      %dma_start3A_71 = tpu.memref_squeeze %dma_start3A_70 : memref<1x64xf32, #tpu.memory_space<hbm>> -> memref<64xf32, #tpu.memory_space<hbm>>
      %dma_start3A_72 = arith.constant 0 : i32
      %dma_start3A_73 = tpu.memref_slice %arg7[%dma_start3A_65, %add3A_64, %dma_start3A_72] : memref<2x128x64xf32, #tpu.memory_space<vmem>> -> memref<1x1x64xf32, #tpu.memory_space<vmem>>
      %dma_start3A_74 = tpu.memref_squeeze %dma_start3A_73 : memref<1x1x64xf32, #tpu.memory_space<vmem>> -> memref<64xf32, #tpu.memory_space<vmem>>
      %dma_start3A_75 = arith.constant 0 : i32
      %dma_start3A_76 = tpu.memref_slice %arg3[%squeeze3A_60, %dma_start3A_75] : memref<1000000x64xf32, #tpu.memory_space<hbm>> -> memref<1x64xf32, #tpu.memory_space<hbm>>
      %dma_start3A_77 = tpu.memref_squeeze %dma_start3A_76 : memref<1x64xf32, #tpu.memory_space<hbm>> -> memref<64xf32, #tpu.memory_space<hbm>>
      tpu.enqueue_dma source(%dma_start3A_77 : memref<64xf32, #tpu.memory_space<hbm>>) target(%dma_start3A_74 : memref<64xf32, #tpu.memory_space<vmem>>) target_semaphore(%arg9 : memref<!tpu.dma_semaphore, #tpu.memory_space<semaphore_mem>>)
      %slice3A_78 = vector.extract_strided_slice %get3A_41 {offsets = [2], sizes = [1], strides = [1]} : vector<16xi32> to vector<1xi32>
      %squeeze3A_79 = vector.extract %slice3A_78[0] : i32 from vector<1xi32>
      %mul3A_80 = arith.constant 16 : i32
      %mul3A_81 = arith.muli %scan3A_34, %mul3A_80 : i32
      %add3A_82 = arith.constant 2 : i32
      %add3A_83 = arith.addi %mul3A_81, %add3A_82 : i32
      %dma_start3A_84 = arith.constant 0 : i32
      %dma_start3A_85 = arith.constant 0 : i32
      %dma_start3A_86 = tpu.memref_slice %arg7[%dma_start3A_84, %add3A_83, %dma_start3A_85] : memref<2x128x64xf32, #tpu.memory_space<vmem>> -> memref<1x1x64xf32, #tpu.memory_space<vmem>>
      %dma_start3A_87 = tpu.memref_squeeze %dma_start3A_86 : memref<1x1x64xf32, #tpu.memory_space<vmem>> -> memref<64xf32, #tpu.memory_space<vmem>>
      %dma_start3A_88 = arith.constant 0 : i32
      %dma_start3A_89 = tpu.memref_slice %arg3[%squeeze3A_79, %dma_start3A_88] : memref<1000000x64xf32, #tpu.memory_space<hbm>> -> memref<1x64xf32, #tpu.memory_space<hbm>>
      %dma_start3A_90 = tpu.memref_squeeze %dma_start3A_89 : memref<1x64xf32, #tpu.memory_space<hbm>> -> memref<64xf32, #tpu.memory_space<hbm>>
      %dma_start3A_91 = arith.constant 0 : i32
      %dma_start3A_92 = tpu.memref_slice %arg7[%dma_start3A_84, %add3A_83, %dma_start3A_91] : memref<2x128x64xf32, #tpu.memory_space<vmem>> -> memref<1x1x64xf32, #tpu.memory_space<vmem>>
      %dma_start3A_93 = tpu.memref_squeeze %dma_start3A_92 : memref<1x1x64xf32, #tpu.memory_space<vmem>> -> memref<64xf32, #tpu.memory_space<vmem>>
      %dma_start3A_94 = arith.constant 0 : i32
      %dma_start3A_95 = tpu.memref_slice %arg3[%squeeze3A_79, %dma_start3A_94] : memref<1000000x64xf32, #tpu.memory_space<hbm>> -> memref<1x64xf32, #tpu.memory_space<hbm>>
      %dma_start3A_96 = tpu.memref_squeeze %dma_start3A_95 : memref<1x64xf32, #tpu.memory_space<hbm>> -> memref<64xf32, #tpu.memory_space<hbm>>
      tpu.enqueue_dma source(%dma_start3A_96 : memref<64xf32, #tpu.memory_space<hbm>>) target(%dma_start3A_93 : memref<64xf32, #tpu.memory_space<vmem>>) target_semaphore(%arg9 : memref<!tpu.dma_semaphore, #tpu.memory_space<semaphore_mem>>)
      %slice3A_97 = vector.extract_strided_slice %get3A_41 {offsets = [3], sizes = [1], strides = [1]} : vector<16xi32> to vector<1xi32>
      %squeeze3A_98 = vector.extract %slice3A_97[0] : i32 from vector<1xi32>
      %mul3A_99 = arith.constant 16 : i32
      %mul3A_100 = arith.muli %scan3A_34, %mul3A_99 : i32
      %add3A_101 = arith.constant 3 : i32
      %add3A_102 = arith.addi %mul3A_100, %add3A_101 : i32
      %dma_start3A_103 = arith.constant 0 : i32
      %dma_start3A_104 = arith.constant 0 : i32
      %dma_start3A_105 = tpu.memref_slice %arg7[%dma_start3A_103, %add3A_102, %dma_start3A_104] : memref<2x128x64xf32, #tpu.memory_space<vmem>> -> memref<1x1x64xf32, #tpu.memory_space<vmem>>
      %dma_start3A_106 = tpu.memref_squeeze %dma_start3A_105 : memref<1x1x64xf32, #tpu.memory_space<vmem>> -> memref<64xf32, #tpu.memory_space<vmem>>
      %dma_start3A_107 = arith.constant 0 : i32
      %dma_start3A_108 = tpu.memref_slice %arg3[%squeeze3A_98, %dma_start3A_107] : memref<1000000x64xf32, #tpu.memory_space<hbm>> -> memref<1x64xf32, #tpu.memory_space<hbm>>
      %dma_start3A_109 = tpu.memref_squeeze %dma_start3A_108 : memref<1x64xf32, #tpu.memory_space<hbm>> -> memref<64xf32, #tpu.memory_space<hbm>>
      %dma_start3A_110 = arith.constant 0 : i32
      %dma_start3A_111 = tpu.memref_slice %arg7[%dma_start3A_103, %add3A_102, %dma_start3A_110] : memref<2x128x64xf32, #tpu.memory_space<vmem>> -> memref<1x1x64xf32, #tpu.memory_space<vmem>>
      %dma_start3A_112 = tpu.memref_squeeze %dma_start3A_111 : memref<1x1x64xf32, #tpu.memory_space<vmem>> -> memref<64xf32, #tpu.memory_space<vmem>>
      %dma_start3A_113 = arith.constant 0 : i32
      %dma_start3A_114 = tpu.memref_slice %arg3[%squeeze3A_98, %dma_start3A_113] : memref<1000000x64xf32, #tpu.memory_space<hbm>> -> memref<1x64xf32, #tpu.memory_space<hbm>>
      %dma_start3A_115 = tpu.memref_squeeze %dma_start3A_114 : memref<1x64xf32, #tpu.memory_space<hbm>> -> memref<64xf32, #tpu.memory_space<hbm>>
      tpu.enqueue_dma source(%dma_start3A_115 : memref<64xf32, #tpu.memory_space<hbm>>) target(%dma_start3A_112 : memref<64xf32, #tpu.memory_space<vmem>>) target_semaphore(%arg9 : memref<!tpu.dma_semaphore, #tpu.memory_space<semaphore_mem>>)
      %slice3A_116 = vector.extract_strided_slice %get3A_41 {offsets = [4], sizes = [1], strides = [1]} : vector<16xi32> to vector<1xi32>
      %squeeze3A_117 = vector.extract %slice3A_116[0] : i32 from vector<1xi32>
      %mul3A_118 = arith.constant 16 : i32
      %mul3A_119 = arith.muli %scan3A_34, %mul3A_118 : i32
      %add3A_120 = arith.constant 4 : i32
      %add3A_121 = arith.addi %mul3A_119, %add3A_120 : i32
      %dma_start3A_122 = arith.constant 0 : i32
      %dma_start3A_123 = arith.constant 0 : i32
      %dma_start3A_124 = tpu.memref_slice %arg7[%dma_start3A_122, %add3A_121, %dma_start3A_123] : memref<2x128x64xf32, #tpu.memory_space<vmem>> -> memref<1x1x64xf32, #tpu.memory_space<vmem>>
      %dma_start3A_125 = tpu.memref_squeeze %dma_start3A_124 : memref<1x1x64xf32, #tpu.memory_space<vmem>> -> memref<64xf32, #tpu.memory_space<vmem>>
      %dma_start3A_126 = arith.constant 0 : i32
      %dma_start3A_127 = tpu.memref_slice %arg3[%squeeze3A_117, %dma_start3A_126] : memref<1000000x64xf32, #tpu.memory_space<hbm>> -> memref<1x64xf32, #tpu.memory_space<hbm>>
      %dma_start3A_128 = tpu.memref_squeeze %dma_start3A_127 : memref<1x64xf32, #tpu.memory_space<hbm>> -> memref<64xf32, #tpu.memory_space<hbm>>
      %dma_start3A_129 = arith.constant 0 : i32
      %dma_start3A_130 = tpu.memref_slice %arg7[%dma_start3A_122, %add3A_121, %dma_start3A_129] : memref<2x128x64xf32, #tpu.memory_space<vmem>> -> memref<1x1x64xf32, #tpu.memory_space<vmem>>
      %dma_start3A_131 = tpu.memref_squeeze %dma_start3A_130 : memref<1x1x64xf32, #tpu.memory_space<vmem>> -> memref<64xf32, #tpu.memory_space<vmem>>
      %dma_start3A_132 = arith.constant 0 : i32
      %dma_start3A_133 = tpu.memref_slice %arg3[%squeeze3A_117, %dma_start3A_132] : memref<1000000x64xf32, #tpu.memory_space<hbm>> -> memref<1x64xf32, #tpu.memory_space<hbm>>
      %dma_start3A_134 = tpu.memref_squeeze %dma_start3A_133 : memref<1x64xf32, #tpu.memory_space<hbm>> -> memref<64xf32, #tpu.memory_space<hbm>>
      tpu.enqueue_dma source(%dma_start3A_134 : memref<64xf32, #tpu.memory_space<hbm>>) target(%dma_start3A_131 : memref<64xf32, #tpu.memory_space<vmem>>) target_semaphore(%arg9 : memref<!tpu.dma_semaphore, #tpu.memory_space<semaphore_mem>>)
      %slice3A_135 = vector.extract_strided_slice %get3A_41 {offsets = [5], sizes = [1], strides = [1]} : vector<16xi32> to vector<1xi32>
      %squeeze3A_136 = vector.extract %slice3A_135[0] : i32 from vector<1xi32>
      %mul3A_137 = arith.constant 16 : i32
      %mul3A_138 = arith.muli %scan3A_34, %mul3A_137 : i32
      %add3A_139 = arith.constant 5 : i32
      %add3A_140 = arith.addi %mul3A_138, %add3A_139 : i32
      %dma_start3A_141 = arith.constant 0 : i32
      %dma_start3A_142 = arith.constant 0 : i32
      %dma_start3A_143 = tpu.memref_slice %arg7[%dma_start3A_141, %add3A_140, %dma_start3A_142] : memref<2x128x64xf32, #tpu.memory_space<vmem>> -> memref<1x1x64xf32, #tpu.memory_space<vmem>>
      %dma_start3A_144 = tpu.memref_squeeze %dma_start3A_143 : memref<1x1x64xf32, #tpu.memory_space<vmem>> -> memref<64xf32, #tpu.memory_space<vmem>>
      %dma_start3A_145 = arith.constant 0 : i32
      %dma_start3A_146 = tpu.memref_slice %arg3[%squeeze3A_136, %dma_start3A_145] : memref<1000000x64xf32, #tpu.memory_space<hbm>> -> memref<1x64xf32, #tpu.memory_space<hbm>>
      %dma_start3A_147 = tpu.memref_squeeze %dma_start3A_146 : memref<1x64xf32, #tpu.memory_space<hbm>> -> memref<64xf32, #tpu.memory_space<hbm>>
      %dma_start3A_148 = arith.constant 0 : i32
      %dma_start3A_149 = tpu.memref_slice %arg7[%dma_start3A_141, %add3A_140, %dma_start3A_148] : memref<2x128x64xf32, #tpu.memory_space<vmem>> -> memref<1x1x64xf32, #tpu.memory_space<vmem>>
      %dma_start3A_150 = tpu.memref_squeeze %dma_start3A_149 : memref<1x1x64xf32, #tpu.memory_space<vmem>> -> memref<64xf32, #tpu.memory_space<vmem>>
      %dma_start3A_151 = arith.constant 0 : i32
      %dma_start3A_152 = tpu.memref_slice %arg3[%squeeze3A_136, %dma_start3A_151] : memref<1000000x64xf32, #tpu.memory_space<hbm>> -> memref<1x64xf32, #tpu.memory_space<hbm>>
      %dma_start3A_153 = tpu.memref_squeeze %dma_start3A_152 : memref<1x64xf32, #tpu.memory_space<hbm>> -> memref<64xf32, #tpu.memory_space<hbm>>
      tpu.enqueue_dma source(%dma_start3A_153 : memref<64xf32, #tpu.memory_space<hbm>>) target(%dma_start3A_150 : memref<64xf32, #tpu.memory_space<vmem>>) target_semaphore(%arg9 : memref<!tpu.dma_semaphore, #tpu.memory_space<semaphore_mem>>)
      %slice3A_154 = vector.extract_strided_slice %get3A_41 {offsets = [6], sizes = [1], strides = [1]} : vector<16xi32> to vector<1xi32>
      %squeeze3A_155 = vector.extract %slice3A_154[0] : i32 from vector<1xi32>
      %mul3A_156 = arith.constant 16 : i32
      %mul3A_157 = arith.muli %scan3A_34, %mul3A_156 : i32
      %add3A_158 = arith.constant 6 : i32
      %add3A_159 = arith.addi %mul3A_157, %add3A_158 : i32
      %dma_start3A_160 = arith.constant 0 : i32
      %dma_start3A_161 = arith.constant 0 : i32
      %dma_start3A_162 = tpu.memref_slice %arg7[%dma_start3A_160, %add3A_159, %dma_start3A_161] : memref<2x128x64xf32, #tpu.memory_space<vmem>> -> memref<1x1x64xf32, #tpu.memory_space<vmem>>
      %dma_start3A_163 = tpu.memref_squeeze %dma_start3A_162 : memref<1x1x64xf32, #tpu.memory_space<vmem>> -> memref<64xf32, #tpu.memory_space<vmem>>
      %dma_start3A_164 = arith.constant 0 : i32
      %dma_start3A_165 = tpu.memref_slice %arg3[%squeeze3A_155, %dma_start3A_164] : memref<1000000x64xf32, #tpu.memory_space<hbm>> -> memref<1x64xf32, #tpu.memory_space<hbm>>
      %dma_start3A_166 = tpu.memref_squeeze %dma_start3A_165 : memref<1x64xf32, #tpu.memory_space<hbm>> -> memref<64xf32, #tpu.memory_space<hbm>>
      %dma_start3A_167 = arith.constant 0 : i32
      %dma_start3A_168 = tpu.memref_slice %arg7[%dma_start3A_160, %add3A_159, %dma_start3A_167] : memref<2x128x64xf32, #tpu.memory_space<vmem>> -> memref<1x1x64xf32, #tpu.memory_space<vmem>>
      %dma_start3A_169 = tpu.memref_squeeze %dma_start3A_168 : memref<1x1x64xf32, #tpu.memory_space<vmem>> -> memref<64xf32, #tpu.memory_space<vmem>>
      %dma_start3A_170 = arith.constant 0 : i32
      %dma_start3A_171 = tpu.memref_slice %arg3[%squeeze3A_155, %dma_start3A_170] : memref<1000000x64xf32, #tpu.memory_space<hbm>> -> memref<1x64xf32, #tpu.memory_space<hbm>>
      %dma_start3A_172 = tpu.memref_squeeze %dma_start3A_171 : memref<1x64xf32, #tpu.memory_space<hbm>> -> memref<64xf32, #tpu.memory_space<hbm>>
      tpu.enqueue_dma source(%dma_start3A_172 : memref<64xf32, #tpu.memory_space<hbm>>) target(%dma_start3A_169 : memref<64xf32, #tpu.memory_space<vmem>>) target_semaphore(%arg9 : memref<!tpu.dma_semaphore, #tpu.memory_space<semaphore_mem>>)
      %slice3A_173 = vector.extract_strided_slice %get3A_41 {offsets = [7], sizes = [1], strides = [1]} : vector<16xi32> to vector<1xi32>
      %squeeze3A_174 = vector.extract %slice3A_173[0] : i32 from vector<1xi32>
      %mul3A_175 = arith.constant 16 : i32
      %mul3A_176 = arith.muli %scan3A_34, %mul3A_175 : i32
      %add3A_177 = arith.constant 7 : i32
      %add3A_178 = arith.addi %mul3A_176, %add3A_177 : i32
      %dma_start3A_179 = arith.constant 0 : i32
      %dma_start3A_180 = arith.constant 0 : i32
      %dma_start3A_181 = tpu.memref_slice %arg7[%dma_start3A_179, %add3A_178, %dma_start3A_180] : memref<2x128x64xf32, #tpu.memory_space<vmem>> -> memref<1x1x64xf32, #tpu.memory_space<vmem>>
      %dma_start3A_182 = tpu.memref_squeeze %dma_start3A_181 : memref<1x1x64xf32, #tpu.memory_space<vmem>> -> memref<64xf32, #tpu.memory_space<vmem>>
      %dma_start3A_183 = arith.constant 0 : i32
      %dma_start3A_184 = tpu.memref_slice %arg3[%squeeze3A_174, %dma_start3A_183] : memref<1000000x64xf32, #tpu.memory_space<hbm>> -> memref<1x64xf32, #tpu.memory_space<hbm>>
      %dma_start3A_185 = tpu.memref_squeeze %dma_start3A_184 : memref<1x64xf32, #tpu.memory_space<hbm>> -> memref<64xf32, #tpu.memory_space<hbm>>
      %dma_start3A_186 = arith.constant 0 : i32
      %dma_start3A_187 = tpu.memref_slice %arg7[%dma_start3A_179, %add3A_178, %dma_start3A_186] : memref<2x128x64xf32, #tpu.memory_space<vmem>> -> memref<1x1x64xf32, #tpu.memory_space<vmem>>
      %dma_start3A_188 = tpu.memref_squeeze %dma_start3A_187 : memref<1x1x64xf32, #tpu.memory_space<vmem>> -> memref<64xf32, #tpu.memory_space<vmem>>
      %dma_start3A_189 = arith.constant 0 : i32
      %dma_start3A_190 = tpu.memref_slice %arg3[%squeeze3A_174, %dma_start3A_189] : memref<1000000x64xf32, #tpu.memory_space<hbm>> -> memref<1x64xf32, #tpu.memory_space<hbm>>
      %dma_start3A_191 = tpu.memref_squeeze %dma_start3A_190 : memref<1x64xf32, #tpu.memory_space<hbm>> -> memref<64xf32, #tpu.memory_space<hbm>>
      tpu.enqueue_dma source(%dma_start3A_191 : memref<64xf32, #tpu.memory_space<hbm>>) target(%dma_start3A_188 : memref<64xf32, #tpu.memory_space<vmem>>) target_semaphore(%arg9 : memref<!tpu.dma_semaphore, #tpu.memory_space<semaphore_mem>>)
      %slice3A_192 = vector.extract_strided_slice %get3A_41 {offsets = [8], sizes = [1], strides = [1]} : vector<16xi32> to vector<1xi32>
      %squeeze3A_193 = vector.extract %slice3A_192[0] : i32 from vector<1xi32>
      %mul3A_194 = arith.constant 16 : i32
      %mul3A_195 = arith.muli %scan3A_34, %mul3A_194 : i32
      %add3A_196 = arith.constant 8 : i32
      %add3A_197 = arith.addi %mul3A_195, %add3A_196 : i32
      %dma_start3A_198 = arith.constant 0 : i32
      %dma_start3A_199 = arith.constant 0 : i32
      %dma_start3A_200 = tpu.memref_slice %arg7[%dma_start3A_198, %add3A_197, %dma_start3A_199] : memref<2x128x64xf32, #tpu.memory_space<vmem>> -> memref<1x1x64xf32, #tpu.memory_space<vmem>>
      %dma_start3A_201 = tpu.memref_squeeze %dma_start3A_200 : memref<1x1x64xf32, #tpu.memory_space<vmem>> -> memref<64xf32, #tpu.memory_space<vmem>>
      %dma_start3A_202 = arith.constant 0 : i32
      %dma_start3A_203 = tpu.memref_slice %arg3[%squeeze3A_193, %dma_start3A_202] : memref<1000000x64xf32, #tpu.memory_space<hbm>> -> memref<1x64xf32, #tpu.memory_space<hbm>>
      %dma_start3A_204 = tpu.memref_squeeze %dma_start3A_203 : memref<1x64xf32, #tpu.memory_space<hbm>> -> memref<64xf32, #tpu.memory_space<hbm>>
      %dma_start3A_205 = arith.constant 0 : i32
      %dma_start3A_206 = tpu.memref_slice %arg7[%dma_start3A_198, %add3A_197, %dma_start3A_205] : memref<2x128x64xf32, #tpu.memory_space<vmem>> -> memref<1x1x64xf32, #tpu.memory_space<vmem>>
      %dma_start3A_207 = tpu.memref_squeeze %dma_start3A_206 : memref<1x1x64xf32, #tpu.memory_space<vmem>> -> memref<64xf32, #tpu.memory_space<vmem>>
      %dma_start3A_208 = arith.constant 0 : i32
      %dma_start3A_209 = tpu.memref_slice %arg3[%squeeze3A_193, %dma_start3A_208] : memref<1000000x64xf32, #tpu.memory_space<hbm>> -> memref<1x64xf32, #tpu.memory_space<hbm>>
      %dma_start3A_210 = tpu.memref_squeeze %dma_start3A_209 : memref<1x64xf32, #tpu.memory_space<hbm>> -> memref<64xf32, #tpu.memory_space<hbm>>
      tpu.enqueue_dma source(%dma_start3A_210 : memref<64xf32, #tpu.memory_space<hbm>>) target(%dma_start3A_207 : memref<64xf32, #tpu.memory_space<vmem>>) target_semaphore(%arg9 : memref<!tpu.dma_semaphore, #tpu.memory_space<semaphore_mem>>)
      %slice3A_211 = vector.extract_strided_slice %get3A_41 {offsets = [9], sizes = [1], strides = [1]} : vector<16xi32> to vector<1xi32>
      %squeeze3A_212 = vector.extract %slice3A_211[0] : i32 from vector<1xi32>
      %mul3A_213 = arith.constant 16 : i32
      %mul3A_214 = arith.muli %scan3A_34, %mul3A_213 : i32
      %add3A_215 = arith.constant 9 : i32
      %add3A_216 = arith.addi %mul3A_214, %add3A_215 : i32
      %dma_start3A_217 = arith.constant 0 : i32
      %dma_start3A_218 = arith.constant 0 : i32
      %dma_start3A_219 = tpu.memref_slice %arg7[%dma_start3A_217, %add3A_216, %dma_start3A_218] : memref<2x128x64xf32, #tpu.memory_space<vmem>> -> memref<1x1x64xf32, #tpu.memory_space<vmem>>
      %dma_start3A_220 = tpu.memref_squeeze %dma_start3A_219 : memref<1x1x64xf32, #tpu.memory_space<vmem>> -> memref<64xf32, #tpu.memory_space<vmem>>
      %dma_start3A_221 = arith.constant 0 : i32
      %dma_start3A_222 = tpu.memref_slice %arg3[%squeeze3A_212, %dma_start3A_221] : memref<1000000x64xf32, #tpu.memory_space<hbm>> -> memref<1x64xf32, #tpu.memory_space<hbm>>
      %dma_start3A_223 = tpu.memref_squeeze %dma_start3A_222 : memref<1x64xf32, #tpu.memory_space<hbm>> -> memref<64xf32, #tpu.memory_space<hbm>>
      %dma_start3A_224 = arith.constant 0 : i32
      %dma_start3A_225 = tpu.memref_slice %arg7[%dma_start3A_217, %add3A_216, %dma_start3A_224] : memref<2x128x64xf32, #tpu.memory_space<vmem>> -> memref<1x1x64xf32, #tpu.memory_space<vmem>>
      %dma_start3A_226 = tpu.memref_squeeze %dma_start3A_225 : memref<1x1x64xf32, #tpu.memory_space<vmem>> -> memref<64xf32, #tpu.memory_space<vmem>>
      %dma_start3A_227 = arith.constant 0 : i32
      %dma_start3A_228 = tpu.memref_slice %arg3[%squeeze3A_212, %dma_start3A_227] : memref<1000000x64xf32, #tpu.memory_space<hbm>> -> memref<1x64xf32, #tpu.memory_space<hbm>>
      %dma_start3A_229 = tpu.memref_squeeze %dma_start3A_228 : memref<1x64xf32, #tpu.memory_space<hbm>> -> memref<64xf32, #tpu.memory_space<hbm>>
      tpu.enqueue_dma source(%dma_start3A_229 : memref<64xf32, #tpu.memory_space<hbm>>) target(%dma_start3A_226 : memref<64xf32, #tpu.memory_space<vmem>>) target_semaphore(%arg9 : memref<!tpu.dma_semaphore, #tpu.memory_space<semaphore_mem>>)
      %slice3A_230 = vector.extract_strided_slice %get3A_41 {offsets = [10], sizes = [1], strides = [1]} : vector<16xi32> to vector<1xi32>
      %squeeze3A_231 = vector.extract %slice3A_230[0] : i32 from vector<1xi32>
      %mul3A_232 = arith.constant 16 : i32
      %mul3A_233 = arith.muli %scan3A_34, %mul3A_232 : i32
      %add3A_234 = arith.constant 10 : i32
      %add3A_235 = arith.addi %mul3A_233, %add3A_234 : i32
      %dma_start3A_236 = arith.constant 0 : i32
      %dma_start3A_237 = arith.constant 0 : i32
      %dma_start3A_238 = tpu.memref_slice %arg7[%dma_start3A_236, %add3A_235, %dma_start3A_237] : memref<2x128x64xf32, #tpu.memory_space<vmem>> -> memref<1x1x64xf32, #tpu.memory_space<vmem>>
      %dma_start3A_239 = tpu.memref_squeeze %dma_start3A_238 : memref<1x1x64xf32, #tpu.memory_space<vmem>> -> memref<64xf32, #tpu.memory_space<vmem>>
      %dma_start3A_240 = arith.constant 0 : i32
      %dma_start3A_241 = tpu.memref_slice %arg3[%squeeze3A_231, %dma_start3A_240] : memref<1000000x64xf32, #tpu.memory_space<hbm>> -> memref<1x64xf32, #tpu.memory_space<hbm>>
      %dma_start3A_242 = tpu.memref_squeeze %dma_start3A_241 : memref<1x64xf32, #tpu.memory_space<hbm>> -> memref<64xf32, #tpu.memory_space<hbm>>
      %dma_start3A_243 = arith.constant 0 : i32
      %dma_start3A_244 = tpu.memref_slice %arg7[%dma_start3A_236, %add3A_235, %dma_start3A_243] : memref<2x128x64xf32, #tpu.memory_space<vmem>> -> memref<1x1x64xf32, #tpu.memory_space<vmem>>
      %dma_start3A_245 = tpu.memref_squeeze %dma_start3A_244 : memref<1x1x64xf32, #tpu.memory_space<vmem>> -> memref<64xf32, #tpu.memory_space<vmem>>
      %dma_start3A_246 = arith.constant 0 : i32
      %dma_start3A_247 = tpu.memref_slice %arg3[%squeeze3A_231, %dma_start3A_246] : memref<1000000x64xf32, #tpu.memory_space<hbm>> -> memref<1x64xf32, #tpu.memory_space<hbm>>
      %dma_start3A_248 = tpu.memref_squeeze %dma_start3A_247 : memref<1x64xf32, #tpu.memory_space<hbm>> -> memref<64xf32, #tpu.memory_space<hbm>>
      tpu.enqueue_dma source(%dma_start3A_248 : memref<64xf32, #tpu.memory_space<hbm>>) target(%dma_start3A_245 : memref<64xf32, #tpu.memory_space<vmem>>) target_semaphore(%arg9 : memref<!tpu.dma_semaphore, #tpu.memory_space<semaphore_mem>>)
      %slice3A_249 = vector.extract_strided_slice %get3A_41 {offsets = [11], sizes = [1], strides = [1]} : vector<16xi32> to vector<1xi32>
      %squeeze3A_250 = vector.extract %slice3A_249[0] : i32 from vector<1xi32>
      %mul3A_251 = arith.constant 16 : i32
      %mul3A_252 = arith.muli %scan3A_34, %mul3A_251 : i32
      %add3A_253 = arith.constant 11 : i32
      %add3A_254 = arith.addi %mul3A_252, %add3A_253 : i32
      %dma_start3A_255 = arith.constant 0 : i32
      %dma_start3A_256 = arith.constant 0 : i32
      %dma_start3A_257 = tpu.memref_slice %arg7[%dma_start3A_255, %add3A_254, %dma_start3A_256] : memref<2x128x64xf32, #tpu.memory_space<vmem>> -> memref<1x1x64xf32, #tpu.memory_space<vmem>>
      %dma_start3A_258 = tpu.memref_squeeze %dma_start3A_257 : memref<1x1x64xf32, #tpu.memory_space<vmem>> -> memref<64xf32, #tpu.memory_space<vmem>>
      %dma_start3A_259 = arith.constant 0 : i32
      %dma_start3A_260 = tpu.memref_slice %arg3[%squeeze3A_250, %dma_start3A_259] : memref<1000000x64xf32, #tpu.memory_space<hbm>> -> memref<1x64xf32, #tpu.memory_space<hbm>>
      %dma_start3A_261 = tpu.memref_squeeze %dma_start3A_260 : memref<1x64xf32, #tpu.memory_space<hbm>> -> memref<64xf32, #tpu.memory_space<hbm>>
      %dma_start3A_262 = arith.constant 0 : i32
      %dma_start3A_263 = tpu.memref_slice %arg7[%dma_start3A_255, %add3A_254, %dma_start3A_262] : memref<2x128x64xf32, #tpu.memory_space<vmem>> -> memref<1x1x64xf32, #tpu.memory_space<vmem>>
      %dma_start3A_264 = tpu.memref_squeeze %dma_start3A_263 : memref<1x1x64xf32, #tpu.memory_space<vmem>> -> memref<64xf32, #tpu.memory_space<vmem>>
      %dma_start3A_265 = arith.constant 0 : i32
      %dma_start3A_266 = tpu.memref_slice %arg3[%squeeze3A_250, %dma_start3A_265] : memref<1000000x64xf32, #tpu.memory_space<hbm>> -> memref<1x64xf32, #tpu.memory_space<hbm>>
      %dma_start3A_267 = tpu.memref_squeeze %dma_start3A_266 : memref<1x64xf32, #tpu.memory_space<hbm>> -> memref<64xf32, #tpu.memory_space<hbm>>
      tpu.enqueue_dma source(%dma_start3A_267 : memref<64xf32, #tpu.memory_space<hbm>>) target(%dma_start3A_264 : memref<64xf32, #tpu.memory_space<vmem>>) target_semaphore(%arg9 : memref<!tpu.dma_semaphore, #tpu.memory_space<semaphore_mem>>)
      %slice3A_268 = vector.extract_strided_slice %get3A_41 {offsets = [12], sizes = [1], strides = [1]} : vector<16xi32> to vector<1xi32>
      %squeeze3A_269 = vector.extract %slice3A_268[0] : i32 from vector<1xi32>
      %mul3A_270 = arith.constant 16 : i32
      %mul3A_271 = arith.muli %scan3A_34, %mul3A_270 : i32
      %add3A_272 = arith.constant 12 : i32
      %add3A_273 = arith.addi %mul3A_271, %add3A_272 : i32
      %dma_start3A_274 = arith.constant 0 : i32
      %dma_start3A_275 = arith.constant 0 : i32
      %dma_start3A_276 = tpu.memref_slice %arg7[%dma_start3A_274, %add3A_273, %dma_start3A_275] : memref<2x128x64xf32, #tpu.memory_space<vmem>> -> memref<1x1x64xf32, #tpu.memory_space<vmem>>
      %dma_start3A_277 = tpu.memref_squeeze %dma_start3A_276 : memref<1x1x64xf32, #tpu.memory_space<vmem>> -> memref<64xf32, #tpu.memory_space<vmem>>
      %dma_start3A_278 = arith.constant 0 : i32
      %dma_start3A_279 = tpu.memref_slice %arg3[%squeeze3A_269, %dma_start3A_278] : memref<1000000x64xf32, #tpu.memory_space<hbm>> -> memref<1x64xf32, #tpu.memory_space<hbm>>
      %dma_start3A_280 = tpu.memref_squeeze %dma_start3A_279 : memref<1x64xf32, #tpu.memory_space<hbm>> -> memref<64xf32, #tpu.memory_space<hbm>>
      %dma_start3A_281 = arith.constant 0 : i32
      %dma_start3A_282 = tpu.memref_slice %arg7[%dma_start3A_274, %add3A_273, %dma_start3A_281] : memref<2x128x64xf32, #tpu.memory_space<vmem>> -> memref<1x1x64xf32, #tpu.memory_space<vmem>>
      %dma_start3A_283 = tpu.memref_squeeze %dma_start3A_282 : memref<1x1x64xf32, #tpu.memory_space<vmem>> -> memref<64xf32, #tpu.memory_space<vmem>>
      %dma_start3A_284 = arith.constant 0 : i32
      %dma_start3A_285 = tpu.memref_slice %arg3[%squeeze3A_269, %dma_start3A_284] : memref<1000000x64xf32, #tpu.memory_space<hbm>> -> memref<1x64xf32, #tpu.memory_space<hbm>>
      %dma_start3A_286 = tpu.memref_squeeze %dma_start3A_285 : memref<1x64xf32, #tpu.memory_space<hbm>> -> memref<64xf32, #tpu.memory_space<hbm>>
      tpu.enqueue_dma source(%dma_start3A_286 : memref<64xf32, #tpu.memory_space<hbm>>) target(%dma_start3A_283 : memref<64xf32, #tpu.memory_space<vmem>>) target_semaphore(%arg9 : memref<!tpu.dma_semaphore, #tpu.memory_space<semaphore_mem>>)
      %slice3A_287 = vector.extract_strided_slice %get3A_41 {offsets = [13], sizes = [1], strides = [1]} : vector<16xi32> to vector<1xi32>
      %squeeze3A_288 = vector.extract %slice3A_287[0] : i32 from vector<1xi32>
      %mul3A_289 = arith.constant 16 : i32
      %mul3A_290 = arith.muli %scan3A_34, %mul3A_289 : i32
      %add3A_291 = arith.constant 13 : i32
      %add3A_292 = arith.addi %mul3A_290, %add3A_291 : i32
      %dma_start3A_293 = arith.constant 0 : i32
      %dma_start3A_294 = arith.constant 0 : i32
      %dma_start3A_295 = tpu.memref_slice %arg7[%dma_start3A_293, %add3A_292, %dma_start3A_294] : memref<2x128x64xf32, #tpu.memory_space<vmem>> -> memref<1x1x64xf32, #tpu.memory_space<vmem>>
      %dma_start3A_296 = tpu.memref_squeeze %dma_start3A_295 : memref<1x1x64xf32, #tpu.memory_space<vmem>> -> memref<64xf32, #tpu.memory_space<vmem>>
      %dma_start3A_297 = arith.constant 0 : i32
      %dma_start3A_298 = tpu.memref_slice %arg3[%squeeze3A_288, %dma_start3A_297] : memref<1000000x64xf32, #tpu.memory_space<hbm>> -> memref<1x64xf32, #tpu.memory_space<hbm>>
      %dma_start3A_299 = tpu.memref_squeeze %dma_start3A_298 : memref<1x64xf32, #tpu.memory_space<hbm>> -> memref<64xf32, #tpu.memory_space<hbm>>
      %dma_start3A_300 = arith.constant 0 : i32
      %dma_start3A_301 = tpu.memref_slice %arg7[%dma_start3A_293, %add3A_292, %dma_start3A_300] : memref<2x128x64xf32, #tpu.memory_space<vmem>> -> memref<1x1x64xf32, #tpu.memory_space<vmem>>
      %dma_start3A_302 = tpu.memref_squeeze %dma_start3A_301 : memref<1x1x64xf32, #tpu.memory_space<vmem>> -> memref<64xf32, #tpu.memory_space<vmem>>
      %dma_start3A_303 = arith.constant 0 : i32
      %dma_start3A_304 = tpu.memref_slice %arg3[%squeeze3A_288, %dma_start3A_303] : memref<1000000x64xf32, #tpu.memory_space<hbm>> -> memref<1x64xf32, #tpu.memory_space<hbm>>
      %dma_start3A_305 = tpu.memref_squeeze %dma_start3A_304 : memref<1x64xf32, #tpu.memory_space<hbm>> -> memref<64xf32, #tpu.memory_space<hbm>>
      tpu.enqueue_dma source(%dma_start3A_305 : memref<64xf32, #tpu.memory_space<hbm>>) target(%dma_start3A_302 : memref<64xf32, #tpu.memory_space<vmem>>) target_semaphore(%arg9 : memref<!tpu.dma_semaphore, #tpu.memory_space<semaphore_mem>>)
      %slice3A_306 = vector.extract_strided_slice %get3A_41 {offsets = [14], sizes = [1], strides = [1]} : vector<16xi32> to vector<1xi32>
      %squeeze3A_307 = vector.extract %slice3A_306[0] : i32 from vector<1xi32>
      %mul3A_308 = arith.constant 16 : i32
      %mul3A_309 = arith.muli %scan3A_34, %mul3A_308 : i32
      %add3A_310 = arith.constant 14 : i32
      %add3A_311 = arith.addi %mul3A_309, %add3A_310 : i32
      %dma_start3A_312 = arith.constant 0 : i32
      %dma_start3A_313 = arith.constant 0 : i32
      %dma_start3A_314 = tpu.memref_slice %arg7[%dma_start3A_312, %add3A_311, %dma_start3A_313] : memref<2x128x64xf32, #tpu.memory_space<vmem>> -> memref<1x1x64xf32, #tpu.memory_space<vmem>>
      %dma_start3A_315 = tpu.memref_squeeze %dma_start3A_314 : memref<1x1x64xf32, #tpu.memory_space<vmem>> -> memref<64xf32, #tpu.memory_space<vmem>>
      %dma_start3A_316 = arith.constant 0 : i32
      %dma_start3A_317 = tpu.memref_slice %arg3[%squeeze3A_307, %dma_start3A_316] : memref<1000000x64xf32, #tpu.memory_space<hbm>> -> memref<1x64xf32, #tpu.memory_space<hbm>>
      %dma_start3A_318 = tpu.memref_squeeze %dma_start3A_317 : memref<1x64xf32, #tpu.memory_space<hbm>> -> memref<64xf32, #tpu.memory_space<hbm>>
      %dma_start3A_319 = arith.constant 0 : i32
      %dma_start3A_320 = tpu.memref_slice %arg7[%dma_start3A_312, %add3A_311, %dma_start3A_319] : memref<2x128x64xf32, #tpu.memory_space<vmem>> -> memref<1x1x64xf32, #tpu.memory_space<vmem>>
      %dma_start3A_321 = tpu.memref_squeeze %dma_start3A_320 : memref<1x1x64xf32, #tpu.memory_space<vmem>> -> memref<64xf32, #tpu.memory_space<vmem>>
      %dma_start3A_322 = arith.constant 0 : i32
      %dma_start3A_323 = tpu.memref_slice %arg3[%squeeze3A_307, %dma_start3A_322] : memref<1000000x64xf32, #tpu.memory_space<hbm>> -> memref<1x64xf32, #tpu.memory_space<hbm>>
      %dma_start3A_324 = tpu.memref_squeeze %dma_start3A_323 : memref<1x64xf32, #tpu.memory_space<hbm>> -> memref<64xf32, #tpu.memory_space<hbm>>
      tpu.enqueue_dma source(%dma_start3A_324 : memref<64xf32, #tpu.memory_space<hbm>>) target(%dma_start3A_321 : memref<64xf32, #tpu.memory_space<vmem>>) target_semaphore(%arg9 : memref<!tpu.dma_semaphore, #tpu.memory_space<semaphore_mem>>)
      %slice3A_325 = vector.extract_strided_slice %get3A_41 {offsets = [15], sizes = [1], strides = [1]} : vector<16xi32> to vector<1xi32>
      %squeeze3A_326 = vector.extract %slice3A_325[0] : i32 from vector<1xi32>
      %mul3A_327 = arith.constant 16 : i32
      %mul3A_328 = arith.muli %scan3A_34, %mul3A_327 : i32
      %add3A_329 = arith.constant 15 : i32
      %add3A_330 = arith.addi %mul3A_328, %add3A_329 : i32
      %dma_start3A_331 = arith.constant 0 : i32
      %dma_start3A_332 = arith.constant 0 : i32
      %dma_start3A_333 = tpu.memref_slice %arg7[%dma_start3A_331, %add3A_330, %dma_start3A_332] : memref<2x128x64xf32, #tpu.memory_space<vmem>> -> memref<1x1x64xf32, #tpu.memory_space<vmem>>
      %dma_start3A_334 = tpu.memref_squeeze %dma_start3A_333 : memref<1x1x64xf32, #tpu.memory_space<vmem>> -> memref<64xf32, #tpu.memory_space<vmem>>
      %dma_start3A_335 = arith.constant 0 : i32
      %dma_start3A_336 = tpu.memref_slice %arg3[%squeeze3A_326, %dma_start3A_335] : memref<1000000x64xf32, #tpu.memory_space<hbm>> -> memref<1x64xf32, #tpu.memory_space<hbm>>
      %dma_start3A_337 = tpu.memref_squeeze %dma_start3A_336 : memref<1x64xf32, #tpu.memory_space<hbm>> -> memref<64xf32, #tpu.memory_space<hbm>>
      %dma_start3A_338 = arith.constant 0 : i32
      %dma_start3A_339 = tpu.memref_slice %arg7[%dma_start3A_331, %add3A_330, %dma_start3A_338] : memref<2x128x64xf32, #tpu.memory_space<vmem>> -> memref<1x1x64xf32, #tpu.memory_space<vmem>>
      %dma_start3A_340 = tpu.memref_squeeze %dma_start3A_339 : memref<1x1x64xf32, #tpu.memory_space<vmem>> -> memref<64xf32, #tpu.memory_space<vmem>>
      %dma_start3A_341 = arith.constant 0 : i32
      %dma_start3A_342 = tpu.memref_slice %arg3[%squeeze3A_326, %dma_start3A_341] : memref<1000000x64xf32, #tpu.memory_space<hbm>> -> memref<1x64xf32, #tpu.memory_space<hbm>>
      %dma_start3A_343 = tpu.memref_squeeze %dma_start3A_342 : memref<1x64xf32, #tpu.memory_space<hbm>> -> memref<64xf32, #tpu.memory_space<hbm>>
      tpu.enqueue_dma source(%dma_start3A_343 : memref<64xf32, #tpu.memory_space<hbm>>) target(%dma_start3A_340 : memref<64xf32, #tpu.memory_space<vmem>>) target_semaphore(%arg9 : memref<!tpu.dma_semaphore, #tpu.memory_space<semaphore_mem>>)
      %scan3A_344 = arith.constant 0 : i32
      scf.yield %scan3A_344 : i32
    }
    %scan3A_10 = arith.constant 8 : i32
    %rem3A = arith.constant 0 : i32
    %rem3A_11 = arith.constant 16 : i32
    %rem3A_12 = arith.remsi %rem3A, %rem3A_11 : i32
    %mul3A_13 = arith.constant 128 : i32
    %mul3A_14 = arith.muli %rem3A_12, %mul3A_13 : i32
    %dma_start3A = arith.constant 0 : i32
    %dma_start3A_15 = arith.constant 0 : i32
    %dma_start3A_16 = arith.constant 0 : i32
    %dma_start3A_17 = tpu.memref_slice %arg8[%dma_start3A, %dma_start3A_15, %dma_start3A_16] : memref<2x128x64xf32, #tpu.memory_space<vmem>> -> memref<1x128x64xf32, #tpu.memory_space<vmem>>
    %dma_start3A_18 = tpu.memref_squeeze %dma_start3A_17 : memref<1x128x64xf32, #tpu.memory_space<vmem>> -> memref<128x64xf32, #tpu.memory_space<vmem>>
    %dma_start3A_19 = arith.constant 0 : i32
    %dma_start3A_20 = tpu.memref_slice %arg4[%mul3A_14, %dma_start3A_19] : memref<2048x64xf32, #tpu.memory_space<hbm>> -> memref<128x64xf32, #tpu.memory_space<hbm>>
    %dma_start3A_21 = arith.constant 0 : i32
    %dma_start3A_22 = arith.constant 0 : i32
    %dma_start3A_23 = tpu.memref_slice %arg8[%dma_start3A, %dma_start3A_21, %dma_start3A_22] : memref<2x128x64xf32, #tpu.memory_space<vmem>> -> memref<1x128x64xf32, #tpu.memory_space<vmem>>
    %dma_start3A_24 = tpu.memref_squeeze %dma_start3A_23 : memref<1x128x64xf32, #tpu.memory_space<vmem>> -> memref<128x64xf32, #tpu.memory_space<vmem>>
    %dma_start3A_25 = arith.constant 0 : i32
    %dma_start3A_26 = tpu.memref_slice %arg4[%mul3A_14, %dma_start3A_25] : memref<2048x64xf32, #tpu.memory_space<hbm>> -> memref<128x64xf32, #tpu.memory_space<hbm>>
    tpu.enqueue_dma source(%dma_start3A_26 : memref<128x64xf32, #tpu.memory_space<hbm>>) target(%dma_start3A_24 : memref<128x64xf32, #tpu.memory_space<vmem>>) target_semaphore(%arg10 : memref<!tpu.dma_semaphore, #tpu.memory_space<semaphore_mem>>)
    %scan3A_27 = arith.constant 0 : i32
    %scan3A_28 = arith.constant 0 : i32
    %scan3A_29 = arith.constant 16 : i32
    %scan3A_30 = arith.addi %scan3A_28, %scan3A_29 : i32
    %scan3A_31 = arith.constant 1 : i32
    %scan3A_32 = scf.for %scan3A_34 = %scan3A_28 to %scan3A_30 step %scan3A_31 iter_args(%scan3A_35 = %scan3A_27) -> (i32)  : i32 {
      %mul3A_36 = arith.constant 2 : i32
      %mul3A_37 = arith.muli %scan3A_34, %mul3A_36 : i32
      %add3A_38 = arith.constant 1 : i32
      %add3A_39 = arith.addi %mul3A_37, %add3A_38 : i32
      %mul3A_40 = arith.constant 128 : i32
      %mul3A_41 = arith.muli %add3A_39, %mul3A_40 : i32
      %add3A_42 = arith.addi %mul3A_2, %mul3A_41 : i32
      %run_scoped3A_43 = arith.constant 1 : i32
      "tpu.region"() ({
        %run_scoped3A_156 = tpu.sem_alloc : memref<!tpu.dma_semaphore, #tpu.memory_space<semaphore_mem>>
        %dma_start3A_157 = arith.constant 0 : i32
        %dma_start3A_158 = tpu.memref_slice %arg6[%run_scoped3A_43, %dma_start3A_157] : memref<2x128xi32, #tpu.memory_space<vmem>> -> memref<1x128xi32, #tpu.memory_space<vmem>>
        %dma_start3A_159 = tpu.memref_squeeze %dma_start3A_158 : memref<1x128xi32, #tpu.memory_space<vmem>> -> memref<128xi32, #tpu.memory_space<vmem>>
        %dma_start3A_160 = tpu.memref_slice %arg2[%add3A_42] : memref<131072xi32, #tpu.memory_space<hbm>> -> memref<128xi32, #tpu.memory_space<hbm>>
        %dma_start3A_161 = arith.constant 0 : i32
        %dma_start3A_162 = tpu.memref_slice %arg6[%run_scoped3A_43, %dma_start3A_161] : memref<2x128xi32, #tpu.memory_space<vmem>> -> memref<1x128xi32, #tpu.memory_space<vmem>>
        %dma_start3A_163 = tpu.memref_squeeze %dma_start3A_162 : memref<1x128xi32, #tpu.memory_space<vmem>> -> memref<128xi32, #tpu.memory_space<vmem>>
        %dma_start3A_164 = tpu.memref_slice %arg2[%add3A_42] : memref<131072xi32, #tpu.memory_space<hbm>> -> memref<128xi32, #tpu.memory_space<hbm>>
        tpu.enqueue_dma source(%dma_start3A_164 : memref<128xi32, #tpu.memory_space<hbm>>) target(%dma_start3A_163 : memref<128xi32, #tpu.memory_space<vmem>>) target_semaphore(%run_scoped3A_156 : memref<!tpu.dma_semaphore, #tpu.memory_space<semaphore_mem>>)
        %dma_wait3A_165 = arith.constant 0 : i32
        %dma_wait3A_166 = tpu.memref_slice %arg6[%run_scoped3A_43, %dma_wait3A_165] : memref<2x128xi32, #tpu.memory_space<vmem>> -> memref<1x128xi32, #tpu.memory_space<vmem>>
        %dma_wait3A_167 = tpu.memref_squeeze %dma_wait3A_166 : memref<1x128xi32, #tpu.memory_space<vmem>> -> memref<128xi32, #tpu.memory_space<vmem>>
        %dma_wait3A_168 = tpu.memref_slice %arg2[%add3A_42] : memref<131072xi32, #tpu.memory_space<hbm>> -> memref<128xi32, #tpu.memory_space<hbm>>
        %dma_wait3A_169 = arith.constant 0 : i32
        %dma_wait3A_170 = tpu.memref_slice %arg6[%run_scoped3A_43, %dma_wait3A_169] : memref<2x128xi32, #tpu.memory_space<vmem>> -> memref<1x128xi32, #tpu.memory_space<vmem>>
        %dma_wait3A_171 = tpu.memref_squeeze %dma_wait3A_170 : memref<1x128xi32, #tpu.memory_space<vmem>> -> memref<128xi32, #tpu.memory_space<vmem>>
        %dma_wait3A_172 = tpu.memref_slice %arg2[%add3A_42] : memref<131072xi32, #tpu.memory_space<hbm>> -> memref<128xi32, #tpu.memory_space<hbm>>
        tpu.wait_dma2 semaphore(%run_scoped3A_156 : memref<!tpu.dma_semaphore, #tpu.memory_space<semaphore_mem>>) src(%dma_wait3A_172 : memref<128xi32, #tpu.memory_space<hbm>>) dst(%dma_wait3A_171 : memref<128xi32, #tpu.memory_space<vmem>>)
        tpu.yield
      }) : () -> ()
      %scan3A_44 = arith.constant 0 : i32
      %scan3A_45 = arith.constant 0 : i32
      %scan3A_46 = arith.constant 8 : i32
      %scan3A_47 = arith.addi %scan3A_45, %scan3A_46 : i32
      %scan3A_48 = arith.constant 1 : i32
      %scan3A_49 = scf.for %scan3A_156 = %scan3A_45 to %scan3A_47 step %scan3A_48 iter_args(%scan3A_157 = %scan3A_44) -> (i32)  : i32 {
        %mul3A_158 = arith.constant 16 : i32
        %mul3A_159 = arith.muli %scan3A_156, %mul3A_158 : i32
        %get3A = arith.constant 1 : i32
        %get3A_160 = arith.index_cast %get3A : i32 to index
        %get3A_161 = arith.index_cast %mul3A_159 : i32 to index
        %get3A_162 = tpu.vector_load %arg6[%get3A_160, %get3A_161] {strides = array<i32>} : memref<2x128xi32, #tpu.memory_space<vmem>>, vector<1x16xi32>,
        %get3A_163 = vector.shape_cast %get3A_162 : vector<1x16xi32> to vector<16xi32>
        %slice3A = vector.extract_strided_slice %get3A_163 {offsets = [0], sizes = [1], strides = [1]} : vector<16xi32> to vector<1xi32>
        %squeeze3A = vector.extract %slice3A[0] : i32 from vector<1xi32>
        %mul3A_164 = arith.constant 16 : i32
        %mul3A_165 = arith.muli %scan3A_156, %mul3A_164 : i32
        %add3A_166 = arith.constant 0 : i32
        %add3A_167 = arith.addi %mul3A_165, %add3A_166 : i32
        %dma_start3A_168 = arith.constant 1 : i32
        %dma_start3A_169 = arith.constant 0 : i32
        %dma_start3A_170 = tpu.memref_slice %arg7[%dma_start3A_168, %add3A_167, %dma_start3A_169] : memref<2x128x64xf32, #tpu.memory_space<vmem>> -> memref<1x1x64xf32, #tpu.memory_space<vmem>>
        %dma_start3A_171 = tpu.memref_squeeze %dma_start3A_170 : memref<1x1x64xf32, #tpu.memory_space<vmem>> -> memref<64xf32, #tpu.memory_space<vmem>>
        %dma_start3A_172 = arith.constant 0 : i32
        %dma_start3A_173 = tpu.memref_slice %arg3[%squeeze3A, %dma_start3A_172] : memref<1000000x64xf32, #tpu.memory_space<hbm>> -> memref<1x64xf32, #tpu.memory_space<hbm>>
        %dma_start3A_174 = tpu.memref_squeeze %dma_start3A_173 : memref<1x64xf32, #tpu.memory_space<hbm>> -> memref<64xf32, #tpu.memory_space<hbm>>
        %dma_start3A_175 = arith.constant 0 : i32
        %dma_start3A_176 = tpu.memref_slice %arg7[%dma_start3A_168, %add3A_167, %dma_start3A_175] : memref<2x128x64xf32, #tpu.memory_space<vmem>> -> memref<1x1x64xf32, #tpu.memory_space<vmem>>
        %dma_start3A_177 = tpu.memref_squeeze %dma_start3A_176 : memref<1x1x64xf32, #tpu.memory_space<vmem>> -> memref<64xf32, #tpu.memory_space<vmem>>
        %dma_start3A_178 = arith.constant 0 : i32
        %dma_start3A_179 = tpu.memref_slice %arg3[%squeeze3A, %dma_start3A_178] : memref<1000000x64xf32, #tpu.memory_space<hbm>> -> memref<1x64xf32, #tpu.memory_space<hbm>>
        %dma_start3A_180 = tpu.memref_squeeze %dma_start3A_179 : memref<1x64xf32, #tpu.memory_space<hbm>> -> memref<64xf32, #tpu.memory_space<hbm>>
        tpu.enqueue_dma source(%dma_start3A_180 : memref<64xf32, #tpu.memory_space<hbm>>) target(%dma_start3A_177 : memref<64xf32, #tpu.memory_space<vmem>>) target_semaphore(%arg9 : memref<!tpu.dma_semaphore, #tpu.memory_space<semaphore_mem>>)
        %slice3A_181 = vector.extract_strided_slice %get3A_163 {offsets = [1], sizes = [1], strides = [1]} : vector<16xi32> to vector<1xi32>
        %squeeze3A_182 = vector.extract %slice3A_181[0] : i32 from vector<1xi32>
        %mul3A_183 = arith.constant 16 : i32
        %mul3A_184 = arith.muli %scan3A_156, %mul3A_183 : i32
        %add3A_185 = arith.constant 1 : i32
        %add3A_186 = arith.addi %mul3A_184, %add3A_185 : i32
        %dma_start3A_187 = arith.constant 1 : i32
        %dma_start3A_188 = arith.constant 0 : i32
        %dma_start3A_189 = tpu.memref_slice %arg7[%dma_start3A_187, %add3A_186, %dma_start3A_188] : memref<2x128x64xf32, #tpu.memory_space<vmem>> -> memref<1x1x64xf32, #tpu.memory_space<vmem>>
        %dma_start3A_190 = tpu.memref_squeeze %dma_start3A_189 : memref<1x1x64xf32, #tpu.memory_space<vmem>> -> memref<64xf32, #tpu.memory_space<vmem>>
        %dma_start3A_191 = arith.constant 0 : i32
        %dma_start3A_192 = tpu.memref_slice %arg3[%squeeze3A_182, %dma_start3A_191] : memref<1000000x64xf32, #tpu.memory_space<hbm>> -> memref<1x64xf32, #tpu.memory_space<hbm>>
        %dma_start3A_193 = tpu.memref_squeeze %dma_start3A_192 : memref<1x64xf32, #tpu.memory_space<hbm>> -> memref<64xf32, #tpu.memory_space<hbm>>
        %dma_start3A_194 = arith.constant 0 : i32
        %dma_start3A_195 = tpu.memref_slice %arg7[%dma_start3A_187, %add3A_186, %dma_start3A_194] : memref<2x128x64xf32, #tpu.memory_space<vmem>> -> memref<1x1x64xf32, #tpu.memory_space<vmem>>
        %dma_start3A_196 = tpu.memref_squeeze %dma_start3A_195 : memref<1x1x64xf32, #tpu.memory_space<vmem>> -> memref<64xf32, #tpu.memory_space<vmem>>
        %dma_start3A_197 = arith.constant 0 : i32
        %dma_start3A_198 = tpu.memref_slice %arg3[%squeeze3A_182, %dma_start3A_197] : memref<1000000x64xf32, #tpu.memory_space<hbm>> -> memref<1x64xf32, #tpu.memory_space<hbm>>
        %dma_start3A_199 = tpu.memref_squeeze %dma_start3A_198 : memref<1x64xf32, #tpu.memory_space<hbm>> -> memref<64xf32, #tpu.memory_space<hbm>>
        tpu.enqueue_dma source(%dma_start3A_199 : memref<64xf32, #tpu.memory_space<hbm>>) target(%dma_start3A_196 : memref<64xf32, #tpu.memory_space<vmem>>) target_semaphore(%arg9 : memref<!tpu.dma_semaphore, #tpu.memory_space<semaphore_mem>>)
        %slice3A_200 = vector.extract_strided_slice %get3A_163 {offsets = [2], sizes = [1], strides = [1]} : vector<16xi32> to vector<1xi32>
        %squeeze3A_201 = vector.extract %slice3A_200[0] : i32 from vector<1xi32>
        %mul3A_202 = arith.constant 16 : i32
        %mul3A_203 = arith.muli %scan3A_156, %mul3A_202 : i32
        %add3A_204 = arith.constant 2 : i32
        %add3A_205 = arith.addi %mul3A_203, %add3A_204 : i32
        %dma_start3A_206 = arith.constant 1 : i32
        %dma_start3A_207 = arith.constant 0 : i32
        %dma_start3A_208 = tpu.memref_slice %arg7[%dma_start3A_206, %add3A_205, %dma_start3A_207] : memref<2x128x64xf32, #tpu.memory_space<vmem>> -> memref<1x1x64xf32, #tpu.memory_space<vmem>>
        %dma_start3A_209 = tpu.memref_squeeze %dma_start3A_208 : memref<1x1x64xf32, #tpu.memory_space<vmem>> -> memref<64xf32, #tpu.memory_space<vmem>>
        %dma_start3A_210 = arith.constant 0 : i32
        %dma_start3A_211 = tpu.memref_slice %arg3[%squeeze3A_201, %dma_start3A_210] : memref<1000000x64xf32, #tpu.memory_space<hbm>> -> memref<1x64xf32, #tpu.memory_space<hbm>>
        %dma_start3A_212 = tpu.memref_squeeze %dma_start3A_211 : memref<1x64xf32, #tpu.memory_space<hbm>> -> memref<64xf32, #tpu.memory_space<hbm>>
        %dma_start3A_213 = arith.constant 0 : i32
        %dma_start3A_214 = tpu.memref_slice %arg7[%dma_start3A_206, %add3A_205, %dma_start3A_213] : memref<2x128x64xf32, #tpu.memory_space<vmem>> -> memref<1x1x64xf32, #tpu.memory_space<vmem>>
        %dma_start3A_215 = tpu.memref_squeeze %dma_start3A_214 : memref<1x1x64xf32, #tpu.memory_space<vmem>> -> memref<64xf32, #tpu.memory_space<vmem>>
        %dma_start3A_216 = arith.constant 0 : i32
        %dma_start3A_217 = tpu.memref_slice %arg3[%squeeze3A_201, %dma_start3A_216] : memref<1000000x64xf32, #tpu.memory_space<hbm>> -> memref<1x64xf32, #tpu.memory_space<hbm>>
        %dma_start3A_218 = tpu.memref_squeeze %dma_start3A_217 : memref<1x64xf32, #tpu.memory_space<hbm>> -> memref<64xf32, #tpu.memory_space<hbm>>
        tpu.enqueue_dma source(%dma_start3A_218 : memref<64xf32, #tpu.memory_space<hbm>>) target(%dma_start3A_215 : memref<64xf32, #tpu.memory_space<vmem>>) target_semaphore(%arg9 : memref<!tpu.dma_semaphore, #tpu.memory_space<semaphore_mem>>)
        %slice3A_219 = vector.extract_strided_slice %get3A_163 {offsets = [3], sizes = [1], strides = [1]} : vector<16xi32> to vector<1xi32>
        %squeeze3A_220 = vector.extract %slice3A_219[0] : i32 from vector<1xi32>
        %mul3A_221 = arith.constant 16 : i32
        %mul3A_222 = arith.muli %scan3A_156, %mul3A_221 : i32
        %add3A_223 = arith.constant 3 : i32
        %add3A_224 = arith.addi %mul3A_222, %add3A_223 : i32
        %dma_start3A_225 = arith.constant 1 : i32
        %dma_start3A_226 = arith.constant 0 : i32
        %dma_start3A_227 = tpu.memref_slice %arg7[%dma_start3A_225, %add3A_224, %dma_start3A_226] : memref<2x128x64xf32, #tpu.memory_space<vmem>> -> memref<1x1x64xf32, #tpu.memory_space<vmem>>
        %dma_start3A_228 = tpu.memref_squeeze %dma_start3A_227 : memref<1x1x64xf32, #tpu.memory_space<vmem>> -> memref<64xf32, #tpu.memory_space<vmem>>
        %dma_start3A_229 = arith.constant 0 : i32
        %dma_start3A_230 = tpu.memref_slice %arg3[%squeeze3A_220, %dma_start3A_229] : memref<1000000x64xf32, #tpu.memory_space<hbm>> -> memref<1x64xf32, #tpu.memory_space<hbm>>
        %dma_start3A_231 = tpu.memref_squeeze %dma_start3A_230 : memref<1x64xf32, #tpu.memory_space<hbm>> -> memref<64xf32, #tpu.memory_space<hbm>>
        %dma_start3A_232 = arith.constant 0 : i32
        %dma_start3A_233 = tpu.memref_slice %arg7[%dma_start3A_225, %add3A_224, %dma_start3A_232] : memref<2x128x64xf32, #tpu.memory_space<vmem>> -> memref<1x1x64xf32, #tpu.memory_space<vmem>>
        %dma_start3A_234 = tpu.memref_squeeze %dma_start3A_233 : memref<1x1x64xf32, #tpu.memory_space<vmem>> -> memref<64xf32, #tpu.memory_space<vmem>>
        %dma_start3A_235 = arith.constant 0 : i32
        %dma_start3A_236 = tpu.memref_slice %arg3[%squeeze3A_220, %dma_start3A_235] : memref<1000000x64xf32, #tpu.memory_space<hbm>> -> memref<1x64xf32, #tpu.memory_space<hbm>>
        %dma_start3A_237 = tpu.memref_squeeze %dma_start3A_236 : memref<1x64xf32, #tpu.memory_space<hbm>> -> memref<64xf32, #tpu.memory_space<hbm>>
        tpu.enqueue_dma source(%dma_start3A_237 : memref<64xf32, #tpu.memory_space<hbm>>) target(%dma_start3A_234 : memref<64xf32, #tpu.memory_space<vmem>>) target_semaphore(%arg9 : memref<!tpu.dma_semaphore, #tpu.memory_space<semaphore_mem>>)
        %slice3A_238 = vector.extract_strided_slice %get3A_163 {offsets = [4], sizes = [1], strides = [1]} : vector<16xi32> to vector<1xi32>
        %squeeze3A_239 = vector.extract %slice3A_238[0] : i32 from vector<1xi32>
        %mul3A_240 = arith.constant 16 : i32
        %mul3A_241 = arith.muli %scan3A_156, %mul3A_240 : i32
        %add3A_242 = arith.constant 4 : i32
        %add3A_243 = arith.addi %mul3A_241, %add3A_242 : i32
        %dma_start3A_244 = arith.constant 1 : i32
        %dma_start3A_245 = arith.constant 0 : i32
        %dma_start3A_246 = tpu.memref_slice %arg7[%dma_start3A_244, %add3A_243, %dma_start3A_245] : memref<2x128x64xf32, #tpu.memory_space<vmem>> -> memref<1x1x64xf32, #tpu.memory_space<vmem>>
        %dma_start3A_247 = tpu.memref_squeeze %dma_start3A_246 : memref<1x1x64xf32, #tpu.memory_space<vmem>> -> memref<64xf32, #tpu.memory_space<vmem>>
        %dma_start3A_248 = arith.constant 0 : i32
        %dma_start3A_249 = tpu.memref_slice %arg3[%squeeze3A_239, %dma_start3A_248] : memref<1000000x64xf32, #tpu.memory_space<hbm>> -> memref<1x64xf32, #tpu.memory_space<hbm>>
        %dma_start3A_250 = tpu.memref_squeeze %dma_start3A_249 : memref<1x64xf32, #tpu.memory_space<hbm>> -> memref<64xf32, #tpu.memory_space<hbm>>
        %dma_start3A_251 = arith.constant 0 : i32
        %dma_start3A_252 = tpu.memref_slice %arg7[%dma_start3A_244, %add3A_243, %dma_start3A_251] : memref<2x128x64xf32, #tpu.memory_space<vmem>> -> memref<1x1x64xf32, #tpu.memory_space<vmem>>
        %dma_start3A_253 = tpu.memref_squeeze %dma_start3A_252 : memref<1x1x64xf32, #tpu.memory_space<vmem>> -> memref<64xf32, #tpu.memory_space<vmem>>
        %dma_start3A_254 = arith.constant 0 : i32
        %dma_start3A_255 = tpu.memref_slice %arg3[%squeeze3A_239, %dma_start3A_254] : memref<1000000x64xf32, #tpu.memory_space<hbm>> -> memref<1x64xf32, #tpu.memory_space<hbm>>
        %dma_start3A_256 = tpu.memref_squeeze %dma_start3A_255 : memref<1x64xf32, #tpu.memory_space<hbm>> -> memref<64xf32, #tpu.memory_space<hbm>>
        tpu.enqueue_dma source(%dma_start3A_256 : memref<64xf32, #tpu.memory_space<hbm>>) target(%dma_start3A_253 : memref<64xf32, #tpu.memory_space<vmem>>) target_semaphore(%arg9 : memref<!tpu.dma_semaphore, #tpu.memory_space<semaphore_mem>>)
        %slice3A_257 = vector.extract_strided_slice %get3A_163 {offsets = [5], sizes = [1], strides = [1]} : vector<16xi32> to vector<1xi32>
        %squeeze3A_258 = vector.extract %slice3A_257[0] : i32 from vector<1xi32>
        %mul3A_259 = arith.constant 16 : i32
        %mul3A_260 = arith.muli %scan3A_156, %mul3A_259 : i32
        %add3A_261 = arith.constant 5 : i32
        %add3A_262 = arith.addi %mul3A_260, %add3A_261 : i32
        %dma_start3A_263 = arith.constant 1 : i32
        %dma_start3A_264 = arith.constant 0 : i32
        %dma_start3A_265 = tpu.memref_slice %arg7[%dma_start3A_263, %add3A_262, %dma_start3A_264] : memref<2x128x64xf32, #tpu.memory_space<vmem>> -> memref<1x1x64xf32, #tpu.memory_space<vmem>>
        %dma_start3A_266 = tpu.memref_squeeze %dma_start3A_265 : memref<1x1x64xf32, #tpu.memory_space<vmem>> -> memref<64xf32, #tpu.memory_space<vmem>>
        %dma_start3A_267 = arith.constant 0 : i32
        %dma_start3A_268 = tpu.memref_slice %arg3[%squeeze3A_258, %dma_start3A_267] : memref<1000000x64xf32, #tpu.memory_space<hbm>> -> memref<1x64xf32, #tpu.memory_space<hbm>>
        %dma_start3A_269 = tpu.memref_squeeze %dma_start3A_268 : memref<1x64xf32, #tpu.memory_space<hbm>> -> memref<64xf32, #tpu.memory_space<hbm>>
        %dma_start3A_270 = arith.constant 0 : i32
        %dma_start3A_271 = tpu.memref_slice %arg7[%dma_start3A_263, %add3A_262, %dma_start3A_270] : memref<2x128x64xf32, #tpu.memory_space<vmem>> -> memref<1x1x64xf32, #tpu.memory_space<vmem>>
        %dma_start3A_272 = tpu.memref_squeeze %dma_start3A_271 : memref<1x1x64xf32, #tpu.memory_space<vmem>> -> memref<64xf32, #tpu.memory_space<vmem>>
        %dma_start3A_273 = arith.constant 0 : i32
        %dma_start3A_274 = tpu.memref_slice %arg3[%squeeze3A_258, %dma_start3A_273] : memref<1000000x64xf32, #tpu.memory_space<hbm>> -> memref<1x64xf32, #tpu.memory_space<hbm>>
        %dma_start3A_275 = tpu.memref_squeeze %dma_start3A_274 : memref<1x64xf32, #tpu.memory_space<hbm>> -> memref<64xf32, #tpu.memory_space<hbm>>
        tpu.enqueue_dma source(%dma_start3A_275 : memref<64xf32, #tpu.memory_space<hbm>>) target(%dma_start3A_272 : memref<64xf32, #tpu.memory_space<vmem>>) target_semaphore(%arg9 : memref<!tpu.dma_semaphore, #tpu.memory_space<semaphore_mem>>)
        %slice3A_276 = vector.extract_strided_slice %get3A_163 {offsets = [6], sizes = [1], strides = [1]} : vector<16xi32> to vector<1xi32>
        %squeeze3A_277 = vector.extract %slice3A_276[0] : i32 from vector<1xi32>
        %mul3A_278 = arith.constant 16 : i32
        %mul3A_279 = arith.muli %scan3A_156, %mul3A_278 : i32
        %add3A_280 = arith.constant 6 : i32
        %add3A_281 = arith.addi %mul3A_279, %add3A_280 : i32
        %dma_start3A_282 = arith.constant 1 : i32
        %dma_start3A_283 = arith.constant 0 : i32
        %dma_start3A_284 = tpu.memref_slice %arg7[%dma_start3A_282, %add3A_281, %dma_start3A_283] : memref<2x128x64xf32, #tpu.memory_space<vmem>> -> memref<1x1x64xf32, #tpu.memory_space<vmem>>
        %dma_start3A_285 = tpu.memref_squeeze %dma_start3A_284 : memref<1x1x64xf32, #tpu.memory_space<vmem>> -> memref<64xf32, #tpu.memory_space<vmem>>
        %dma_start3A_286 = arith.constant 0 : i32
        %dma_start3A_287 = tpu.memref_slice %arg3[%squeeze3A_277, %dma_start3A_286] : memref<1000000x64xf32, #tpu.memory_space<hbm>> -> memref<1x64xf32, #tpu.memory_space<hbm>>
        %dma_start3A_288 = tpu.memref_squeeze %dma_start3A_287 : memref<1x64xf32, #tpu.memory_space<hbm>> -> memref<64xf32, #tpu.memory_space<hbm>>
        %dma_start3A_289 = arith.constant 0 : i32
        %dma_start3A_290 = tpu.memref_slice %arg7[%dma_start3A_282, %add3A_281, %dma_start3A_289] : memref<2x128x64xf32, #tpu.memory_space<vmem>> -> memref<1x1x64xf32, #tpu.memory_space<vmem>>
        %dma_start3A_291 = tpu.memref_squeeze %dma_start3A_290 : memref<1x1x64xf32, #tpu.memory_space<vmem>> -> memref<64xf32, #tpu.memory_space<vmem>>
        %dma_start3A_292 = arith.constant 0 : i32
        %dma_start3A_293 = tpu.memref_slice %arg3[%squeeze3A_277, %dma_start3A_292] : memref<1000000x64xf32, #tpu.memory_space<hbm>> -> memref<1x64xf32, #tpu.memory_space<hbm>>
        %dma_start3A_294 = tpu.memref_squeeze %dma_start3A_293 : memref<1x64xf32, #tpu.memory_space<hbm>> -> memref<64xf32, #tpu.memory_space<hbm>>
        tpu.enqueue_dma source(%dma_start3A_294 : memref<64xf32, #tpu.memory_space<hbm>>) target(%dma_start3A_291 : memref<64xf32, #tpu.memory_space<vmem>>) target_semaphore(%arg9 : memref<!tpu.dma_semaphore, #tpu.memory_space<semaphore_mem>>)
        %slice3A_295 = vector.extract_strided_slice %get3A_163 {offsets = [7], sizes = [1], strides = [1]} : vector<16xi32> to vector<1xi32>
        %squeeze3A_296 = vector.extract %slice3A_295[0] : i32 from vector<1xi32>
        %mul3A_297 = arith.constant 16 : i32
        %mul3A_298 = arith.muli %scan3A_156, %mul3A_297 : i32
        %add3A_299 = arith.constant 7 : i32
        %add3A_300 = arith.addi %mul3A_298, %add3A_299 : i32
        %dma_start3A_301 = arith.constant 1 : i32
        %dma_start3A_302 = arith.constant 0 : i32
        %dma_start3A_303 = tpu.memref_slice %arg7[%dma_start3A_301, %add3A_300, %dma_start3A_302] : memref<2x128x64xf32, #tpu.memory_space<vmem>> -> memref<1x1x64xf32, #tpu.memory_space<vmem>>
        %dma_start3A_304 = tpu.memref_squeeze %dma_start3A_303 : memref<1x1x64xf32, #tpu.memory_space<vmem>> -> memref<64xf32, #tpu.memory_space<vmem>>
        %dma_start3A_305 = arith.constant 0 : i32
        %dma_start3A_306 = tpu.memref_slice %arg3[%squeeze3A_296, %dma_start3A_305] : memref<1000000x64xf32, #tpu.memory_space<hbm>> -> memref<1x64xf32, #tpu.memory_space<hbm>>
        %dma_start3A_307 = tpu.memref_squeeze %dma_start3A_306 : memref<1x64xf32, #tpu.memory_space<hbm>> -> memref<64xf32, #tpu.memory_space<hbm>>
        %dma_start3A_308 = arith.constant 0 : i32
        %dma_start3A_309 = tpu.memref_slice %arg7[%dma_start3A_301, %add3A_300, %dma_start3A_308] : memref<2x128x64xf32, #tpu.memory_space<vmem>> -> memref<1x1x64xf32, #tpu.memory_space<vmem>>
        %dma_start3A_310 = tpu.memref_squeeze %dma_start3A_309 : memref<1x1x64xf32, #tpu.memory_space<vmem>> -> memref<64xf32, #tpu.memory_space<vmem>>
        %dma_start3A_311 = arith.constant 0 : i32
        %dma_start3A_312 = tpu.memref_slice %arg3[%squeeze3A_296, %dma_start3A_311] : memref<1000000x64xf32, #tpu.memory_space<hbm>> -> memref<1x64xf32, #tpu.memory_space<hbm>>
        %dma_start3A_313 = tpu.memref_squeeze %dma_start3A_312 : memref<1x64xf32, #tpu.memory_space<hbm>> -> memref<64xf32, #tpu.memory_space<hbm>>
        tpu.enqueue_dma source(%dma_start3A_313 : memref<64xf32, #tpu.memory_space<hbm>>) target(%dma_start3A_310 : memref<64xf32, #tpu.memory_space<vmem>>) target_semaphore(%arg9 : memref<!tpu.dma_semaphore, #tpu.memory_space<semaphore_mem>>)
        %slice3A_314 = vector.extract_strided_slice %get3A_163 {offsets = [8], sizes = [1], strides = [1]} : vector<16xi32> to vector<1xi32>
        %squeeze3A_315 = vector.extract %slice3A_314[0] : i32 from vector<1xi32>
        %mul3A_316 = arith.constant 16 : i32
        %mul3A_317 = arith.muli %scan3A_156, %mul3A_316 : i32
        %add3A_318 = arith.constant 8 : i32
        %add3A_319 = arith.addi %mul3A_317, %add3A_318 : i32
        %dma_start3A_320 = arith.constant 1 : i32
        %dma_start3A_321 = arith.constant 0 : i32
        %dma_start3A_322 = tpu.memref_slice %arg7[%dma_start3A_320, %add3A_319, %dma_start3A_321] : memref<2x128x64xf32, #tpu.memory_space<vmem>> -> memref<1x1x64xf32, #tpu.memory_space<vmem>>
        %dma_start3A_323 = tpu.memref_squeeze %dma_start3A_322 : memref<1x1x64xf32, #tpu.memory_space<vmem>> -> memref<64xf32, #tpu.memory_space<vmem>>
        %dma_start3A_324 = arith.constant 0 : i32
        %dma_start3A_325 = tpu.memref_slice %arg3[%squeeze3A_315, %dma_start3A_324] : memref<1000000x64xf32, #tpu.memory_space<hbm>> -> memref<1x64xf32, #tpu.memory_space<hbm>>
        %dma_start3A_326 = tpu.memref_squeeze %dma_start3A_325 : memref<1x64xf32, #tpu.memory_space<hbm>> -> memref<64xf32, #tpu.memory_space<hbm>>
        %dma_start3A_327 = arith.constant 0 : i32
        %dma_start3A_328 = tpu.memref_slice %arg7[%dma_start3A_320, %add3A_319, %dma_start3A_327] : memref<2x128x64xf32, #tpu.memory_space<vmem>> -> memref<1x1x64xf32, #tpu.memory_space<vmem>>
        %dma_start3A_329 = tpu.memref_squeeze %dma_start3A_328 : memref<1x1x64xf32, #tpu.memory_space<vmem>> -> memref<64xf32, #tpu.memory_space<vmem>>
        %dma_start3A_330 = arith.constant 0 : i32
        %dma_start3A_331 = tpu.memref_slice %arg3[%squeeze3A_315, %dma_start3A_330] : memref<1000000x64xf32, #tpu.memory_space<hbm>> -> memref<1x64xf32, #tpu.memory_space<hbm>>
        %dma_start3A_332 = tpu.memref_squeeze %dma_start3A_331 : memref<1x64xf32, #tpu.memory_space<hbm>> -> memref<64xf32, #tpu.memory_space<hbm>>
        tpu.enqueue_dma source(%dma_start3A_332 : memref<64xf32, #tpu.memory_space<hbm>>) target(%dma_start3A_329 : memref<64xf32, #tpu.memory_space<vmem>>) target_semaphore(%arg9 : memref<!tpu.dma_semaphore, #tpu.memory_space<semaphore_mem>>)
        %slice3A_333 = vector.extract_strided_slice %get3A_163 {offsets = [9], sizes = [1], strides = [1]} : vector<16xi32> to vector<1xi32>
        %squeeze3A_334 = vector.extract %slice3A_333[0] : i32 from vector<1xi32>
        %mul3A_335 = arith.constant 16 : i32
        %mul3A_336 = arith.muli %scan3A_156, %mul3A_335 : i32
        %add3A_337 = arith.constant 9 : i32
        %add3A_338 = arith.addi %mul3A_336, %add3A_337 : i32
        %dma_start3A_339 = arith.constant 1 : i32
        %dma_start3A_340 = arith.constant 0 : i32
        %dma_start3A_341 = tpu.memref_slice %arg7[%dma_start3A_339, %add3A_338, %dma_start3A_340] : memref<2x128x64xf32, #tpu.memory_space<vmem>> -> memref<1x1x64xf32, #tpu.memory_space<vmem>>
        %dma_start3A_342 = tpu.memref_squeeze %dma_start3A_341 : memref<1x1x64xf32, #tpu.memory_space<vmem>> -> memref<64xf32, #tpu.memory_space<vmem>>
        %dma_start3A_343 = arith.constant 0 : i32
        %dma_start3A_344 = tpu.memref_slice %arg3[%squeeze3A_334, %dma_start3A_343] : memref<1000000x64xf32, #tpu.memory_space<hbm>> -> memref<1x64xf32, #tpu.memory_space<hbm>>
        %dma_start3A_345 = tpu.memref_squeeze %dma_start3A_344 : memref<1x64xf32, #tpu.memory_space<hbm>> -> memref<64xf32, #tpu.memory_space<hbm>>
        %dma_start3A_346 = arith.constant 0 : i32
        %dma_start3A_347 = tpu.memref_slice %arg7[%dma_start3A_339, %add3A_338, %dma_start3A_346] : memref<2x128x64xf32, #tpu.memory_space<vmem>> -> memref<1x1x64xf32, #tpu.memory_space<vmem>>
        %dma_start3A_348 = tpu.memref_squeeze %dma_start3A_347 : memref<1x1x64xf32, #tpu.memory_space<vmem>> -> memref<64xf32, #tpu.memory_space<vmem>>
        %dma_start3A_349 = arith.constant 0 : i32
        %dma_start3A_350 = tpu.memref_slice %arg3[%squeeze3A_334, %dma_start3A_349] : memref<1000000x64xf32, #tpu.memory_space<hbm>> -> memref<1x64xf32, #tpu.memory_space<hbm>>
        %dma_start3A_351 = tpu.memref_squeeze %dma_start3A_350 : memref<1x64xf32, #tpu.memory_space<hbm>> -> memref<64xf32, #tpu.memory_space<hbm>>
        tpu.enqueue_dma source(%dma_start3A_351 : memref<64xf32, #tpu.memory_space<hbm>>) target(%dma_start3A_348 : memref<64xf32, #tpu.memory_space<vmem>>) target_semaphore(%arg9 : memref<!tpu.dma_semaphore, #tpu.memory_space<semaphore_mem>>)
        %slice3A_352 = vector.extract_strided_slice %get3A_163 {offsets = [10], sizes = [1], strides = [1]} : vector<16xi32> to vector<1xi32>
        %squeeze3A_353 = vector.extract %slice3A_352[0] : i32 from vector<1xi32>
        %mul3A_354 = arith.constant 16 : i32
        %mul3A_355 = arith.muli %scan3A_156, %mul3A_354 : i32
        %add3A_356 = arith.constant 10 : i32
        %add3A_357 = arith.addi %mul3A_355, %add3A_356 : i32
        %dma_start3A_358 = arith.constant 1 : i32
        %dma_start3A_359 = arith.constant 0 : i32
        %dma_start3A_360 = tpu.memref_slice %arg7[%dma_start3A_358, %add3A_357, %dma_start3A_359] : memref<2x128x64xf32, #tpu.memory_space<vmem>> -> memref<1x1x64xf32, #tpu.memory_space<vmem>>
        %dma_start3A_361 = tpu.memref_squeeze %dma_start3A_360 : memref<1x1x64xf32, #tpu.memory_space<vmem>> -> memref<64xf32, #tpu.memory_space<vmem>>
        %dma_start3A_362 = arith.constant 0 : i32
        %dma_start3A_363 = tpu.memref_slice %arg3[%squeeze3A_353, %dma_start3A_362] : memref<1000000x64xf32, #tpu.memory_space<hbm>> -> memref<1x64xf32, #tpu.memory_space<hbm>>
        %dma_start3A_364 = tpu.memref_squeeze %dma_start3A_363 : memref<1x64xf32, #tpu.memory_space<hbm>> -> memref<64xf32, #tpu.memory_space<hbm>>
        %dma_start3A_365 = arith.constant 0 : i32
        %dma_start3A_366 = tpu.memref_slice %arg7[%dma_start3A_358, %add3A_357, %dma_start3A_365] : memref<2x128x64xf32, #tpu.memory_space<vmem>> -> memref<1x1x64xf32, #tpu.memory_space<vmem>>
        %dma_start3A_367 = tpu.memref_squeeze %dma_start3A_366 : memref<1x1x64xf32, #tpu.memory_space<vmem>> -> memref<64xf32, #tpu.memory_space<vmem>>
        %dma_start3A_368 = arith.constant 0 : i32
        %dma_start3A_369 = tpu.memref_slice %arg3[%squeeze3A_353, %dma_start3A_368] : memref<1000000x64xf32, #tpu.memory_space<hbm>> -> memref<1x64xf32, #tpu.memory_space<hbm>>
        %dma_start3A_370 = tpu.memref_squeeze %dma_start3A_369 : memref<1x64xf32, #tpu.memory_space<hbm>> -> memref<64xf32, #tpu.memory_space<hbm>>
        tpu.enqueue_dma source(%dma_start3A_370 : memref<64xf32, #tpu.memory_space<hbm>>) target(%dma_start3A_367 : memref<64xf32, #tpu.memory_space<vmem>>) target_semaphore(%arg9 : memref<!tpu.dma_semaphore, #tpu.memory_space<semaphore_mem>>)
        %slice3A_371 = vector.extract_strided_slice %get3A_163 {offsets = [11], sizes = [1], strides = [1]} : vector<16xi32> to vector<1xi32>
        %squeeze3A_372 = vector.extract %slice3A_371[0] : i32 from vector<1xi32>
        %mul3A_373 = arith.constant 16 : i32
        %mul3A_374 = arith.muli %scan3A_156, %mul3A_373 : i32
        %add3A_375 = arith.constant 11 : i32
        %add3A_376 = arith.addi %mul3A_374, %add3A_375 : i32
        %dma_start3A_377 = arith.constant 1 : i32
        %dma_start3A_378 = arith.constant 0 : i32
        %dma_start3A_379 = tpu.memref_slice %arg7[%dma_start3A_377, %add3A_376, %dma_start3A_378] : memref<2x128x64xf32, #tpu.memory_space<vmem>> -> memref<1x1x64xf32, #tpu.memory_space<vmem>>
        %dma_start3A_380 = tpu.memref_squeeze %dma_start3A_379 : memref<1x1x64xf32, #tpu.memory_space<vmem>> -> memref<64xf32, #tpu.memory_space<vmem>>
        %dma_start3A_381 = arith.constant 0 : i32
        %dma_start3A_382 = tpu.memref_slice %arg3[%squeeze3A_372, %dma_start3A_381] : memref<1000000x64xf32, #tpu.memory_space<hbm>> -> memref<1x64xf32, #tpu.memory_space<hbm>>
        %dma_start3A_383 = tpu.memref_squeeze %dma_start3A_382 : memref<1x64xf32, #tpu.memory_space<hbm>> -> memref<64xf32, #tpu.memory_space<hbm>>
        %dma_start3A_384 = arith.constant 0 : i32
        %dma_start3A_385 = tpu.memref_slice %arg7[%dma_start3A_377, %add3A_376, %dma_start3A_384] : memref<2x128x64xf32, #tpu.memory_space<vmem>> -> memref<1x1x64xf32, #tpu.memory_space<vmem>>
        %dma_start3A_386 = tpu.memref_squeeze %dma_start3A_385 : memref<1x1x64xf32, #tpu.memory_space<vmem>> -> memref<64xf32, #tpu.memory_space<vmem>>
        %dma_start3A_387 = arith.constant 0 : i32
        %dma_start3A_388 = tpu.memref_slice %arg3[%squeeze3A_372, %dma_start3A_387] : memref<1000000x64xf32, #tpu.memory_space<hbm>> -> memref<1x64xf32, #tpu.memory_space<hbm>>
        %dma_start3A_389 = tpu.memref_squeeze %dma_start3A_388 : memref<1x64xf32, #tpu.memory_space<hbm>> -> memref<64xf32, #tpu.memory_space<hbm>>
        tpu.enqueue_dma source(%dma_start3A_389 : memref<64xf32, #tpu.memory_space<hbm>>) target(%dma_start3A_386 : memref<64xf32, #tpu.memory_space<vmem>>) target_semaphore(%arg9 : memref<!tpu.dma_semaphore, #tpu.memory_space<semaphore_mem>>)
        %slice3A_390 = vector.extract_strided_slice %get3A_163 {offsets = [12], sizes = [1], strides = [1]} : vector<16xi32> to vector<1xi32>
        %squeeze3A_391 = vector.extract %slice3A_390[0] : i32 from vector<1xi32>
        %mul3A_392 = arith.constant 16 : i32
        %mul3A_393 = arith.muli %scan3A_156, %mul3A_392 : i32
        %add3A_394 = arith.constant 12 : i32
        %add3A_395 = arith.addi %mul3A_393, %add3A_394 : i32
        %dma_start3A_396 = arith.constant 1 : i32
        %dma_start3A_397 = arith.constant 0 : i32
        %dma_start3A_398 = tpu.memref_slice %arg7[%dma_start3A_396, %add3A_395, %dma_start3A_397] : memref<2x128x64xf32, #tpu.memory_space<vmem>> -> memref<1x1x64xf32, #tpu.memory_space<vmem>>
        %dma_start3A_399 = tpu.memref_squeeze %dma_start3A_398 : memref<1x1x64xf32, #tpu.memory_space<vmem>> -> memref<64xf32, #tpu.memory_space<vmem>>
        %dma_start3A_400 = arith.constant 0 : i32
        %dma_start3A_401 = tpu.memref_slice %arg3[%squeeze3A_391, %dma_start3A_400] : memref<1000000x64xf32, #tpu.memory_space<hbm>> -> memref<1x64xf32, #tpu.memory_space<hbm>>
        %dma_start3A_402 = tpu.memref_squeeze %dma_start3A_401 : memref<1x64xf32, #tpu.memory_space<hbm>> -> memref<64xf32, #tpu.memory_space<hbm>>
        %dma_start3A_403 = arith.constant 0 : i32
        %dma_start3A_404 = tpu.memref_slice %arg7[%dma_start3A_396, %add3A_395, %dma_start3A_403] : memref<2x128x64xf32, #tpu.memory_space<vmem>> -> memref<1x1x64xf32, #tpu.memory_space<vmem>>
        %dma_start3A_405 = tpu.memref_squeeze %dma_start3A_404 : memref<1x1x64xf32, #tpu.memory_space<vmem>> -> memref<64xf32, #tpu.memory_space<vmem>>
        %dma_start3A_406 = arith.constant 0 : i32
        %dma_start3A_407 = tpu.memref_slice %arg3[%squeeze3A_391, %dma_start3A_406] : memref<1000000x64xf32, #tpu.memory_space<hbm>> -> memref<1x64xf32, #tpu.memory_space<hbm>>
        %dma_start3A_408 = tpu.memref_squeeze %dma_start3A_407 : memref<1x64xf32, #tpu.memory_space<hbm>> -> memref<64xf32, #tpu.memory_space<hbm>>
        tpu.enqueue_dma source(%dma_start3A_408 : memref<64xf32, #tpu.memory_space<hbm>>) target(%dma_start3A_405 : memref<64xf32, #tpu.memory_space<vmem>>) target_semaphore(%arg9 : memref<!tpu.dma_semaphore, #tpu.memory_space<semaphore_mem>>)
        %slice3A_409 = vector.extract_strided_slice %get3A_163 {offsets = [13], sizes = [1], strides = [1]} : vector<16xi32> to vector<1xi32>
        %squeeze3A_410 = vector.extract %slice3A_409[0] : i32 from vector<1xi32>
        %mul3A_411 = arith.constant 16 : i32
        %mul3A_412 = arith.muli %scan3A_156, %mul3A_411 : i32
        %add3A_413 = arith.constant 13 : i32
        %add3A_414 = arith.addi %mul3A_412, %add3A_413 : i32
        %dma_start3A_415 = arith.constant 1 : i32
        %dma_start3A_416 = arith.constant 0 : i32
        %dma_start3A_417 = tpu.memref_slice %arg7[%dma_start3A_415, %add3A_414, %dma_start3A_416] : memref<2x128x64xf32, #tpu.memory_space<vmem>> -> memref<1x1x64xf32, #tpu.memory_space<vmem>>
        %dma_start3A_418 = tpu.memref_squeeze %dma_start3A_417 : memref<1x1x64xf32, #tpu.memory_space<vmem>> -> memref<64xf32, #tpu.memory_space<vmem>>
        %dma_start3A_419 = arith.constant 0 : i32
        %dma_start3A_420 = tpu.memref_slice %arg3[%squeeze3A_410, %dma_start3A_419] : memref<1000000x64xf32, #tpu.memory_space<hbm>> -> memref<1x64xf32, #tpu.memory_space<hbm>>
        %dma_start3A_421 = tpu.memref_squeeze %dma_start3A_420 : memref<1x64xf32, #tpu.memory_space<hbm>> -> memref<64xf32, #tpu.memory_space<hbm>>
        %dma_start3A_422 = arith.constant 0 : i32
        %dma_start3A_423 = tpu.memref_slice %arg7[%dma_start3A_415, %add3A_414, %dma_start3A_422] : memref<2x128x64xf32, #tpu.memory_space<vmem>> -> memref<1x1x64xf32, #tpu.memory_space<vmem>>
        %dma_start3A_424 = tpu.memref_squeeze %dma_start3A_423 : memref<1x1x64xf32, #tpu.memory_space<vmem>> -> memref<64xf32, #tpu.memory_space<vmem>>
        %dma_start3A_425 = arith.constant 0 : i32
        %dma_start3A_426 = tpu.memref_slice %arg3[%squeeze3A_410, %dma_start3A_425] : memref<1000000x64xf32, #tpu.memory_space<hbm>> -> memref<1x64xf32, #tpu.memory_space<hbm>>
        %dma_start3A_427 = tpu.memref_squeeze %dma_start3A_426 : memref<1x64xf32, #tpu.memory_space<hbm>> -> memref<64xf32, #tpu.memory_space<hbm>>
        tpu.enqueue_dma source(%dma_start3A_427 : memref<64xf32, #tpu.memory_space<hbm>>) target(%dma_start3A_424 : memref<64xf32, #tpu.memory_space<vmem>>) target_semaphore(%arg9 : memref<!tpu.dma_semaphore, #tpu.memory_space<semaphore_mem>>)
        %slice3A_428 = vector.extract_strided_slice %get3A_163 {offsets = [14], sizes = [1], strides = [1]} : vector<16xi32> to vector<1xi32>
        %squeeze3A_429 = vector.extract %slice3A_428[0] : i32 from vector<1xi32>
        %mul3A_430 = arith.constant 16 : i32
        %mul3A_431 = arith.muli %scan3A_156, %mul3A_430 : i32
        %add3A_432 = arith.constant 14 : i32
        %add3A_433 = arith.addi %mul3A_431, %add3A_432 : i32
        %dma_start3A_434 = arith.constant 1 : i32
        %dma_start3A_435 = arith.constant 0 : i32
        %dma_start3A_436 = tpu.memref_slice %arg7[%dma_start3A_434, %add3A_433, %dma_start3A_435] : memref<2x128x64xf32, #tpu.memory_space<vmem>> -> memref<1x1x64xf32, #tpu.memory_space<vmem>>
        %dma_start3A_437 = tpu.memref_squeeze %dma_start3A_436 : memref<1x1x64xf32, #tpu.memory_space<vmem>> -> memref<64xf32, #tpu.memory_space<vmem>>
        %dma_start3A_438 = arith.constant 0 : i32
        %dma_start3A_439 = tpu.memref_slice %arg3[%squeeze3A_429, %dma_start3A_438] : memref<1000000x64xf32, #tpu.memory_space<hbm>> -> memref<1x64xf32, #tpu.memory_space<hbm>>
        %dma_start3A_440 = tpu.memref_squeeze %dma_start3A_439 : memref<1x64xf32, #tpu.memory_space<hbm>> -> memref<64xf32, #tpu.memory_space<hbm>>
        %dma_start3A_441 = arith.constant 0 : i32
        %dma_start3A_442 = tpu.memref_slice %arg7[%dma_start3A_434, %add3A_433, %dma_start3A_441] : memref<2x128x64xf32, #tpu.memory_space<vmem>> -> memref<1x1x64xf32, #tpu.memory_space<vmem>>
        %dma_start3A_443 = tpu.memref_squeeze %dma_start3A_442 : memref<1x1x64xf32, #tpu.memory_space<vmem>> -> memref<64xf32, #tpu.memory_space<vmem>>
        %dma_start3A_444 = arith.constant 0 : i32
        %dma_start3A_445 = tpu.memref_slice %arg3[%squeeze3A_429, %dma_start3A_444] : memref<1000000x64xf32, #tpu.memory_space<hbm>> -> memref<1x64xf32, #tpu.memory_space<hbm>>
        %dma_start3A_446 = tpu.memref_squeeze %dma_start3A_445 : memref<1x64xf32, #tpu.memory_space<hbm>> -> memref<64xf32, #tpu.memory_space<hbm>>
        tpu.enqueue_dma source(%dma_start3A_446 : memref<64xf32, #tpu.memory_space<hbm>>) target(%dma_start3A_443 : memref<64xf32, #tpu.memory_space<vmem>>) target_semaphore(%arg9 : memref<!tpu.dma_semaphore, #tpu.memory_space<semaphore_mem>>)
        %slice3A_447 = vector.extract_strided_slice %get3A_163 {offsets = [15], sizes = [1], strides = [1]} : vector<16xi32> to vector<1xi32>
        %squeeze3A_448 = vector.extract %slice3A_447[0] : i32 from vector<1xi32>
        %mul3A_449 = arith.constant 16 : i32
        %mul3A_450 = arith.muli %scan3A_156, %mul3A_449 : i32
        %add3A_451 = arith.constant 15 : i32
        %add3A_452 = arith.addi %mul3A_450, %add3A_451 : i32
        %dma_start3A_453 = arith.constant 1 : i32
        %dma_start3A_454 = arith.constant 0 : i32
        %dma_start3A_455 = tpu.memref_slice %arg7[%dma_start3A_453, %add3A_452, %dma_start3A_454] : memref<2x128x64xf32, #tpu.memory_space<vmem>> -> memref<1x1x64xf32, #tpu.memory_space<vmem>>
        %dma_start3A_456 = tpu.memref_squeeze %dma_start3A_455 : memref<1x1x64xf32, #tpu.memory_space<vmem>> -> memref<64xf32, #tpu.memory_space<vmem>>
        %dma_start3A_457 = arith.constant 0 : i32
        %dma_start3A_458 = tpu.memref_slice %arg3[%squeeze3A_448, %dma_start3A_457] : memref<1000000x64xf32, #tpu.memory_space<hbm>> -> memref<1x64xf32, #tpu.memory_space<hbm>>
        %dma_start3A_459 = tpu.memref_squeeze %dma_start3A_458 : memref<1x64xf32, #tpu.memory_space<hbm>> -> memref<64xf32, #tpu.memory_space<hbm>>
        %dma_start3A_460 = arith.constant 0 : i32
        %dma_start3A_461 = tpu.memref_slice %arg7[%dma_start3A_453, %add3A_452, %dma_start3A_460] : memref<2x128x64xf32, #tpu.memory_space<vmem>> -> memref<1x1x64xf32, #tpu.memory_space<vmem>>
        %dma_start3A_462 = tpu.memref_squeeze %dma_start3A_461 : memref<1x1x64xf32, #tpu.memory_space<vmem>> -> memref<64xf32, #tpu.memory_space<vmem>>
        %dma_start3A_463 = arith.constant 0 : i32
        %dma_start3A_464 = tpu.memref_slice %arg3[%squeeze3A_448, %dma_start3A_463] : memref<1000000x64xf32, #tpu.memory_space<hbm>> -> memref<1x64xf32, #tpu.memory_space<hbm>>
        %dma_start3A_465 = tpu.memref_squeeze %dma_start3A_464 : memref<1x64xf32, #tpu.memory_space<hbm>> -> memref<64xf32, #tpu.memory_space<hbm>>
        tpu.enqueue_dma source(%dma_start3A_465 : memref<64xf32, #tpu.memory_space<hbm>>) target(%dma_start3A_462 : memref<64xf32, #tpu.memory_space<vmem>>) target_semaphore(%arg9 : memref<!tpu.dma_semaphore, #tpu.memory_space<semaphore_mem>>)
        %scan3A_466 = arith.constant 0 : i32
        scf.yield %scan3A_466 : i32
      }
      %scan3A_50 = arith.constant 8 : i32
      %rem3A_51 = arith.constant 16 : i32
      %rem3A_52 = arith.remsi %add3A_39, %rem3A_51 : i32
      %mul3A_53 = arith.constant 128 : i32
      %mul3A_54 = arith.muli %rem3A_52, %mul3A_53 : i32
      %dma_start3A_55 = arith.constant 1 : i32
      %dma_start3A_56 = arith.constant 0 : i32
      %dma_start3A_57 = arith.constant 0 : i32
      %dma_start3A_58 = tpu.memref_slice %arg8[%dma_start3A_55, %dma_start3A_56, %dma_start3A_57] : memref<2x128x64xf32, #tpu.memory_space<vmem>> -> memref<1x128x64xf32, #tpu.memory_space<vmem>>
      %dma_start3A_59 = tpu.memref_squeeze %dma_start3A_58 : memref<1x128x64xf32, #tpu.memory_space<vmem>> -> memref<128x64xf32, #tpu.memory_space<vmem>>
      %dma_start3A_60 = arith.constant 0 : i32
      %dma_start3A_61 = tpu.memref_slice %arg4[%mul3A_54, %dma_start3A_60] : memref<2048x64xf32, #tpu.memory_space<hbm>> -> memref<128x64xf32, #tpu.memory_space<hbm>>
      %dma_start3A_62 = arith.constant 0 : i32
      %dma_start3A_63 = arith.constant 0 : i32
      %dma_start3A_64 = tpu.memref_slice %arg8[%dma_start3A_55, %dma_start3A_62, %dma_start3A_63] : memref<2x128x64xf32, #tpu.memory_space<vmem>> -> memref<1x128x64xf32, #tpu.memory_space<vmem>>
      %dma_start3A_65 = tpu.memref_squeeze %dma_start3A_64 : memref<1x128x64xf32, #tpu.memory_space<vmem>> -> memref<128x64xf32, #tpu.memory_space<vmem>>
      %dma_start3A_66 = arith.constant 0 : i32
      %dma_start3A_67 = tpu.memref_slice %arg4[%mul3A_54, %dma_start3A_66] : memref<2048x64xf32, #tpu.memory_space<hbm>> -> memref<128x64xf32, #tpu.memory_space<hbm>>
      tpu.enqueue_dma source(%dma_start3A_67 : memref<128x64xf32, #tpu.memory_space<hbm>>) target(%dma_start3A_65 : memref<128x64xf32, #tpu.memory_space<vmem>>) target_semaphore(%arg10 : memref<!tpu.dma_semaphore, #tpu.memory_space<semaphore_mem>>)
      %dma_wait3A = arith.constant 0 : i32
      %dma_wait3A_68 = arith.constant 0 : i32
      %dma_wait3A_69 = arith.constant 0 : i32
      %dma_wait3A_70 = tpu.memref_slice %arg7[%dma_wait3A, %dma_wait3A_68, %dma_wait3A_69] : memref<2x128x64xf32, #tpu.memory_space<vmem>> -> memref<1x128x64xf32, #tpu.memory_space<vmem>>
      %dma_wait3A_71 = tpu.memref_squeeze %dma_wait3A_70 : memref<1x128x64xf32, #tpu.memory_space<vmem>> -> memref<128x64xf32, #tpu.memory_space<vmem>>
      %dma_wait3A_72 = arith.constant 0 : i32
      %dma_wait3A_73 = arith.constant 0 : i32
      %dma_wait3A_74 = tpu.memref_slice %arg4[%dma_wait3A_72, %dma_wait3A_73] : memref<2048x64xf32, #tpu.memory_space<hbm>> -> memref<128x64xf32, #tpu.memory_space<hbm>>
      %dma_wait3A_75 = arith.constant 0 : i32
      %dma_wait3A_76 = arith.constant 0 : i32
      %dma_wait3A_77 = tpu.memref_slice %arg7[%dma_wait3A, %dma_wait3A_75, %dma_wait3A_76] : memref<2x128x64xf32, #tpu.memory_space<vmem>> -> memref<1x128x64xf32, #tpu.memory_space<vmem>>
      %dma_wait3A_78 = tpu.memref_squeeze %dma_wait3A_77 : memref<1x128x64xf32, #tpu.memory_space<vmem>> -> memref<128x64xf32, #tpu.memory_space<vmem>>
      %dma_wait3A_79 = arith.constant 0 : i32
      %dma_wait3A_80 = arith.constant 0 : i32
      %dma_wait3A_81 = tpu.memref_slice %arg4[%dma_wait3A_79, %dma_wait3A_80] : memref<2048x64xf32, #tpu.memory_space<hbm>> -> memref<128x64xf32, #tpu.memory_space<hbm>>
      tpu.wait_dma2 semaphore(%arg9 : memref<!tpu.dma_semaphore, #tpu.memory_space<semaphore_mem>>) src(%dma_wait3A_81 : memref<128x64xf32, #tpu.memory_space<hbm>>) dst(%dma_wait3A_78 : memref<128x64xf32, #tpu.memory_space<vmem>>)
      %dma_wait3A_82 = arith.constant 0 : i32
      %dma_wait3A_83 = arith.constant 0 : i32
      %dma_wait3A_84 = arith.constant 0 : i32
      %dma_wait3A_85 = tpu.memref_slice %arg8[%dma_wait3A_82, %dma_wait3A_83, %dma_wait3A_84] : memref<2x128x64xf32, #tpu.memory_space<vmem>> -> memref<1x128x64xf32, #tpu.memory_space<vmem>>
      %dma_wait3A_86 = tpu.memref_squeeze %dma_wait3A_85 : memref<1x128x64xf32, #tpu.memory_space<vmem>> -> memref<128x64xf32, #tpu.memory_space<vmem>>
      %dma_wait3A_87 = arith.constant 0 : i32
      %dma_wait3A_88 = arith.constant 0 : i32
      %dma_wait3A_89 = tpu.memref_slice %arg4[%dma_wait3A_87, %dma_wait3A_88] : memref<2048x64xf32, #tpu.memory_space<hbm>> -> memref<128x64xf32, #tpu.memory_space<hbm>>
      %dma_wait3A_90 = arith.constant 0 : i32
      %dma_wait3A_91 = arith.constant 0 : i32
      %dma_wait3A_92 = tpu.memref_slice %arg8[%dma_wait3A_82, %dma_wait3A_90, %dma_wait3A_91] : memref<2x128x64xf32, #tpu.memory_space<vmem>> -> memref<1x128x64xf32, #tpu.memory_space<vmem>>
      %dma_wait3A_93 = tpu.memref_squeeze %dma_wait3A_92 : memref<1x128x64xf32, #tpu.memory_space<vmem>> -> memref<128x64xf32, #tpu.memory_space<vmem>>
      %dma_wait3A_94 = arith.constant 0 : i32
      %dma_wait3A_95 = arith.constant 0 : i32
      %dma_wait3A_96 = tpu.memref_slice %arg4[%dma_wait3A_94, %dma_wait3A_95] : memref<2048x64xf32, #tpu.memory_space<hbm>> -> memref<128x64xf32, #tpu.memory_space<hbm>>
      tpu.wait_dma2 semaphore(%arg10 : memref<!tpu.dma_semaphore, #tpu.memory_space<semaphore_mem>>) src(%dma_wait3A_96 : memref<128x64xf32, #tpu.memory_space<hbm>>) dst(%dma_wait3A_93 : memref<128x64xf32, #tpu.memory_space<vmem>>)
      %scan3A_97 = arith.constant 0 : i32
      %scan3A_98 = arith.constant 0 : i32
      %scan3A_99 = arith.constant 128 : i32
      %scan3A_100 = arith.addi %scan3A_98, %scan3A_99 : i32
      %scan3A_101 = arith.constant 4 : i32
      %scan3A_102 = scf.for %scan3A_156 = %scan3A_98 to %scan3A_100 step %scan3A_101 iter_args(%scan3A_157 = %scan3A_97) -> (i32)  : i32 {
        %get3A = arith.constant 0 : i32
        %get3A_158 = arith.index_cast %get3A : i32 to index
        %get3A_159 = arith.index_cast %scan3A_156 : i32 to index
        %get3A_160 = arith.constant 0 : index
        %get3A_161 = tpu.vector_load %arg7[%get3A_158, %get3A_159, %get3A_160] {strides = array<i32>} : memref<2x128x64xf32, #tpu.memory_space<vmem>>, vector<1x1x16xf32>,
        %get3A_162 = vector.shape_cast %get3A_161 : vector<1x1x16xf32> to vector<16xf32>
        %get3A_163 = arith.constant 0 : i32
        %get3A_164 = arith.index_cast %get3A_163 : i32 to index
        %get3A_165 = arith.index_cast %scan3A_156 : i32 to index
        %get3A_166 = arith.constant 0 : index
        %get3A_167 = tpu.vector_load %arg8[%get3A_164, %get3A_165, %get3A_166] {strides = array<i32>} : memref<2x128x64xf32, #tpu.memory_space<vmem>>, vector<1x1x16xf32>,
        %get3A_168 = vector.shape_cast %get3A_167 : vector<1x1x16xf32> to vector<16xf32>
        %add3A_169 = arith.addf %get3A_162, %get3A_168 : vector<16xf32>
        %swap3A = arith.constant 0 : i32
        %swap3A_170 = arith.index_cast %swap3A : i32 to index
        %swap3A_171 = arith.index_cast %scan3A_156 : i32 to index
        %swap3A_172 = arith.constant 0 : index
        %swap3A_173 = tpu.vector_load %arg7[%swap3A_170, %swap3A_171, %swap3A_172] {strides = array<i32>} : memref<2x128x64xf32, #tpu.memory_space<vmem>>, vector<1x1x16xf32>,
        %swap3A_174 = vector.shape_cast %swap3A_173 : vector<1x1x16xf32> to vector<16xf32>
        %swap3A_175 = vector.shape_cast %add3A_169 : vector<16xf32> to vector<1x1x16xf32>
        tpu.vector_store %arg7[%swap3A_170, %swap3A_171, %swap3A_172], %swap3A_175 {strides = array<i32>} : memref<2x128x64xf32, #tpu.memory_space<vmem>>, vector<1x1x16xf32>,
        %get3A_176 = arith.constant 0 : i32
        %get3A_177 = arith.index_cast %get3A_176 : i32 to index
        %get3A_178 = arith.index_cast %scan3A_156 : i32 to index
        %get3A_179 = arith.constant 16 : index
        %get3A_180 = tpu.vector_load %arg7[%get3A_177, %get3A_178, %get3A_179] {strides = array<i32>} : memref<2x128x64xf32, #tpu.memory_space<vmem>>, vector<1x1x16xf32>,
        %get3A_181 = vector.shape_cast %get3A_180 : vector<1x1x16xf32> to vector<16xf32>
        %get3A_182 = arith.constant 0 : i32
        %get3A_183 = arith.index_cast %get3A_182 : i32 to index
        %get3A_184 = arith.index_cast %scan3A_156 : i32 to index
        %get3A_185 = arith.constant 16 : index
        %get3A_186 = tpu.vector_load %arg8[%get3A_183, %get3A_184, %get3A_185] {strides = array<i32>} : memref<2x128x64xf32, #tpu.memory_space<vmem>>, vector<1x1x16xf32>,
        %get3A_187 = vector.shape_cast %get3A_186 : vector<1x1x16xf32> to vector<16xf32>
        %add3A_188 = arith.addf %get3A_181, %get3A_187 : vector<16xf32>
        %swap3A_189 = arith.constant 0 : i32
        %swap3A_190 = arith.index_cast %swap3A_189 : i32 to index
        %swap3A_191 = arith.index_cast %scan3A_156 : i32 to index
        %swap3A_192 = arith.constant 16 : index
        %swap3A_193 = tpu.vector_load %arg7[%swap3A_190, %swap3A_191, %swap3A_192] {strides = array<i32>} : memref<2x128x64xf32, #tpu.memory_space<vmem>>, vector<1x1x16xf32>,
        %swap3A_194 = vector.shape_cast %swap3A_193 : vector<1x1x16xf32> to vector<16xf32>
        %swap3A_195 = vector.shape_cast %add3A_188 : vector<16xf32> to vector<1x1x16xf32>
        tpu.vector_store %arg7[%swap3A_190, %swap3A_191, %swap3A_192], %swap3A_195 {strides = array<i32>} : memref<2x128x64xf32, #tpu.memory_space<vmem>>, vector<1x1x16xf32>,
        %get3A_196 = arith.constant 0 : i32
        %get3A_197 = arith.index_cast %get3A_196 : i32 to index
        %get3A_198 = arith.index_cast %scan3A_156 : i32 to index
        %get3A_199 = arith.constant 32 : index
        %get3A_200 = tpu.vector_load %arg7[%get3A_197, %get3A_198, %get3A_199] {strides = array<i32>} : memref<2x128x64xf32, #tpu.memory_space<vmem>>, vector<1x1x16xf32>,
        %get3A_201 = vector.shape_cast %get3A_200 : vector<1x1x16xf32> to vector<16xf32>
        %get3A_202 = arith.constant 0 : i32
        %get3A_203 = arith.index_cast %get3A_202 : i32 to index
        %get3A_204 = arith.index_cast %scan3A_156 : i32 to index
        %get3A_205 = arith.constant 32 : index
        %get3A_206 = tpu.vector_load %arg8[%get3A_203, %get3A_204, %get3A_205] {strides = array<i32>} : memref<2x128x64xf32, #tpu.memory_space<vmem>>, vector<1x1x16xf32>,
        %get3A_207 = vector.shape_cast %get3A_206 : vector<1x1x16xf32> to vector<16xf32>
        %add3A_208 = arith.addf %get3A_201, %get3A_207 : vector<16xf32>
        %swap3A_209 = arith.constant 0 : i32
        %swap3A_210 = arith.index_cast %swap3A_209 : i32 to index
        %swap3A_211 = arith.index_cast %scan3A_156 : i32 to index
        %swap3A_212 = arith.constant 32 : index
        %swap3A_213 = tpu.vector_load %arg7[%swap3A_210, %swap3A_211, %swap3A_212] {strides = array<i32>} : memref<2x128x64xf32, #tpu.memory_space<vmem>>, vector<1x1x16xf32>,
        %swap3A_214 = vector.shape_cast %swap3A_213 : vector<1x1x16xf32> to vector<16xf32>
        %swap3A_215 = vector.shape_cast %add3A_208 : vector<16xf32> to vector<1x1x16xf32>
        tpu.vector_store %arg7[%swap3A_210, %swap3A_211, %swap3A_212], %swap3A_215 {strides = array<i32>} : memref<2x128x64xf32, #tpu.memory_space<vmem>>, vector<1x1x16xf32>,
        %get3A_216 = arith.constant 0 : i32
        %get3A_217 = arith.index_cast %get3A_216 : i32 to index
        %get3A_218 = arith.index_cast %scan3A_156 : i32 to index
        %get3A_219 = arith.constant 48 : index
        %get3A_220 = tpu.vector_load %arg7[%get3A_217, %get3A_218, %get3A_219] {strides = array<i32>} : memref<2x128x64xf32, #tpu.memory_space<vmem>>, vector<1x1x16xf32>,
        %get3A_221 = vector.shape_cast %get3A_220 : vector<1x1x16xf32> to vector<16xf32>
        %get3A_222 = arith.constant 0 : i32
        %get3A_223 = arith.index_cast %get3A_222 : i32 to index
        %get3A_224 = arith.index_cast %scan3A_156 : i32 to index
        %get3A_225 = arith.constant 48 : index
        %get3A_226 = tpu.vector_load %arg8[%get3A_223, %get3A_224, %get3A_225] {strides = array<i32>} : memref<2x128x64xf32, #tpu.memory_space<vmem>>, vector<1x1x16xf32>,
        %get3A_227 = vector.shape_cast %get3A_226 : vector<1x1x16xf32> to vector<16xf32>
        %add3A_228 = arith.addf %get3A_221, %get3A_227 : vector<16xf32>
        %swap3A_229 = arith.constant 0 : i32
        %swap3A_230 = arith.index_cast %swap3A_229 : i32 to index
        %swap3A_231 = arith.index_cast %scan3A_156 : i32 to index
        %swap3A_232 = arith.constant 48 : index
        %swap3A_233 = tpu.vector_load %arg7[%swap3A_230, %swap3A_231, %swap3A_232] {strides = array<i32>} : memref<2x128x64xf32, #tpu.memory_space<vmem>>, vector<1x1x16xf32>,
        %swap3A_234 = vector.shape_cast %swap3A_233 : vector<1x1x16xf32> to vector<16xf32>
        %swap3A_235 = vector.shape_cast %add3A_228 : vector<16xf32> to vector<1x1x16xf32>
        tpu.vector_store %arg7[%swap3A_230, %swap3A_231, %swap3A_232], %swap3A_235 {strides = array<i32>} : memref<2x128x64xf32, #tpu.memory_space<vmem>>, vector<1x1x16xf32>,
        %scan3A_236 = arith.constant 0 : i32
        %scan3A_237 = arith.constant 1 : i32
        %scan3A_238 = arith.addi %scan3A_156, %scan3A_237 : i32
        %get3A_239 = arith.constant 0 : i32
        %get3A_240 = arith.index_cast %get3A_239 : i32 to index
        %get3A_241 = arith.index_cast %scan3A_238 : i32 to index
        %get3A_242 = arith.constant 0 : index
        %get3A_243 = tpu.vector_load %arg7[%get3A_240, %get3A_241, %get3A_242] {strides = array<i32>} : memref<2x128x64xf32, #tpu.memory_space<vmem>>, vector<1x1x16xf32>,
        %get3A_244 = vector.shape_cast %get3A_243 : vector<1x1x16xf32> to vector<16xf32>
        %get3A_245 = arith.constant 0 : i32
        %get3A_246 = arith.index_cast %get3A_245 : i32 to index
        %get3A_247 = arith.index_cast %scan3A_238 : i32 to index
        %get3A_248 = arith.constant 0 : index
        %get3A_249 = tpu.vector_load %arg8[%get3A_246, %get3A_247, %get3A_248] {strides = array<i32>} : memref<2x128x64xf32, #tpu.memory_space<vmem>>, vector<1x1x16xf32>,
        %get3A_250 = vector.shape_cast %get3A_249 : vector<1x1x16xf32> to vector<16xf32>
        %add3A_251 = arith.addf %get3A_244, %get3A_250 : vector<16xf32>
        %swap3A_252 = arith.constant 0 : i32
        %swap3A_253 = arith.index_cast %swap3A_252 : i32 to index
        %swap3A_254 = arith.index_cast %scan3A_238 : i32 to index
        %swap3A_255 = arith.constant 0 : index
        %swap3A_256 = tpu.vector_load %arg7[%swap3A_253, %swap3A_254, %swap3A_255] {strides = array<i32>} : memref<2x128x64xf32, #tpu.memory_space<vmem>>, vector<1x1x16xf32>,
        %swap3A_257 = vector.shape_cast %swap3A_256 : vector<1x1x16xf32> to vector<16xf32>
        %swap3A_258 = vector.shape_cast %add3A_251 : vector<16xf32> to vector<1x1x16xf32>
        tpu.vector_store %arg7[%swap3A_253, %swap3A_254, %swap3A_255], %swap3A_258 {strides = array<i32>} : memref<2x128x64xf32, #tpu.memory_space<vmem>>, vector<1x1x16xf32>,
        %get3A_259 = arith.constant 0 : i32
        %get3A_260 = arith.index_cast %get3A_259 : i32 to index
        %get3A_261 = arith.index_cast %scan3A_238 : i32 to index
        %get3A_262 = arith.constant 16 : index
        %get3A_263 = tpu.vector_load %arg7[%get3A_260, %get3A_261, %get3A_262] {strides = array<i32>} : memref<2x128x64xf32, #tpu.memory_space<vmem>>, vector<1x1x16xf32>,
        %get3A_264 = vector.shape_cast %get3A_263 : vector<1x1x16xf32> to vector<16xf32>
        %get3A_265 = arith.constant 0 : i32
        %get3A_266 = arith.index_cast %get3A_265 : i32 to index
        %get3A_267 = arith.index_cast %scan3A_238 : i32 to index
        %get3A_268 = arith.constant 16 : index
        %get3A_269 = tpu.vector_load %arg8[%get3A_266, %get3A_267, %get3A_268] {strides = array<i32>} : memref<2x128x64xf32, #tpu.memory_space<vmem>>, vector<1x1x16xf32>,
        %get3A_270 = vector.shape_cast %get3A_269 : vector<1x1x16xf32> to vector<16xf32>
        %add3A_271 = arith.addf %get3A_264, %get3A_270 : vector<16xf32>
        %swap3A_272 = arith.constant 0 : i32
        %swap3A_273 = arith.index_cast %swap3A_272 : i32 to index
        %swap3A_274 = arith.index_cast %scan3A_238 : i32 to index
        %swap3A_275 = arith.constant 16 : index
        %swap3A_276 = tpu.vector_load %arg7[%swap3A_273, %swap3A_274, %swap3A_275] {strides = array<i32>} : memref<2x128x64xf32, #tpu.memory_space<vmem>>, vector<1x1x16xf32>,
        %swap3A_277 = vector.shape_cast %swap3A_276 : vector<1x1x16xf32> to vector<16xf32>
        %swap3A_278 = vector.shape_cast %add3A_271 : vector<16xf32> to vector<1x1x16xf32>
        tpu.vector_store %arg7[%swap3A_273, %swap3A_274, %swap3A_275], %swap3A_278 {strides = array<i32>} : memref<2x128x64xf32, #tpu.memory_space<vmem>>, vector<1x1x16xf32>,
        %get3A_279 = arith.constant 0 : i32
        %get3A_280 = arith.index_cast %get3A_279 : i32 to index
        %get3A_281 = arith.index_cast %scan3A_238 : i32 to index
        %get3A_282 = arith.constant 32 : index
        %get3A_283 = tpu.vector_load %arg7[%get3A_280, %get3A_281, %get3A_282] {strides = array<i32>} : memref<2x128x64xf32, #tpu.memory_space<vmem>>, vector<1x1x16xf32>,
        %get3A_284 = vector.shape_cast %get3A_283 : vector<1x1x16xf32> to vector<16xf32>
        %get3A_285 = arith.constant 0 : i32
        %get3A_286 = arith.index_cast %get3A_285 : i32 to index
        %get3A_287 = arith.index_cast %scan3A_238 : i32 to index
        %get3A_288 = arith.constant 32 : index
        %get3A_289 = tpu.vector_load %arg8[%get3A_286, %get3A_287, %get3A_288] {strides = array<i32>} : memref<2x128x64xf32, #tpu.memory_space<vmem>>, vector<1x1x16xf32>,
        %get3A_290 = vector.shape_cast %get3A_289 : vector<1x1x16xf32> to vector<16xf32>
        %add3A_291 = arith.addf %get3A_284, %get3A_290 : vector<16xf32>
        %swap3A_292 = arith.constant 0 : i32
        %swap3A_293 = arith.index_cast %swap3A_292 : i32 to index
        %swap3A_294 = arith.index_cast %scan3A_238 : i32 to index
        %swap3A_295 = arith.constant 32 : index
        %swap3A_296 = tpu.vector_load %arg7[%swap3A_293, %swap3A_294, %swap3A_295] {strides = array<i32>} : memref<2x128x64xf32, #tpu.memory_space<vmem>>, vector<1x1x16xf32>,
        %swap3A_297 = vector.shape_cast %swap3A_296 : vector<1x1x16xf32> to vector<16xf32>
        %swap3A_298 = vector.shape_cast %add3A_291 : vector<16xf32> to vector<1x1x16xf32>
        tpu.vector_store %arg7[%swap3A_293, %swap3A_294, %swap3A_295], %swap3A_298 {strides = array<i32>} : memref<2x128x64xf32, #tpu.memory_space<vmem>>, vector<1x1x16xf32>,
        %get3A_299 = arith.constant 0 : i32
        %get3A_300 = arith.index_cast %get3A_299 : i32 to index
        %get3A_301 = arith.index_cast %scan3A_238 : i32 to index
        %get3A_302 = arith.constant 48 : index
        %get3A_303 = tpu.vector_load %arg7[%get3A_300, %get3A_301, %get3A_302] {strides = array<i32>} : memref<2x128x64xf32, #tpu.memory_space<vmem>>, vector<1x1x16xf32>,
        %get3A_304 = vector.shape_cast %get3A_303 : vector<1x1x16xf32> to vector<16xf32>
        %get3A_305 = arith.constant 0 : i32
        %get3A_306 = arith.index_cast %get3A_305 : i32 to index
        %get3A_307 = arith.index_cast %scan3A_238 : i32 to index
        %get3A_308 = arith.constant 48 : index
        %get3A_309 = tpu.vector_load %arg8[%get3A_306, %get3A_307, %get3A_308] {strides = array<i32>} : memref<2x128x64xf32, #tpu.memory_space<vmem>>, vector<1x1x16xf32>,
        %get3A_310 = vector.shape_cast %get3A_309 : vector<1x1x16xf32> to vector<16xf32>
        %add3A_311 = arith.addf %get3A_304, %get3A_310 : vector<16xf32>
        %swap3A_312 = arith.constant 0 : i32
        %swap3A_313 = arith.index_cast %swap3A_312 : i32 to index
        %swap3A_314 = arith.index_cast %scan3A_238 : i32 to index
        %swap3A_315 = arith.constant 48 : index
        %swap3A_316 = tpu.vector_load %arg7[%swap3A_313, %swap3A_314, %swap3A_315] {strides = array<i32>} : memref<2x128x64xf32, #tpu.memory_space<vmem>>, vector<1x1x16xf32>,
        %swap3A_317 = vector.shape_cast %swap3A_316 : vector<1x1x16xf32> to vector<16xf32>
        %swap3A_318 = vector.shape_cast %add3A_311 : vector<16xf32> to vector<1x1x16xf32>
        tpu.vector_store %arg7[%swap3A_313, %swap3A_314, %swap3A_315], %swap3A_318 {strides = array<i32>} : memref<2x128x64xf32, #tpu.memory_space<vmem>>, vector<1x1x16xf32>,
        %scan3A_319 = arith.constant 0 : i32
        %scan3A_320 = arith.constant 2 : i32
        %scan3A_321 = arith.addi %scan3A_156, %scan3A_320 : i32
        %get3A_322 = arith.constant 0 : i32
        %get3A_323 = arith.index_cast %get3A_322 : i32 to index
        %get3A_324 = arith.index_cast %scan3A_321 : i32 to index
        %get3A_325 = arith.constant 0 : index
        %get3A_326 = tpu.vector_load %arg7[%get3A_323, %get3A_324, %get3A_325] {strides = array<i32>} : memref<2x128x64xf32, #tpu.memory_space<vmem>>, vector<1x1x16xf32>,
        %get3A_327 = vector.shape_cast %get3A_326 : vector<1x1x16xf32> to vector<16xf32>
        %get3A_328 = arith.constant 0 : i32
        %get3A_329 = arith.index_cast %get3A_328 : i32 to index
        %get3A_330 = arith.index_cast %scan3A_321 : i32 to index
        %get3A_331 = arith.constant 0 : index
        %get3A_332 = tpu.vector_load %arg8[%get3A_329, %get3A_330, %get3A_331] {strides = array<i32>} : memref<2x128x64xf32, #tpu.memory_space<vmem>>, vector<1x1x16xf32>,
        %get3A_333 = vector.shape_cast %get3A_332 : vector<1x1x16xf32> to vector<16xf32>
        %add3A_334 = arith.addf %get3A_327, %get3A_333 : vector<16xf32>
        %swap3A_335 = arith.constant 0 : i32
        %swap3A_336 = arith.index_cast %swap3A_335 : i32 to index
        %swap3A_337 = arith.index_cast %scan3A_321 : i32 to index
        %swap3A_338 = arith.constant 0 : index
        %swap3A_339 = tpu.vector_load %arg7[%swap3A_336, %swap3A_337, %swap3A_338] {strides = array<i32>} : memref<2x128x64xf32, #tpu.memory_space<vmem>>, vector<1x1x16xf32>,
        %swap3A_340 = vector.shape_cast %swap3A_339 : vector<1x1x16xf32> to vector<16xf32>
        %swap3A_341 = vector.shape_cast %add3A_334 : vector<16xf32> to vector<1x1x16xf32>
        tpu.vector_store %arg7[%swap3A_336, %swap3A_337, %swap3A_338], %swap3A_341 {strides = array<i32>} : memref<2x128x64xf32, #tpu.memory_space<vmem>>, vector<1x1x16xf32>,
        %get3A_342 = arith.constant 0 : i32
        %get3A_343 = arith.index_cast %get3A_342 : i32 to index
        %get3A_344 = arith.index_cast %scan3A_321 : i32 to index
        %get3A_345 = arith.constant 16 : index
        %get3A_346 = tpu.vector_load %arg7[%get3A_343, %get3A_344, %get3A_345] {strides = array<i32>} : memref<2x128x64xf32, #tpu.memory_space<vmem>>, vector<1x1x16xf32>,
        %get3A_347 = vector.shape_cast %get3A_346 : vector<1x1x16xf32> to vector<16xf32>
        %get3A_348 = arith.constant 0 : i32
        %get3A_349 = arith.index_cast %get3A_348 : i32 to index
        %get3A_350 = arith.index_cast %scan3A_321 : i32 to index
        %get3A_351 = arith.constant 16 : index
        %get3A_352 = tpu.vector_load %arg8[%get3A_349, %get3A_350, %get3A_351] {strides = array<i32>} : memref<2x128x64xf32, #tpu.memory_space<vmem>>, vector<1x1x16xf32>,
        %get3A_353 = vector.shape_cast %get3A_352 : vector<1x1x16xf32> to vector<16xf32>
        %add3A_354 = arith.addf %get3A_347, %get3A_353 : vector<16xf32>
        %swap3A_355 = arith.constant 0 : i32
        %swap3A_356 = arith.index_cast %swap3A_355 : i32 to index
        %swap3A_357 = arith.index_cast %scan3A_321 : i32 to index
        %swap3A_358 = arith.constant 16 : index
        %swap3A_359 = tpu.vector_load %arg7[%swap3A_356, %swap3A_357, %swap3A_358] {strides = array<i32>} : memref<2x128x64xf32, #tpu.memory_space<vmem>>, vector<1x1x16xf32>,
        %swap3A_360 = vector.shape_cast %swap3A_359 : vector<1x1x16xf32> to vector<16xf32>
        %swap3A_361 = vector.shape_cast %add3A_354 : vector<16xf32> to vector<1x1x16xf32>
        tpu.vector_store %arg7[%swap3A_356, %swap3A_357, %swap3A_358], %swap3A_361 {strides = array<i32>} : memref<2x128x64xf32, #tpu.memory_space<vmem>>, vector<1x1x16xf32>,
        %get3A_362 = arith.constant 0 : i32
        %get3A_363 = arith.index_cast %get3A_362 : i32 to index
        %get3A_364 = arith.index_cast %scan3A_321 : i32 to index
        %get3A_365 = arith.constant 32 : index
        %get3A_366 = tpu.vector_load %arg7[%get3A_363, %get3A_364, %get3A_365] {strides = array<i32>} : memref<2x128x64xf32, #tpu.memory_space<vmem>>, vector<1x1x16xf32>,
        %get3A_367 = vector.shape_cast %get3A_366 : vector<1x1x16xf32> to vector<16xf32>
        %get3A_368 = arith.constant 0 : i32
        %get3A_369 = arith.index_cast %get3A_368 : i32 to index
        %get3A_370 = arith.index_cast %scan3A_321 : i32 to index
        %get3A_371 = arith.constant 32 : index
        %get3A_372 = tpu.vector_load %arg8[%get3A_369, %get3A_370, %get3A_371] {strides = array<i32>} : memref<2x128x64xf32, #tpu.memory_space<vmem>>, vector<1x1x16xf32>,
        %get3A_373 = vector.shape_cast %get3A_372 : vector<1x1x16xf32> to vector<16xf32>
        %add3A_374 = arith.addf %get3A_367, %get3A_373 : vector<16xf32>
        %swap3A_375 = arith.constant 0 : i32
        %swap3A_376 = arith.index_cast %swap3A_375 : i32 to index
        %swap3A_377 = arith.index_cast %scan3A_321 : i32 to index
        %swap3A_378 = arith.constant 32 : index
        %swap3A_379 = tpu.vector_load %arg7[%swap3A_376, %swap3A_377, %swap3A_378] {strides = array<i32>} : memref<2x128x64xf32, #tpu.memory_space<vmem>>, vector<1x1x16xf32>,
        %swap3A_380 = vector.shape_cast %swap3A_379 : vector<1x1x16xf32> to vector<16xf32>
        %swap3A_381 = vector.shape_cast %add3A_374 : vector<16xf32> to vector<1x1x16xf32>
        tpu.vector_store %arg7[%swap3A_376, %swap3A_377, %swap3A_378], %swap3A_381 {strides = array<i32>} : memref<2x128x64xf32, #tpu.memory_space<vmem>>, vector<1x1x16xf32>,
        %get3A_382 = arith.constant 0 : i32
        %get3A_383 = arith.index_cast %get3A_382 : i32 to index
        %get3A_384 = arith.index_cast %scan3A_321 : i32 to index
        %get3A_385 = arith.constant 48 : index
        %get3A_386 = tpu.vector_load %arg7[%get3A_383, %get3A_384, %get3A_385] {strides = array<i32>} : memref<2x128x64xf32, #tpu.memory_space<vmem>>, vector<1x1x16xf32>,
        %get3A_387 = vector.shape_cast %get3A_386 : vector<1x1x16xf32> to vector<16xf32>
        %get3A_388 = arith.constant 0 : i32
        %get3A_389 = arith.index_cast %get3A_388 : i32 to index
        %get3A_390 = arith.index_cast %scan3A_321 : i32 to index
        %get3A_391 = arith.constant 48 : index
        %get3A_392 = tpu.vector_load %arg8[%get3A_389, %get3A_390, %get3A_391] {strides = array<i32>} : memref<2x128x64xf32, #tpu.memory_space<vmem>>, vector<1x1x16xf32>,
        %get3A_393 = vector.shape_cast %get3A_392 : vector<1x1x16xf32> to vector<16xf32>
        %add3A_394 = arith.addf %get3A_387, %get3A_393 : vector<16xf32>
        %swap3A_395 = arith.constant 0 : i32
        %swap3A_396 = arith.index_cast %swap3A_395 : i32 to index
        %swap3A_397 = arith.index_cast %scan3A_321 : i32 to index
        %swap3A_398 = arith.constant 48 : index
        %swap3A_399 = tpu.vector_load %arg7[%swap3A_396, %swap3A_397, %swap3A_398] {strides = array<i32>} : memref<2x128x64xf32, #tpu.memory_space<vmem>>, vector<1x1x16xf32>,
        %swap3A_400 = vector.shape_cast %swap3A_399 : vector<1x1x16xf32> to vector<16xf32>
        %swap3A_401 = vector.shape_cast %add3A_394 : vector<16xf32> to vector<1x1x16xf32>
        tpu.vector_store %arg7[%swap3A_396, %swap3A_397, %swap3A_398], %swap3A_401 {strides = array<i32>} : memref<2x128x64xf32, #tpu.memory_space<vmem>>, vector<1x1x16xf32>,
        %scan3A_402 = arith.constant 0 : i32
        %scan3A_403 = arith.constant 3 : i32
        %scan3A_404 = arith.addi %scan3A_156, %scan3A_403 : i32
        %get3A_405 = arith.constant 0 : i32
        %get3A_406 = arith.index_cast %get3A_405 : i32 to index
        %get3A_407 = arith.index_cast %scan3A_404 : i32 to index
        %get3A_408 = arith.constant 0 : index
        %get3A_409 = tpu.vector_load %arg7[%get3A_406, %get3A_407, %get3A_408] {strides = array<i32>} : memref<2x128x64xf32, #tpu.memory_space<vmem>>, vector<1x1x16xf32>,
        %get3A_410 = vector.shape_cast %get3A_409 : vector<1x1x16xf32> to vector<16xf32>
        %get3A_411 = arith.constant 0 : i32
        %get3A_412 = arith.index_cast %get3A_411 : i32 to index
        %get3A_413 = arith.index_cast %scan3A_404 : i32 to index
        %get3A_414 = arith.constant 0 : index
        %get3A_415 = tpu.vector_load %arg8[%get3A_412, %get3A_413, %get3A_414] {strides = array<i32>} : memref<2x128x64xf32, #tpu.memory_space<vmem>>, vector<1x1x16xf32>,
        %get3A_416 = vector.shape_cast %get3A_415 : vector<1x1x16xf32> to vector<16xf32>
        %add3A_417 = arith.addf %get3A_410, %get3A_416 : vector<16xf32>
        %swap3A_418 = arith.constant 0 : i32
        %swap3A_419 = arith.index_cast %swap3A_418 : i32 to index
        %swap3A_420 = arith.index_cast %scan3A_404 : i32 to index
        %swap3A_421 = arith.constant 0 : index
        %swap3A_422 = tpu.vector_load %arg7[%swap3A_419, %swap3A_420, %swap3A_421] {strides = array<i32>} : memref<2x128x64xf32, #tpu.memory_space<vmem>>, vector<1x1x16xf32>,
        %swap3A_423 = vector.shape_cast %swap3A_422 : vector<1x1x16xf32> to vector<16xf32>
        %swap3A_424 = vector.shape_cast %add3A_417 : vector<16xf32> to vector<1x1x16xf32>
        tpu.vector_store %arg7[%swap3A_419, %swap3A_420, %swap3A_421], %swap3A_424 {strides = array<i32>} : memref<2x128x64xf32, #tpu.memory_space<vmem>>, vector<1x1x16xf32>,
        %get3A_425 = arith.constant 0 : i32
        %get3A_426 = arith.index_cast %get3A_425 : i32 to index
        %get3A_427 = arith.index_cast %scan3A_404 : i32 to index
        %get3A_428 = arith.constant 16 : index
        %get3A_429 = tpu.vector_load %arg7[%get3A_426, %get3A_427, %get3A_428] {strides = array<i32>} : memref<2x128x64xf32, #tpu.memory_space<vmem>>, vector<1x1x16xf32>,
        %get3A_430 = vector.shape_cast %get3A_429 : vector<1x1x16xf32> to vector<16xf32>
        %get3A_431 = arith.constant 0 : i32
        %get3A_432 = arith.index_cast %get3A_431 : i32 to index
        %get3A_433 = arith.index_cast %scan3A_404 : i32 to index
        %get3A_434 = arith.constant 16 : index
        %get3A_435 = tpu.vector_load %arg8[%get3A_432, %get3A_433, %get3A_434] {strides = array<i32>} : memref<2x128x64xf32, #tpu.memory_space<vmem>>, vector<1x1x16xf32>,
        %get3A_436 = vector.shape_cast %get3A_435 : vector<1x1x16xf32> to vector<16xf32>
        %add3A_437 = arith.addf %get3A_430, %get3A_436 : vector<16xf32>
        %swap3A_438 = arith.constant 0 : i32
        %swap3A_439 = arith.index_cast %swap3A_438 : i32 to index
        %swap3A_440 = arith.index_cast %scan3A_404 : i32 to index
        %swap3A_441 = arith.constant 16 : index
        %swap3A_442 = tpu.vector_load %arg7[%swap3A_439, %swap3A_440, %swap3A_441] {strides = array<i32>} : memref<2x128x64xf32, #tpu.memory_space<vmem>>, vector<1x1x16xf32>,
        %swap3A_443 = vector.shape_cast %swap3A_442 : vector<1x1x16xf32> to vector<16xf32>
        %swap3A_444 = vector.shape_cast %add3A_437 : vector<16xf32> to vector<1x1x16xf32>
        tpu.vector_store %arg7[%swap3A_439, %swap3A_440, %swap3A_441], %swap3A_444 {strides = array<i32>} : memref<2x128x64xf32, #tpu.memory_space<vmem>>, vector<1x1x16xf32>,
        %get3A_445 = arith.constant 0 : i32
        %get3A_446 = arith.index_cast %get3A_445 : i32 to index
        %get3A_447 = arith.index_cast %scan3A_404 : i32 to index
        %get3A_448 = arith.constant 32 : index
        %get3A_449 = tpu.vector_load %arg7[%get3A_446, %get3A_447, %get3A_448] {strides = array<i32>} : memref<2x128x64xf32, #tpu.memory_space<vmem>>, vector<1x1x16xf32>,
        %get3A_450 = vector.shape_cast %get3A_449 : vector<1x1x16xf32> to vector<16xf32>
        %get3A_451 = arith.constant 0 : i32
        %get3A_452 = arith.index_cast %get3A_451 : i32 to index
        %get3A_453 = arith.index_cast %scan3A_404 : i32 to index
        %get3A_454 = arith.constant 32 : index
        %get3A_455 = tpu.vector_load %arg8[%get3A_452, %get3A_453, %get3A_454] {strides = array<i32>} : memref<2x128x64xf32, #tpu.memory_space<vmem>>, vector<1x1x16xf32>,
        %get3A_456 = vector.shape_cast %get3A_455 : vector<1x1x16xf32> to vector<16xf32>
        %add3A_457 = arith.addf %get3A_450, %get3A_456 : vector<16xf32>
        %swap3A_458 = arith.constant 0 : i32
        %swap3A_459 = arith.index_cast %swap3A_458 : i32 to index
        %swap3A_460 = arith.index_cast %scan3A_404 : i32 to index
        %swap3A_461 = arith.constant 32 : index
        %swap3A_462 = tpu.vector_load %arg7[%swap3A_459, %swap3A_460, %swap3A_461] {strides = array<i32>} : memref<2x128x64xf32, #tpu.memory_space<vmem>>, vector<1x1x16xf32>,
        %swap3A_463 = vector.shape_cast %swap3A_462 : vector<1x1x16xf32> to vector<16xf32>
        %swap3A_464 = vector.shape_cast %add3A_457 : vector<16xf32> to vector<1x1x16xf32>
        tpu.vector_store %arg7[%swap3A_459, %swap3A_460, %swap3A_461], %swap3A_464 {strides = array<i32>} : memref<2x128x64xf32, #tpu.memory_space<vmem>>, vector<1x1x16xf32>,
        %get3A_465 = arith.constant 0 : i32
        %get3A_466 = arith.index_cast %get3A_465 : i32 to index
        %get3A_467 = arith.index_cast %scan3A_404 : i32 to index
        %get3A_468 = arith.constant 48 : index
        %get3A_469 = tpu.vector_load %arg7[%get3A_466, %get3A_467, %get3A_468] {strides = array<i32>} : memref<2x128x64xf32, #tpu.memory_space<vmem>>, vector<1x1x16xf32>,
        %get3A_470 = vector.shape_cast %get3A_469 : vector<1x1x16xf32> to vector<16xf32>
        %get3A_471 = arith.constant 0 : i32
        %get3A_472 = arith.index_cast %get3A_471 : i32 to index
        %get3A_473 = arith.index_cast %scan3A_404 : i32 to index
        %get3A_474 = arith.constant 48 : index
        %get3A_475 = tpu.vector_load %arg8[%get3A_472, %get3A_473, %get3A_474] {strides = array<i32>} : memref<2x128x64xf32, #tpu.memory_space<vmem>>, vector<1x1x16xf32>,
        %get3A_476 = vector.shape_cast %get3A_475 : vector<1x1x16xf32> to vector<16xf32>
        %add3A_477 = arith.addf %get3A_470, %get3A_476 : vector<16xf32>
        %swap3A_478 = arith.constant 0 : i32
        %swap3A_479 = arith.index_cast %swap3A_478 : i32 to index
        %swap3A_480 = arith.index_cast %scan3A_404 : i32 to index
        %swap3A_481 = arith.constant 48 : index
        %swap3A_482 = tpu.vector_load %arg7[%swap3A_479, %swap3A_480, %swap3A_481] {strides = array<i32>} : memref<2x128x64xf32, #tpu.memory_space<vmem>>, vector<1x1x16xf32>,
        %swap3A_483 = vector.shape_cast %swap3A_482 : vector<1x1x16xf32> to vector<16xf32>
        %swap3A_484 = vector.shape_cast %add3A_477 : vector<16xf32> to vector<1x1x16xf32>
        tpu.vector_store %arg7[%swap3A_479, %swap3A_480, %swap3A_481], %swap3A_484 {strides = array<i32>} : memref<2x128x64xf32, #tpu.memory_space<vmem>>, vector<1x1x16xf32>,
        %scan3A_485 = arith.constant 0 : i32
        scf.yield %scan3A_485 : i32
      }
      %scan3A_103 = arith.constant 128 : i32
      %mul3A_104 = arith.constant 128 : i32
      %mul3A_105 = arith.muli %mul3A_37, %mul3A_104 : i32
      %add3A_106 = arith.addi %mul3A_2, %mul3A_105 : i32
      %run_scoped3A_107 = arith.constant 0 : i32
      "tpu.region"() ({
        %run_scoped3A_156 = tpu.sem_alloc : memref<!tpu.dma_semaphore, #tpu.memory_space<semaphore_mem>>
        %dma_start3A_157 = arith.constant 0 : i32
        %dma_start3A_158 = arith.constant 0 : i32
        %dma_start3A_159 = tpu.memref_slice %arg7[%run_scoped3A_107, %dma_start3A_157, %dma_start3A_158] : memref<2x128x64xf32, #tpu.memory_space<vmem>> -> memref<1x128x64xf32, #tpu.memory_space<vmem>>
        %dma_start3A_160 = tpu.memref_squeeze %dma_start3A_159 : memref<1x128x64xf32, #tpu.memory_space<vmem>> -> memref<128x64xf32, #tpu.memory_space<vmem>>
        %dma_start3A_161 = arith.constant 0 : i32
        %dma_start3A_162 = tpu.memref_slice %arg5[%add3A_106, %dma_start3A_161] : memref<131072x64xf32, #tpu.memory_space<hbm>> -> memref<128x64xf32, #tpu.memory_space<hbm>>
        %dma_start3A_163 = arith.constant 0 : i32
        %dma_start3A_164 = tpu.memref_slice %arg5[%add3A_106, %dma_start3A_163] : memref<131072x64xf32, #tpu.memory_space<hbm>> -> memref<128x64xf32, #tpu.memory_space<hbm>>
        %dma_start3A_165 = arith.constant 0 : i32
        %dma_start3A_166 = arith.constant 0 : i32
        %dma_start3A_167 = tpu.memref_slice %arg7[%run_scoped3A_107, %dma_start3A_165, %dma_start3A_166] : memref<2x128x64xf32, #tpu.memory_space<vmem>> -> memref<1x128x64xf32, #tpu.memory_space<vmem>>
        %dma_start3A_168 = tpu.memref_squeeze %dma_start3A_167 : memref<1x128x64xf32, #tpu.memory_space<vmem>> -> memref<128x64xf32, #tpu.memory_space<vmem>>
        tpu.enqueue_dma source(%dma_start3A_168 : memref<128x64xf32, #tpu.memory_space<vmem>>) target(%dma_start3A_164 : memref<128x64xf32, #tpu.memory_space<hbm>>) target_semaphore(%run_scoped3A_156 : memref<!tpu.dma_semaphore, #tpu.memory_space<semaphore_mem>>)
        %dma_wait3A_169 = arith.constant 0 : i32
        %dma_wait3A_170 = arith.constant 0 : i32
        %dma_wait3A_171 = tpu.memref_slice %arg7[%run_scoped3A_107, %dma_wait3A_169, %dma_wait3A_170] : memref<2x128x64xf32, #tpu.memory_space<vmem>> -> memref<1x128x64xf32, #tpu.memory_space<vmem>>
        %dma_wait3A_172 = tpu.memref_squeeze %dma_wait3A_171 : memref<1x128x64xf32, #tpu.memory_space<vmem>> -> memref<128x64xf32, #tpu.memory_space<vmem>>
        %dma_wait3A_173 = arith.constant 0 : i32
        %dma_wait3A_174 = tpu.memref_slice %arg5[%add3A_106, %dma_wait3A_173] : memref<131072x64xf32, #tpu.memory_space<hbm>> -> memref<128x64xf32, #tpu.memory_space<hbm>>
        %dma_wait3A_175 = arith.constant 0 : i32
        %dma_wait3A_176 = tpu.memref_slice %arg5[%add3A_106, %dma_wait3A_175] : memref<131072x64xf32, #tpu.memory_space<hbm>> -> memref<128x64xf32, #tpu.memory_space<hbm>>
        %dma_wait3A_177 = arith.constant 0 : i32
        %dma_wait3A_178 = arith.constant 0 : i32
        %dma_wait3A_179 = tpu.memref_slice %arg7[%run_scoped3A_107, %dma_wait3A_177, %dma_wait3A_178] : memref<2x128x64xf32, #tpu.memory_space<vmem>> -> memref<1x128x64xf32, #tpu.memory_space<vmem>>
        %dma_wait3A_180 = tpu.memref_squeeze %dma_wait3A_179 : memref<1x128x64xf32, #tpu.memory_space<vmem>> -> memref<128x64xf32, #tpu.memory_space<vmem>>
        tpu.wait_dma2 semaphore(%run_scoped3A_156 : memref<!tpu.dma_semaphore, #tpu.memory_space<semaphore_mem>>) src(%dma_wait3A_180 : memref<128x64xf32, #tpu.memory_space<vmem>>) dst(%dma_wait3A_176 : memref<128x64xf32, #tpu.memory_space<hbm>>)
        tpu.yield
      }) : () -> ()
      %add3A_108 = arith.constant 2 : i32
      %add3A_109 = arith.addi %mul3A_37, %add3A_108 : i32
      %lt3A = arith.constant 32 : i32
      %lt3A_110 = arith.cmpi slt, %add3A_109, %lt3A : i32
      %convert_element_type3A = arith.extui %lt3A_110 : i1 to i32
      %cond3A = arith.constant 0 : i32
      %cond3A_111 = arith.cmpi ne, %convert_element_type3A, %cond3A : i32
      scf.if %cond3A_111 {
        %add3A_156 = arith.constant 2 : i32
        %add3A_157 = arith.addi %mul3A_37, %add3A_156 : i32
        %mul3A_158 = arith.constant 128 : i32
        %mul3A_159 = arith.muli %add3A_157, %mul3A_158 : i32
        %add3A_160 = arith.addi %mul3A_2, %mul3A_159 : i32
        %run_scoped3A_161 = arith.constant 0 : i32
        "tpu.region"() ({
          %run_scoped3A_186 = tpu.sem_alloc : memref<!tpu.dma_semaphore, #tpu.memory_space<semaphore_mem>>
          %dma_start3A_187 = arith.constant 0 : i32
          %dma_start3A_188 = tpu.memref_slice %arg6[%run_scoped3A_161, %dma_start3A_187] : memref<2x128xi32, #tpu.memory_space<vmem>> -> memref<1x128xi32, #tpu.memory_space<vmem>>
          %dma_start3A_189 = tpu.memref_squeeze %dma_start3A_188 : memref<1x128xi32, #tpu.memory_space<vmem>> -> memref<128xi32, #tpu.memory_space<vmem>>
          %dma_start3A_190 = tpu.memref_slice %arg2[%add3A_160] : memref<131072xi32, #tpu.memory_space<hbm>> -> memref<128xi32, #tpu.memory_space<hbm>>
          %dma_start3A_191 = arith.constant 0 : i32
          %dma_start3A_192 = tpu.memref_slice %arg6[%run_scoped3A_161, %dma_start3A_191] : memref<2x128xi32, #tpu.memory_space<vmem>> -> memref<1x128xi32, #tpu.memory_space<vmem>>
          %dma_start3A_193 = tpu.memref_squeeze %dma_start3A_192 : memref<1x128xi32, #tpu.memory_space<vmem>> -> memref<128xi32, #tpu.memory_space<vmem>>
          %dma_start3A_194 = tpu.memref_slice %arg2[%add3A_160] : memref<131072xi32, #tpu.memory_space<hbm>> -> memref<128xi32, #tpu.memory_space<hbm>>
          tpu.enqueue_dma source(%dma_start3A_194 : memref<128xi32, #tpu.memory_space<hbm>>) target(%dma_start3A_193 : memref<128xi32, #tpu.memory_space<vmem>>) target_semaphore(%run_scoped3A_186 : memref<!tpu.dma_semaphore, #tpu.memory_space<semaphore_mem>>)
          %dma_wait3A_195 = arith.constant 0 : i32
          %dma_wait3A_196 = tpu.memref_slice %arg6[%run_scoped3A_161, %dma_wait3A_195] : memref<2x128xi32, #tpu.memory_space<vmem>> -> memref<1x128xi32, #tpu.memory_space<vmem>>
          %dma_wait3A_197 = tpu.memref_squeeze %dma_wait3A_196 : memref<1x128xi32, #tpu.memory_space<vmem>> -> memref<128xi32, #tpu.memory_space<vmem>>
          %dma_wait3A_198 = tpu.memref_slice %arg2[%add3A_160] : memref<131072xi32, #tpu.memory_space<hbm>> -> memref<128xi32, #tpu.memory_space<hbm>>
          %dma_wait3A_199 = arith.constant 0 : i32
          %dma_wait3A_200 = tpu.memref_slice %arg6[%run_scoped3A_161, %dma_wait3A_199] : memref<2x128xi32, #tpu.memory_space<vmem>> -> memref<1x128xi32, #tpu.memory_space<vmem>>
          %dma_wait3A_201 = tpu.memref_squeeze %dma_wait3A_200 : memref<1x128xi32, #tpu.memory_space<vmem>> -> memref<128xi32, #tpu.memory_space<vmem>>
          %dma_wait3A_202 = tpu.memref_slice %arg2[%add3A_160] : memref<131072xi32, #tpu.memory_space<hbm>> -> memref<128xi32, #tpu.memory_space<hbm>>
          tpu.wait_dma2 semaphore(%run_scoped3A_186 : memref<!tpu.dma_semaphore, #tpu.memory_space<semaphore_mem>>) src(%dma_wait3A_202 : memref<128xi32, #tpu.memory_space<hbm>>) dst(%dma_wait3A_201 : memref<128xi32, #tpu.memory_space<vmem>>)
          tpu.yield
        }) : () -> ()
        %scan3A_162 = arith.constant 0 : i32
        %scan3A_163 = arith.constant 0 : i32
        %scan3A_164 = arith.constant 8 : i32
        %scan3A_165 = arith.addi %scan3A_163, %scan3A_164 : i32
        %scan3A_166 = arith.constant 1 : i32
        %scan3A_167 = scf.for %scan3A_186 = %scan3A_163 to %scan3A_165 step %scan3A_166 iter_args(%scan3A_187 = %scan3A_162) -> (i32)  : i32 {
          %mul3A_188 = arith.constant 16 : i32
          %mul3A_189 = arith.muli %scan3A_186, %mul3A_188 : i32
          %get3A = arith.constant 0 : i32
          %get3A_190 = arith.index_cast %get3A : i32 to index
          %get3A_191 = arith.index_cast %mul3A_189 : i32 to index
          %get3A_192 = tpu.vector_load %arg6[%get3A_190, %get3A_191] {strides = array<i32>} : memref<2x128xi32, #tpu.memory_space<vmem>>, vector<1x16xi32>,
          %get3A_193 = vector.shape_cast %get3A_192 : vector<1x16xi32> to vector<16xi32>
          %slice3A = vector.extract_strided_slice %get3A_193 {offsets = [0], sizes = [1], strides = [1]} : vector<16xi32> to vector<1xi32>
          %squeeze3A = vector.extract %slice3A[0] : i32 from vector<1xi32>
          %mul3A_194 = arith.constant 16 : i32
          %mul3A_195 = arith.muli %scan3A_186, %mul3A_194 : i32
          %add3A_196 = arith.constant 0 : i32
          %add3A_197 = arith.addi %mul3A_195, %add3A_196 : i32
          %dma_start3A_198 = arith.constant 0 : i32
          %dma_start3A_199 = arith.constant 0 : i32
          %dma_start3A_200 = tpu.memref_slice %arg7[%dma_start3A_198, %add3A_197, %dma_start3A_199] : memref<2x128x64xf32, #tpu.memory_space<vmem>> -> memref<1x1x64xf32, #tpu.memory_space<vmem>>
          %dma_start3A_201 = tpu.memref_squeeze %dma_start3A_200 : memref<1x1x64xf32, #tpu.memory_space<vmem>> -> memref<64xf32, #tpu.memory_space<vmem>>
          %dma_start3A_202 = arith.constant 0 : i32
          %dma_start3A_203 = tpu.memref_slice %arg3[%squeeze3A, %dma_start3A_202] : memref<1000000x64xf32, #tpu.memory_space<hbm>> -> memref<1x64xf32, #tpu.memory_space<hbm>>
          %dma_start3A_204 = tpu.memref_squeeze %dma_start3A_203 : memref<1x64xf32, #tpu.memory_space<hbm>> -> memref<64xf32, #tpu.memory_space<hbm>>
          %dma_start3A_205 = arith.constant 0 : i32
          %dma_start3A_206 = tpu.memref_slice %arg7[%dma_start3A_198, %add3A_197, %dma_start3A_205] : memref<2x128x64xf32, #tpu.memory_space<vmem>> -> memref<1x1x64xf32, #tpu.memory_space<vmem>>
          %dma_start3A_207 = tpu.memref_squeeze %dma_start3A_206 : memref<1x1x64xf32, #tpu.memory_space<vmem>> -> memref<64xf32, #tpu.memory_space<vmem>>
          %dma_start3A_208 = arith.constant 0 : i32
          %dma_start3A_209 = tpu.memref_slice %arg3[%squeeze3A, %dma_start3A_208] : memref<1000000x64xf32, #tpu.memory_space<hbm>> -> memref<1x64xf32, #tpu.memory_space<hbm>>
          %dma_start3A_210 = tpu.memref_squeeze %dma_start3A_209 : memref<1x64xf32, #tpu.memory_space<hbm>> -> memref<64xf32, #tpu.memory_space<hbm>>
          tpu.enqueue_dma source(%dma_start3A_210 : memref<64xf32, #tpu.memory_space<hbm>>) target(%dma_start3A_207 : memref<64xf32, #tpu.memory_space<vmem>>) target_semaphore(%arg9 : memref<!tpu.dma_semaphore, #tpu.memory_space<semaphore_mem>>)
          %slice3A_211 = vector.extract_strided_slice %get3A_193 {offsets = [1], sizes = [1], strides = [1]} : vector<16xi32> to vector<1xi32>
          %squeeze3A_212 = vector.extract %slice3A_211[0] : i32 from vector<1xi32>
          %mul3A_213 = arith.constant 16 : i32
          %mul3A_214 = arith.muli %scan3A_186, %mul3A_213 : i32
          %add3A_215 = arith.constant 1 : i32
          %add3A_216 = arith.addi %mul3A_214, %add3A_215 : i32
          %dma_start3A_217 = arith.constant 0 : i32
          %dma_start3A_218 = arith.constant 0 : i32
          %dma_start3A_219 = tpu.memref_slice %arg7[%dma_start3A_217, %add3A_216, %dma_start3A_218] : memref<2x128x64xf32, #tpu.memory_space<vmem>> -> memref<1x1x64xf32, #tpu.memory_space<vmem>>
          %dma_start3A_220 = tpu.memref_squeeze %dma_start3A_219 : memref<1x1x64xf32, #tpu.memory_space<vmem>> -> memref<64xf32, #tpu.memory_space<vmem>>
          %dma_start3A_221 = arith.constant 0 : i32
          %dma_start3A_222 = tpu.memref_slice %arg3[%squeeze3A_212, %dma_start3A_221] : memref<1000000x64xf32, #tpu.memory_space<hbm>> -> memref<1x64xf32, #tpu.memory_space<hbm>>
          %dma_start3A_223 = tpu.memref_squeeze %dma_start3A_222 : memref<1x64xf32, #tpu.memory_space<hbm>> -> memref<64xf32, #tpu.memory_space<hbm>>
          %dma_start3A_224 = arith.constant 0 : i32
          %dma_start3A_225 = tpu.memref_slice %arg7[%dma_start3A_217, %add3A_216, %dma_start3A_224] : memref<2x128x64xf32, #tpu.memory_space<vmem>> -> memref<1x1x64xf32, #tpu.memory_space<vmem>>
          %dma_start3A_226 = tpu.memref_squeeze %dma_start3A_225 : memref<1x1x64xf32, #tpu.memory_space<vmem>> -> memref<64xf32, #tpu.memory_space<vmem>>
          %dma_start3A_227 = arith.constant 0 : i32
          %dma_start3A_228 = tpu.memref_slice %arg3[%squeeze3A_212, %dma_start3A_227] : memref<1000000x64xf32, #tpu.memory_space<hbm>> -> memref<1x64xf32, #tpu.memory_space<hbm>>
          %dma_start3A_229 = tpu.memref_squeeze %dma_start3A_228 : memref<1x64xf32, #tpu.memory_space<hbm>> -> memref<64xf32, #tpu.memory_space<hbm>>
          tpu.enqueue_dma source(%dma_start3A_229 : memref<64xf32, #tpu.memory_space<hbm>>) target(%dma_start3A_226 : memref<64xf32, #tpu.memory_space<vmem>>) target_semaphore(%arg9 : memref<!tpu.dma_semaphore, #tpu.memory_space<semaphore_mem>>)
          %slice3A_230 = vector.extract_strided_slice %get3A_193 {offsets = [2], sizes = [1], strides = [1]} : vector<16xi32> to vector<1xi32>
          %squeeze3A_231 = vector.extract %slice3A_230[0] : i32 from vector<1xi32>
          %mul3A_232 = arith.constant 16 : i32
          %mul3A_233 = arith.muli %scan3A_186, %mul3A_232 : i32
          %add3A_234 = arith.constant 2 : i32
          %add3A_235 = arith.addi %mul3A_233, %add3A_234 : i32
          %dma_start3A_236 = arith.constant 0 : i32
          %dma_start3A_237 = arith.constant 0 : i32
          %dma_start3A_238 = tpu.memref_slice %arg7[%dma_start3A_236, %add3A_235, %dma_start3A_237] : memref<2x128x64xf32, #tpu.memory_space<vmem>> -> memref<1x1x64xf32, #tpu.memory_space<vmem>>
          %dma_start3A_239 = tpu.memref_squeeze %dma_start3A_238 : memref<1x1x64xf32, #tpu.memory_space<vmem>> -> memref<64xf32, #tpu.memory_space<vmem>>
          %dma_start3A_240 = arith.constant 0 : i32
          %dma_start3A_241 = tpu.memref_slice %arg3[%squeeze3A_231, %dma_start3A_240] : memref<1000000x64xf32, #tpu.memory_space<hbm>> -> memref<1x64xf32, #tpu.memory_space<hbm>>
          %dma_start3A_242 = tpu.memref_squeeze %dma_start3A_241 : memref<1x64xf32, #tpu.memory_space<hbm>> -> memref<64xf32, #tpu.memory_space<hbm>>
          %dma_start3A_243 = arith.constant 0 : i32
          %dma_start3A_244 = tpu.memref_slice %arg7[%dma_start3A_236, %add3A_235, %dma_start3A_243] : memref<2x128x64xf32, #tpu.memory_space<vmem>> -> memref<1x1x64xf32, #tpu.memory_space<vmem>>
          %dma_start3A_245 = tpu.memref_squeeze %dma_start3A_244 : memref<1x1x64xf32, #tpu.memory_space<vmem>> -> memref<64xf32, #tpu.memory_space<vmem>>
          %dma_start3A_246 = arith.constant 0 : i32
          %dma_start3A_247 = tpu.memref_slice %arg3[%squeeze3A_231, %dma_start3A_246] : memref<1000000x64xf32, #tpu.memory_space<hbm>> -> memref<1x64xf32, #tpu.memory_space<hbm>>
          %dma_start3A_248 = tpu.memref_squeeze %dma_start3A_247 : memref<1x64xf32, #tpu.memory_space<hbm>> -> memref<64xf32, #tpu.memory_space<hbm>>
          tpu.enqueue_dma source(%dma_start3A_248 : memref<64xf32, #tpu.memory_space<hbm>>) target(%dma_start3A_245 : memref<64xf32, #tpu.memory_space<vmem>>) target_semaphore(%arg9 : memref<!tpu.dma_semaphore, #tpu.memory_space<semaphore_mem>>)
          %slice3A_249 = vector.extract_strided_slice %get3A_193 {offsets = [3], sizes = [1], strides = [1]} : vector<16xi32> to vector<1xi32>
          %squeeze3A_250 = vector.extract %slice3A_249[0] : i32 from vector<1xi32>
          %mul3A_251 = arith.constant 16 : i32
          %mul3A_252 = arith.muli %scan3A_186, %mul3A_251 : i32
          %add3A_253 = arith.constant 3 : i32
          %add3A_254 = arith.addi %mul3A_252, %add3A_253 : i32
          %dma_start3A_255 = arith.constant 0 : i32
          %dma_start3A_256 = arith.constant 0 : i32
          %dma_start3A_257 = tpu.memref_slice %arg7[%dma_start3A_255, %add3A_254, %dma_start3A_256] : memref<2x128x64xf32, #tpu.memory_space<vmem>> -> memref<1x1x64xf32, #tpu.memory_space<vmem>>
          %dma_start3A_258 = tpu.memref_squeeze %dma_start3A_257 : memref<1x1x64xf32, #tpu.memory_space<vmem>> -> memref<64xf32, #tpu.memory_space<vmem>>
          %dma_start3A_259 = arith.constant 0 : i32
          %dma_start3A_260 = tpu.memref_slice %arg3[%squeeze3A_250, %dma_start3A_259] : memref<1000000x64xf32, #tpu.memory_space<hbm>> -> memref<1x64xf32, #tpu.memory_space<hbm>>
          %dma_start3A_261 = tpu.memref_squeeze %dma_start3A_260 : memref<1x64xf32, #tpu.memory_space<hbm>> -> memref<64xf32, #tpu.memory_space<hbm>>
          %dma_start3A_262 = arith.constant 0 : i32
          %dma_start3A_263 = tpu.memref_slice %arg7[%dma_start3A_255, %add3A_254, %dma_start3A_262] : memref<2x128x64xf32, #tpu.memory_space<vmem>> -> memref<1x1x64xf32, #tpu.memory_space<vmem>>
          %dma_start3A_264 = tpu.memref_squeeze %dma_start3A_263 : memref<1x1x64xf32, #tpu.memory_space<vmem>> -> memref<64xf32, #tpu.memory_space<vmem>>
          %dma_start3A_265 = arith.constant 0 : i32
          %dma_start3A_266 = tpu.memref_slice %arg3[%squeeze3A_250, %dma_start3A_265] : memref<1000000x64xf32, #tpu.memory_space<hbm>> -> memref<1x64xf32, #tpu.memory_space<hbm>>
          %dma_start3A_267 = tpu.memref_squeeze %dma_start3A_266 : memref<1x64xf32, #tpu.memory_space<hbm>> -> memref<64xf32, #tpu.memory_space<hbm>>
          tpu.enqueue_dma source(%dma_start3A_267 : memref<64xf32, #tpu.memory_space<hbm>>) target(%dma_start3A_264 : memref<64xf32, #tpu.memory_space<vmem>>) target_semaphore(%arg9 : memref<!tpu.dma_semaphore, #tpu.memory_space<semaphore_mem>>)
          %slice3A_268 = vector.extract_strided_slice %get3A_193 {offsets = [4], sizes = [1], strides = [1]} : vector<16xi32> to vector<1xi32>
          %squeeze3A_269 = vector.extract %slice3A_268[0] : i32 from vector<1xi32>
          %mul3A_270 = arith.constant 16 : i32
          %mul3A_271 = arith.muli %scan3A_186, %mul3A_270 : i32
          %add3A_272 = arith.constant 4 : i32
          %add3A_273 = arith.addi %mul3A_271, %add3A_272 : i32
          %dma_start3A_274 = arith.constant 0 : i32
          %dma_start3A_275 = arith.constant 0 : i32
          %dma_start3A_276 = tpu.memref_slice %arg7[%dma_start3A_274, %add3A_273, %dma_start3A_275] : memref<2x128x64xf32, #tpu.memory_space<vmem>> -> memref<1x1x64xf32, #tpu.memory_space<vmem>>
          %dma_start3A_277 = tpu.memref_squeeze %dma_start3A_276 : memref<1x1x64xf32, #tpu.memory_space<vmem>> -> memref<64xf32, #tpu.memory_space<vmem>>
          %dma_start3A_278 = arith.constant 0 : i32
          %dma_start3A_279 = tpu.memref_slice %arg3[%squeeze3A_269, %dma_start3A_278] : memref<1000000x64xf32, #tpu.memory_space<hbm>> -> memref<1x64xf32, #tpu.memory_space<hbm>>
          %dma_start3A_280 = tpu.memref_squeeze %dma_start3A_279 : memref<1x64xf32, #tpu.memory_space<hbm>> -> memref<64xf32, #tpu.memory_space<hbm>>
          %dma_start3A_281 = arith.constant 0 : i32
          %dma_start3A_282 = tpu.memref_slice %arg7[%dma_start3A_274, %add3A_273, %dma_start3A_281] : memref<2x128x64xf32, #tpu.memory_space<vmem>> -> memref<1x1x64xf32, #tpu.memory_space<vmem>>
          %dma_start3A_283 = tpu.memref_squeeze %dma_start3A_282 : memref<1x1x64xf32, #tpu.memory_space<vmem>> -> memref<64xf32, #tpu.memory_space<vmem>>
          %dma_start3A_284 = arith.constant 0 : i32
          %dma_start3A_285 = tpu.memref_slice %arg3[%squeeze3A_269, %dma_start3A_284] : memref<1000000x64xf32, #tpu.memory_space<hbm>> -> memref<1x64xf32, #tpu.memory_space<hbm>>
          %dma_start3A_286 = tpu.memref_squeeze %dma_start3A_285 : memref<1x64xf32, #tpu.memory_space<hbm>> -> memref<64xf32, #tpu.memory_space<hbm>>
          tpu.enqueue_dma source(%dma_start3A_286 : memref<64xf32, #tpu.memory_space<hbm>>) target(%dma_start3A_283 : memref<64xf32, #tpu.memory_space<vmem>>) target_semaphore(%arg9 : memref<!tpu.dma_semaphore, #tpu.memory_space<semaphore_mem>>)
          %slice3A_287 = vector.extract_strided_slice %get3A_193 {offsets = [5], sizes = [1], strides = [1]} : vector<16xi32> to vector<1xi32>
          %squeeze3A_288 = vector.extract %slice3A_287[0] : i32 from vector<1xi32>
          %mul3A_289 = arith.constant 16 : i32
          %mul3A_290 = arith.muli %scan3A_186, %mul3A_289 : i32
          %add3A_291 = arith.constant 5 : i32
          %add3A_292 = arith.addi %mul3A_290, %add3A_291 : i32
          %dma_start3A_293 = arith.constant 0 : i32
          %dma_start3A_294 = arith.constant 0 : i32
          %dma_start3A_295 = tpu.memref_slice %arg7[%dma_start3A_293, %add3A_292, %dma_start3A_294] : memref<2x128x64xf32, #tpu.memory_space<vmem>> -> memref<1x1x64xf32, #tpu.memory_space<vmem>>
          %dma_start3A_296 = tpu.memref_squeeze %dma_start3A_295 : memref<1x1x64xf32, #tpu.memory_space<vmem>> -> memref<64xf32, #tpu.memory_space<vmem>>
          %dma_start3A_297 = arith.constant 0 : i32
          %dma_start3A_298 = tpu.memref_slice %arg3[%squeeze3A_288, %dma_start3A_297] : memref<1000000x64xf32, #tpu.memory_space<hbm>> -> memref<1x64xf32, #tpu.memory_space<hbm>>
          %dma_start3A_299 = tpu.memref_squeeze %dma_start3A_298 : memref<1x64xf32, #tpu.memory_space<hbm>> -> memref<64xf32, #tpu.memory_space<hbm>>
          %dma_start3A_300 = arith.constant 0 : i32
          %dma_start3A_301 = tpu.memref_slice %arg7[%dma_start3A_293, %add3A_292, %dma_start3A_300] : memref<2x128x64xf32, #tpu.memory_space<vmem>> -> memref<1x1x64xf32, #tpu.memory_space<vmem>>
          %dma_start3A_302 = tpu.memref_squeeze %dma_start3A_301 : memref<1x1x64xf32, #tpu.memory_space<vmem>> -> memref<64xf32, #tpu.memory_space<vmem>>
          %dma_start3A_303 = arith.constant 0 : i32
          %dma_start3A_304 = tpu.memref_slice %arg3[%squeeze3A_288, %dma_start3A_303] : memref<1000000x64xf32, #tpu.memory_space<hbm>> -> memref<1x64xf32, #tpu.memory_space<hbm>>
          %dma_start3A_305 = tpu.memref_squeeze %dma_start3A_304 : memref<1x64xf32, #tpu.memory_space<hbm>> -> memref<64xf32, #tpu.memory_space<hbm>>
          tpu.enqueue_dma source(%dma_start3A_305 : memref<64xf32, #tpu.memory_space<hbm>>) target(%dma_start3A_302 : memref<64xf32, #tpu.memory_space<vmem>>) target_semaphore(%arg9 : memref<!tpu.dma_semaphore, #tpu.memory_space<semaphore_mem>>)
          %slice3A_306 = vector.extract_strided_slice %get3A_193 {offsets = [6], sizes = [1], strides = [1]} : vector<16xi32> to vector<1xi32>
          %squeeze3A_307 = vector.extract %slice3A_306[0] : i32 from vector<1xi32>
          %mul3A_308 = arith.constant 16 : i32
          %mul3A_309 = arith.muli %scan3A_186, %mul3A_308 : i32
          %add3A_310 = arith.constant 6 : i32
          %add3A_311 = arith.addi %mul3A_309, %add3A_310 : i32
          %dma_start3A_312 = arith.constant 0 : i32
          %dma_start3A_313 = arith.constant 0 : i32
          %dma_start3A_314 = tpu.memref_slice %arg7[%dma_start3A_312, %add3A_311, %dma_start3A_313] : memref<2x128x64xf32, #tpu.memory_space<vmem>> -> memref<1x1x64xf32, #tpu.memory_space<vmem>>
          %dma_start3A_315 = tpu.memref_squeeze %dma_start3A_314 : memref<1x1x64xf32, #tpu.memory_space<vmem>> -> memref<64xf32, #tpu.memory_space<vmem>>
          %dma_start3A_316 = arith.constant 0 : i32
          %dma_start3A_317 = tpu.memref_slice %arg3[%squeeze3A_307, %dma_start3A_316] : memref<1000000x64xf32, #tpu.memory_space<hbm>> -> memref<1x64xf32, #tpu.memory_space<hbm>>
          %dma_start3A_318 = tpu.memref_squeeze %dma_start3A_317 : memref<1x64xf32, #tpu.memory_space<hbm>> -> memref<64xf32, #tpu.memory_space<hbm>>
          %dma_start3A_319 = arith.constant 0 : i32
          %dma_start3A_320 = tpu.memref_slice %arg7[%dma_start3A_312, %add3A_311, %dma_start3A_319] : memref<2x128x64xf32, #tpu.memory_space<vmem>> -> memref<1x1x64xf32, #tpu.memory_space<vmem>>
          %dma_start3A_321 = tpu.memref_squeeze %dma_start3A_320 : memref<1x1x64xf32, #tpu.memory_space<vmem>> -> memref<64xf32, #tpu.memory_space<vmem>>
          %dma_start3A_322 = arith.constant 0 : i32
          %dma_start3A_323 = tpu.memref_slice %arg3[%squeeze3A_307, %dma_start3A_322] : memref<1000000x64xf32, #tpu.memory_space<hbm>> -> memref<1x64xf32, #tpu.memory_space<hbm>>
          %dma_start3A_324 = tpu.memref_squeeze %dma_start3A_323 : memref<1x64xf32, #tpu.memory_space<hbm>> -> memref<64xf32, #tpu.memory_space<hbm>>
          tpu.enqueue_dma source(%dma_start3A_324 : memref<64xf32, #tpu.memory_space<hbm>>) target(%dma_start3A_321 : memref<64xf32, #tpu.memory_space<vmem>>) target_semaphore(%arg9 : memref<!tpu.dma_semaphore, #tpu.memory_space<semaphore_mem>>)
          %slice3A_325 = vector.extract_strided_slice %get3A_193 {offsets = [7], sizes = [1], strides = [1]} : vector<16xi32> to vector<1xi32>
          %squeeze3A_326 = vector.extract %slice3A_325[0] : i32 from vector<1xi32>
          %mul3A_327 = arith.constant 16 : i32
          %mul3A_328 = arith.muli %scan3A_186, %mul3A_327 : i32
          %add3A_329 = arith.constant 7 : i32
          %add3A_330 = arith.addi %mul3A_328, %add3A_329 : i32
          %dma_start3A_331 = arith.constant 0 : i32
          %dma_start3A_332 = arith.constant 0 : i32
          %dma_start3A_333 = tpu.memref_slice %arg7[%dma_start3A_331, %add3A_330, %dma_start3A_332] : memref<2x128x64xf32, #tpu.memory_space<vmem>> -> memref<1x1x64xf32, #tpu.memory_space<vmem>>
          %dma_start3A_334 = tpu.memref_squeeze %dma_start3A_333 : memref<1x1x64xf32, #tpu.memory_space<vmem>> -> memref<64xf32, #tpu.memory_space<vmem>>
          %dma_start3A_335 = arith.constant 0 : i32
          %dma_start3A_336 = tpu.memref_slice %arg3[%squeeze3A_326, %dma_start3A_335] : memref<1000000x64xf32, #tpu.memory_space<hbm>> -> memref<1x64xf32, #tpu.memory_space<hbm>>
          %dma_start3A_337 = tpu.memref_squeeze %dma_start3A_336 : memref<1x64xf32, #tpu.memory_space<hbm>> -> memref<64xf32, #tpu.memory_space<hbm>>
          %dma_start3A_338 = arith.constant 0 : i32
          %dma_start3A_339 = tpu.memref_slice %arg7[%dma_start3A_331, %add3A_330, %dma_start3A_338] : memref<2x128x64xf32, #tpu.memory_space<vmem>> -> memref<1x1x64xf32, #tpu.memory_space<vmem>>
          %dma_start3A_340 = tpu.memref_squeeze %dma_start3A_339 : memref<1x1x64xf32, #tpu.memory_space<vmem>> -> memref<64xf32, #tpu.memory_space<vmem>>
          %dma_start3A_341 = arith.constant 0 : i32
          %dma_start3A_342 = tpu.memref_slice %arg3[%squeeze3A_326, %dma_start3A_341] : memref<1000000x64xf32, #tpu.memory_space<hbm>> -> memref<1x64xf32, #tpu.memory_space<hbm>>
          %dma_start3A_343 = tpu.memref_squeeze %dma_start3A_342 : memref<1x64xf32, #tpu.memory_space<hbm>> -> memref<64xf32, #tpu.memory_space<hbm>>
          tpu.enqueue_dma source(%dma_start3A_343 : memref<64xf32, #tpu.memory_space<hbm>>) target(%dma_start3A_340 : memref<64xf32, #tpu.memory_space<vmem>>) target_semaphore(%arg9 : memref<!tpu.dma_semaphore, #tpu.memory_space<semaphore_mem>>)
          %slice3A_344 = vector.extract_strided_slice %get3A_193 {offsets = [8], sizes = [1], strides = [1]} : vector<16xi32> to vector<1xi32>
          %squeeze3A_345 = vector.extract %slice3A_344[0] : i32 from vector<1xi32>
          %mul3A_346 = arith.constant 16 : i32
          %mul3A_347 = arith.muli %scan3A_186, %mul3A_346 : i32
          %add3A_348 = arith.constant 8 : i32
          %add3A_349 = arith.addi %mul3A_347, %add3A_348 : i32
          %dma_start3A_350 = arith.constant 0 : i32
          %dma_start3A_351 = arith.constant 0 : i32
          %dma_start3A_352 = tpu.memref_slice %arg7[%dma_start3A_350, %add3A_349, %dma_start3A_351] : memref<2x128x64xf32, #tpu.memory_space<vmem>> -> memref<1x1x64xf32, #tpu.memory_space<vmem>>
          %dma_start3A_353 = tpu.memref_squeeze %dma_start3A_352 : memref<1x1x64xf32, #tpu.memory_space<vmem>> -> memref<64xf32, #tpu.memory_space<vmem>>
          %dma_start3A_354 = arith.constant 0 : i32
          %dma_start3A_355 = tpu.memref_slice %arg3[%squeeze3A_345, %dma_start3A_354] : memref<1000000x64xf32, #tpu.memory_space<hbm>> -> memref<1x64xf32, #tpu.memory_space<hbm>>
          %dma_start3A_356 = tpu.memref_squeeze %dma_start3A_355 : memref<1x64xf32, #tpu.memory_space<hbm>> -> memref<64xf32, #tpu.memory_space<hbm>>
          %dma_start3A_357 = arith.constant 0 : i32
          %dma_start3A_358 = tpu.memref_slice %arg7[%dma_start3A_350, %add3A_349, %dma_start3A_357] : memref<2x128x64xf32, #tpu.memory_space<vmem>> -> memref<1x1x64xf32, #tpu.memory_space<vmem>>
          %dma_start3A_359 = tpu.memref_squeeze %dma_start3A_358 : memref<1x1x64xf32, #tpu.memory_space<vmem>> -> memref<64xf32, #tpu.memory_space<vmem>>
          %dma_start3A_360 = arith.constant 0 : i32
          %dma_start3A_361 = tpu.memref_slice %arg3[%squeeze3A_345, %dma_start3A_360] : memref<1000000x64xf32, #tpu.memory_space<hbm>> -> memref<1x64xf32, #tpu.memory_space<hbm>>
          %dma_start3A_362 = tpu.memref_squeeze %dma_start3A_361 : memref<1x64xf32, #tpu.memory_space<hbm>> -> memref<64xf32, #tpu.memory_space<hbm>>
          tpu.enqueue_dma source(%dma_start3A_362 : memref<64xf32, #tpu.memory_space<hbm>>) target(%dma_start3A_359 : memref<64xf32, #tpu.memory_space<vmem>>) target_semaphore(%arg9 : memref<!tpu.dma_semaphore, #tpu.memory_space<semaphore_mem>>)
          %slice3A_363 = vector.extract_strided_slice %get3A_193 {offsets = [9], sizes = [1], strides = [1]} : vector<16xi32> to vector<1xi32>
          %squeeze3A_364 = vector.extract %slice3A_363[0] : i32 from vector<1xi32>
          %mul3A_365 = arith.constant 16 : i32
          %mul3A_366 = arith.muli %scan3A_186, %mul3A_365 : i32
          %add3A_367 = arith.constant 9 : i32
          %add3A_368 = arith.addi %mul3A_366, %add3A_367 : i32
          %dma_start3A_369 = arith.constant 0 : i32
          %dma_start3A_370 = arith.constant 0 : i32
          %dma_start3A_371 = tpu.memref_slice %arg7[%dma_start3A_369, %add3A_368, %dma_start3A_370] : memref<2x128x64xf32, #tpu.memory_space<vmem>> -> memref<1x1x64xf32, #tpu.memory_space<vmem>>
          %dma_start3A_372 = tpu.memref_squeeze %dma_start3A_371 : memref<1x1x64xf32, #tpu.memory_space<vmem>> -> memref<64xf32, #tpu.memory_space<vmem>>
          %dma_start3A_373 = arith.constant 0 : i32
          %dma_start3A_374 = tpu.memref_slice %arg3[%squeeze3A_364, %dma_start3A_373] : memref<1000000x64xf32, #tpu.memory_space<hbm>> -> memref<1x64xf32, #tpu.memory_space<hbm>>
          %dma_start3A_375 = tpu.memref_squeeze %dma_start3A_374 : memref<1x64xf32, #tpu.memory_space<hbm>> -> memref<64xf32, #tpu.memory_space<hbm>>
          %dma_start3A_376 = arith.constant 0 : i32
          %dma_start3A_377 = tpu.memref_slice %arg7[%dma_start3A_369, %add3A_368, %dma_start3A_376] : memref<2x128x64xf32, #tpu.memory_space<vmem>> -> memref<1x1x64xf32, #tpu.memory_space<vmem>>
          %dma_start3A_378 = tpu.memref_squeeze %dma_start3A_377 : memref<1x1x64xf32, #tpu.memory_space<vmem>> -> memref<64xf32, #tpu.memory_space<vmem>>
          %dma_start3A_379 = arith.constant 0 : i32
          %dma_start3A_380 = tpu.memref_slice %arg3[%squeeze3A_364, %dma_start3A_379] : memref<1000000x64xf32, #tpu.memory_space<hbm>> -> memref<1x64xf32, #tpu.memory_space<hbm>>
          %dma_start3A_381 = tpu.memref_squeeze %dma_start3A_380 : memref<1x64xf32, #tpu.memory_space<hbm>> -> memref<64xf32, #tpu.memory_space<hbm>>
          tpu.enqueue_dma source(%dma_start3A_381 : memref<64xf32, #tpu.memory_space<hbm>>) target(%dma_start3A_378 : memref<64xf32, #tpu.memory_space<vmem>>) target_semaphore(%arg9 : memref<!tpu.dma_semaphore, #tpu.memory_space<semaphore_mem>>)
          %slice3A_382 = vector.extract_strided_slice %get3A_193 {offsets = [10], sizes = [1], strides = [1]} : vector<16xi32> to vector<1xi32>
          %squeeze3A_383 = vector.extract %slice3A_382[0] : i32 from vector<1xi32>
          %mul3A_384 = arith.constant 16 : i32
          %mul3A_385 = arith.muli %scan3A_186, %mul3A_384 : i32
          %add3A_386 = arith.constant 10 : i32
          %add3A_387 = arith.addi %mul3A_385, %add3A_386 : i32
          %dma_start3A_388 = arith.constant 0 : i32
          %dma_start3A_389 = arith.constant 0 : i32
          %dma_start3A_390 = tpu.memref_slice %arg7[%dma_start3A_388, %add3A_387, %dma_start3A_389] : memref<2x128x64xf32, #tpu.memory_space<vmem>> -> memref<1x1x64xf32, #tpu.memory_space<vmem>>
          %dma_start3A_391 = tpu.memref_squeeze %dma_start3A_390 : memref<1x1x64xf32, #tpu.memory_space<vmem>> -> memref<64xf32, #tpu.memory_space<vmem>>
          %dma_start3A_392 = arith.constant 0 : i32
          %dma_start3A_393 = tpu.memref_slice %arg3[%squeeze3A_383, %dma_start3A_392] : memref<1000000x64xf32, #tpu.memory_space<hbm>> -> memref<1x64xf32, #tpu.memory_space<hbm>>
          %dma_start3A_394 = tpu.memref_squeeze %dma_start3A_393 : memref<1x64xf32, #tpu.memory_space<hbm>> -> memref<64xf32, #tpu.memory_space<hbm>>
          %dma_start3A_395 = arith.constant 0 : i32
          %dma_start3A_396 = tpu.memref_slice %arg7[%dma_start3A_388, %add3A_387, %dma_start3A_395] : memref<2x128x64xf32, #tpu.memory_space<vmem>> -> memref<1x1x64xf32, #tpu.memory_space<vmem>>
          %dma_start3A_397 = tpu.memref_squeeze %dma_start3A_396 : memref<1x1x64xf32, #tpu.memory_space<vmem>> -> memref<64xf32, #tpu.memory_space<vmem>>
          %dma_start3A_398 = arith.constant 0 : i32
          %dma_start3A_399 = tpu.memref_slice %arg3[%squeeze3A_383, %dma_start3A_398] : memref<1000000x64xf32, #tpu.memory_space<hbm>> -> memref<1x64xf32, #tpu.memory_space<hbm>>
          %dma_start3A_400 = tpu.memref_squeeze %dma_start3A_399 : memref<1x64xf32, #tpu.memory_space<hbm>> -> memref<64xf32, #tpu.memory_space<hbm>>
          tpu.enqueue_dma source(%dma_start3A_400 : memref<64xf32, #tpu.memory_space<hbm>>) target(%dma_start3A_397 : memref<64xf32, #tpu.memory_space<vmem>>) target_semaphore(%arg9 : memref<!tpu.dma_semaphore, #tpu.memory_space<semaphore_mem>>)
          %slice3A_401 = vector.extract_strided_slice %get3A_193 {offsets = [11], sizes = [1], strides = [1]} : vector<16xi32> to vector<1xi32>
          %squeeze3A_402 = vector.extract %slice3A_401[0] : i32 from vector<1xi32>
          %mul3A_403 = arith.constant 16 : i32
          %mul3A_404 = arith.muli %scan3A_186, %mul3A_403 : i32
          %add3A_405 = arith.constant 11 : i32
          %add3A_406 = arith.addi %mul3A_404, %add3A_405 : i32
          %dma_start3A_407 = arith.constant 0 : i32
          %dma_start3A_408 = arith.constant 0 : i32
          %dma_start3A_409 = tpu.memref_slice %arg7[%dma_start3A_407, %add3A_406, %dma_start3A_408] : memref<2x128x64xf32, #tpu.memory_space<vmem>> -> memref<1x1x64xf32, #tpu.memory_space<vmem>>
          %dma_start3A_410 = tpu.memref_squeeze %dma_start3A_409 : memref<1x1x64xf32, #tpu.memory_space<vmem>> -> memref<64xf32, #tpu.memory_space<vmem>>
          %dma_start3A_411 = arith.constant 0 : i32
          %dma_start3A_412 = tpu.memref_slice %arg3[%squeeze3A_402, %dma_start3A_411] : memref<1000000x64xf32, #tpu.memory_space<hbm>> -> memref<1x64xf32, #tpu.memory_space<hbm>>
          %dma_start3A_413 = tpu.memref_squeeze %dma_start3A_412 : memref<1x64xf32, #tpu.memory_space<hbm>> -> memref<64xf32, #tpu.memory_space<hbm>>
          %dma_start3A_414 = arith.constant 0 : i32
          %dma_start3A_415 = tpu.memref_slice %arg7[%dma_start3A_407, %add3A_406, %dma_start3A_414] : memref<2x128x64xf32, #tpu.memory_space<vmem>> -> memref<1x1x64xf32, #tpu.memory_space<vmem>>
          %dma_start3A_416 = tpu.memref_squeeze %dma_start3A_415 : memref<1x1x64xf32, #tpu.memory_space<vmem>> -> memref<64xf32, #tpu.memory_space<vmem>>
          %dma_start3A_417 = arith.constant 0 : i32
          %dma_start3A_418 = tpu.memref_slice %arg3[%squeeze3A_402, %dma_start3A_417] : memref<1000000x64xf32, #tpu.memory_space<hbm>> -> memref<1x64xf32, #tpu.memory_space<hbm>>
          %dma_start3A_419 = tpu.memref_squeeze %dma_start3A_418 : memref<1x64xf32, #tpu.memory_space<hbm>> -> memref<64xf32, #tpu.memory_space<hbm>>
          tpu.enqueue_dma source(%dma_start3A_419 : memref<64xf32, #tpu.memory_space<hbm>>) target(%dma_start3A_416 : memref<64xf32, #tpu.memory_space<vmem>>) target_semaphore(%arg9 : memref<!tpu.dma_semaphore, #tpu.memory_space<semaphore_mem>>)
          %slice3A_420 = vector.extract_strided_slice %get3A_193 {offsets = [12], sizes = [1], strides = [1]} : vector<16xi32> to vector<1xi32>
          %squeeze3A_421 = vector.extract %slice3A_420[0] : i32 from vector<1xi32>
          %mul3A_422 = arith.constant 16 : i32
          %mul3A_423 = arith.muli %scan3A_186, %mul3A_422 : i32
          %add3A_424 = arith.constant 12 : i32
          %add3A_425 = arith.addi %mul3A_423, %add3A_424 : i32
          %dma_start3A_426 = arith.constant 0 : i32
          %dma_start3A_427 = arith.constant 0 : i32
          %dma_start3A_428 = tpu.memref_slice %arg7[%dma_start3A_426, %add3A_425, %dma_start3A_427] : memref<2x128x64xf32, #tpu.memory_space<vmem>> -> memref<1x1x64xf32, #tpu.memory_space<vmem>>
          %dma_start3A_429 = tpu.memref_squeeze %dma_start3A_428 : memref<1x1x64xf32, #tpu.memory_space<vmem>> -> memref<64xf32, #tpu.memory_space<vmem>>
          %dma_start3A_430 = arith.constant 0 : i32
          %dma_start3A_431 = tpu.memref_slice %arg3[%squeeze3A_421, %dma_start3A_430] : memref<1000000x64xf32, #tpu.memory_space<hbm>> -> memref<1x64xf32, #tpu.memory_space<hbm>>
          %dma_start3A_432 = tpu.memref_squeeze %dma_start3A_431 : memref<1x64xf32, #tpu.memory_space<hbm>> -> memref<64xf32, #tpu.memory_space<hbm>>
          %dma_start3A_433 = arith.constant 0 : i32
          %dma_start3A_434 = tpu.memref_slice %arg7[%dma_start3A_426, %add3A_425, %dma_start3A_433] : memref<2x128x64xf32, #tpu.memory_space<vmem>> -> memref<1x1x64xf32, #tpu.memory_space<vmem>>
          %dma_start3A_435 = tpu.memref_squeeze %dma_start3A_434 : memref<1x1x64xf32, #tpu.memory_space<vmem>> -> memref<64xf32, #tpu.memory_space<vmem>>
          %dma_start3A_436 = arith.constant 0 : i32
          %dma_start3A_437 = tpu.memref_slice %arg3[%squeeze3A_421, %dma_start3A_436] : memref<1000000x64xf32, #tpu.memory_space<hbm>> -> memref<1x64xf32, #tpu.memory_space<hbm>>
          %dma_start3A_438 = tpu.memref_squeeze %dma_start3A_437 : memref<1x64xf32, #tpu.memory_space<hbm>> -> memref<64xf32, #tpu.memory_space<hbm>>
          tpu.enqueue_dma source(%dma_start3A_438 : memref<64xf32, #tpu.memory_space<hbm>>) target(%dma_start3A_435 : memref<64xf32, #tpu.memory_space<vmem>>) target_semaphore(%arg9 : memref<!tpu.dma_semaphore, #tpu.memory_space<semaphore_mem>>)
          %slice3A_439 = vector.extract_strided_slice %get3A_193 {offsets = [13], sizes = [1], strides = [1]} : vector<16xi32> to vector<1xi32>
          %squeeze3A_440 = vector.extract %slice3A_439[0] : i32 from vector<1xi32>
          %mul3A_441 = arith.constant 16 : i32
          %mul3A_442 = arith.muli %scan3A_186, %mul3A_441 : i32
          %add3A_443 = arith.constant 13 : i32
          %add3A_444 = arith.addi %mul3A_442, %add3A_443 : i32
          %dma_start3A_445 = arith.constant 0 : i32
          %dma_start3A_446 = arith.constant 0 : i32
          %dma_start3A_447 = tpu.memref_slice %arg7[%dma_start3A_445, %add3A_444, %dma_start3A_446] : memref<2x128x64xf32, #tpu.memory_space<vmem>> -> memref<1x1x64xf32, #tpu.memory_space<vmem>>
          %dma_start3A_448 = tpu.memref_squeeze %dma_start3A_447 : memref<1x1x64xf32, #tpu.memory_space<vmem>> -> memref<64xf32, #tpu.memory_space<vmem>>
          %dma_start3A_449 = arith.constant 0 : i32
          %dma_start3A_450 = tpu.memref_slice %arg3[%squeeze3A_440, %dma_start3A_449] : memref<1000000x64xf32, #tpu.memory_space<hbm>> -> memref<1x64xf32, #tpu.memory_space<hbm>>
          %dma_start3A_451 = tpu.memref_squeeze %dma_start3A_450 : memref<1x64xf32, #tpu.memory_space<hbm>> -> memref<64xf32, #tpu.memory_space<hbm>>
          %dma_start3A_452 = arith.constant 0 : i32
          %dma_start3A_453 = tpu.memref_slice %arg7[%dma_start3A_445, %add3A_444, %dma_start3A_452] : memref<2x128x64xf32, #tpu.memory_space<vmem>> -> memref<1x1x64xf32, #tpu.memory_space<vmem>>
          %dma_start3A_454 = tpu.memref_squeeze %dma_start3A_453 : memref<1x1x64xf32, #tpu.memory_space<vmem>> -> memref<64xf32, #tpu.memory_space<vmem>>
          %dma_start3A_455 = arith.constant 0 : i32
          %dma_start3A_456 = tpu.memref_slice %arg3[%squeeze3A_440, %dma_start3A_455] : memref<1000000x64xf32, #tpu.memory_space<hbm>> -> memref<1x64xf32, #tpu.memory_space<hbm>>
          %dma_start3A_457 = tpu.memref_squeeze %dma_start3A_456 : memref<1x64xf32, #tpu.memory_space<hbm>> -> memref<64xf32, #tpu.memory_space<hbm>>
          tpu.enqueue_dma source(%dma_start3A_457 : memref<64xf32, #tpu.memory_space<hbm>>) target(%dma_start3A_454 : memref<64xf32, #tpu.memory_space<vmem>>) target_semaphore(%arg9 : memref<!tpu.dma_semaphore, #tpu.memory_space<semaphore_mem>>)
          %slice3A_458 = vector.extract_strided_slice %get3A_193 {offsets = [14], sizes = [1], strides = [1]} : vector<16xi32> to vector<1xi32>
          %squeeze3A_459 = vector.extract %slice3A_458[0] : i32 from vector<1xi32>
          %mul3A_460 = arith.constant 16 : i32
          %mul3A_461 = arith.muli %scan3A_186, %mul3A_460 : i32
          %add3A_462 = arith.constant 14 : i32
          %add3A_463 = arith.addi %mul3A_461, %add3A_462 : i32
          %dma_start3A_464 = arith.constant 0 : i32
          %dma_start3A_465 = arith.constant 0 : i32
          %dma_start3A_466 = tpu.memref_slice %arg7[%dma_start3A_464, %add3A_463, %dma_start3A_465] : memref<2x128x64xf32, #tpu.memory_space<vmem>> -> memref<1x1x64xf32, #tpu.memory_space<vmem>>
          %dma_start3A_467 = tpu.memref_squeeze %dma_start3A_466 : memref<1x1x64xf32, #tpu.memory_space<vmem>> -> memref<64xf32, #tpu.memory_space<vmem>>
          %dma_start3A_468 = arith.constant 0 : i32
          %dma_start3A_469 = tpu.memref_slice %arg3[%squeeze3A_459, %dma_start3A_468] : memref<1000000x64xf32, #tpu.memory_space<hbm>> -> memref<1x64xf32, #tpu.memory_space<hbm>>
          %dma_start3A_470 = tpu.memref_squeeze %dma_start3A_469 : memref<1x64xf32, #tpu.memory_space<hbm>> -> memref<64xf32, #tpu.memory_space<hbm>>
          %dma_start3A_471 = arith.constant 0 : i32
          %dma_start3A_472 = tpu.memref_slice %arg7[%dma_start3A_464, %add3A_463, %dma_start3A_471] : memref<2x128x64xf32, #tpu.memory_space<vmem>> -> memref<1x1x64xf32, #tpu.memory_space<vmem>>
          %dma_start3A_473 = tpu.memref_squeeze %dma_start3A_472 : memref<1x1x64xf32, #tpu.memory_space<vmem>> -> memref<64xf32, #tpu.memory_space<vmem>>
          %dma_start3A_474 = arith.constant 0 : i32
          %dma_start3A_475 = tpu.memref_slice %arg3[%squeeze3A_459, %dma_start3A_474] : memref<1000000x64xf32, #tpu.memory_space<hbm>> -> memref<1x64xf32, #tpu.memory_space<hbm>>
          %dma_start3A_476 = tpu.memref_squeeze %dma_start3A_475 : memref<1x64xf32, #tpu.memory_space<hbm>> -> memref<64xf32, #tpu.memory_space<hbm>>
          tpu.enqueue_dma source(%dma_start3A_476 : memref<64xf32, #tpu.memory_space<hbm>>) target(%dma_start3A_473 : memref<64xf32, #tpu.memory_space<vmem>>) target_semaphore(%arg9 : memref<!tpu.dma_semaphore, #tpu.memory_space<semaphore_mem>>)
          %slice3A_477 = vector.extract_strided_slice %get3A_193 {offsets = [15], sizes = [1], strides = [1]} : vector<16xi32> to vector<1xi32>
          %squeeze3A_478 = vector.extract %slice3A_477[0] : i32 from vector<1xi32>
          %mul3A_479 = arith.constant 16 : i32
          %mul3A_480 = arith.muli %scan3A_186, %mul3A_479 : i32
          %add3A_481 = arith.constant 15 : i32
          %add3A_482 = arith.addi %mul3A_480, %add3A_481 : i32
          %dma_start3A_483 = arith.constant 0 : i32
          %dma_start3A_484 = arith.constant 0 : i32
          %dma_start3A_485 = tpu.memref_slice %arg7[%dma_start3A_483, %add3A_482, %dma_start3A_484] : memref<2x128x64xf32, #tpu.memory_space<vmem>> -> memref<1x1x64xf32, #tpu.memory_space<vmem>>
          %dma_start3A_486 = tpu.memref_squeeze %dma_start3A_485 : memref<1x1x64xf32, #tpu.memory_space<vmem>> -> memref<64xf32, #tpu.memory_space<vmem>>
          %dma_start3A_487 = arith.constant 0 : i32
          %dma_start3A_488 = tpu.memref_slice %arg3[%squeeze3A_478, %dma_start3A_487] : memref<1000000x64xf32, #tpu.memory_space<hbm>> -> memref<1x64xf32, #tpu.memory_space<hbm>>
          %dma_start3A_489 = tpu.memref_squeeze %dma_start3A_488 : memref<1x64xf32, #tpu.memory_space<hbm>> -> memref<64xf32, #tpu.memory_space<hbm>>
          %dma_start3A_490 = arith.constant 0 : i32
          %dma_start3A_491 = tpu.memref_slice %arg7[%dma_start3A_483, %add3A_482, %dma_start3A_490] : memref<2x128x64xf32, #tpu.memory_space<vmem>> -> memref<1x1x64xf32, #tpu.memory_space<vmem>>
          %dma_start3A_492 = tpu.memref_squeeze %dma_start3A_491 : memref<1x1x64xf32, #tpu.memory_space<vmem>> -> memref<64xf32, #tpu.memory_space<vmem>>
          %dma_start3A_493 = arith.constant 0 : i32
          %dma_start3A_494 = tpu.memref_slice %arg3[%squeeze3A_478, %dma_start3A_493] : memref<1000000x64xf32, #tpu.memory_space<hbm>> -> memref<1x64xf32, #tpu.memory_space<hbm>>
          %dma_start3A_495 = tpu.memref_squeeze %dma_start3A_494 : memref<1x64xf32, #tpu.memory_space<hbm>> -> memref<64xf32, #tpu.memory_space<hbm>>
          tpu.enqueue_dma source(%dma_start3A_495 : memref<64xf32, #tpu.memory_space<hbm>>) target(%dma_start3A_492 : memref<64xf32, #tpu.memory_space<vmem>>) target_semaphore(%arg9 : memref<!tpu.dma_semaphore, #tpu.memory_space<semaphore_mem>>)
          %scan3A_496 = arith.constant 0 : i32
          scf.yield %scan3A_496 : i32
        }
        %scan3A_168 = arith.constant 8 : i32
        %rem3A_169 = arith.constant 16 : i32
        %rem3A_170 = arith.remsi %add3A_157, %rem3A_169 : i32
        %mul3A_171 = arith.constant 128 : i32
        %mul3A_172 = arith.muli %rem3A_170, %mul3A_171 : i32
        %dma_start3A_173 = arith.constant 0 : i32
        %dma_start3A_174 = arith.constant 0 : i32
        %dma_start3A_175 = arith.constant 0 : i32
        %dma_start3A_176 = tpu.memref_slice %arg8[%dma_start3A_173, %dma_start3A_174, %dma_start3A_175] : memref<2x128x64xf32, #tpu.memory_space<vmem>> -> memref<1x128x64xf32, #tpu.memory_space<vmem>>
        %dma_start3A_177 = tpu.memref_squeeze %dma_start3A_176 : memref<1x128x64xf32, #tpu.memory_space<vmem>> -> memref<128x64xf32, #tpu.memory_space<vmem>>
        %dma_start3A_178 = arith.constant 0 : i32
        %dma_start3A_179 = tpu.memref_slice %arg4[%mul3A_172, %dma_start3A_178] : memref<2048x64xf32, #tpu.memory_space<hbm>> -> memref<128x64xf32, #tpu.memory_space<hbm>>
        %dma_start3A_180 = arith.constant 0 : i32
        %dma_start3A_181 = arith.constant 0 : i32
        %dma_start3A_182 = tpu.memref_slice %arg8[%dma_start3A_173, %dma_start3A_180, %dma_start3A_181] : memref<2x128x64xf32, #tpu.memory_space<vmem>> -> memref<1x128x64xf32, #tpu.memory_space<vmem>>
        %dma_start3A_183 = tpu.memref_squeeze %dma_start3A_182 : memref<1x128x64xf32, #tpu.memory_space<vmem>> -> memref<128x64xf32, #tpu.memory_space<vmem>>
        %dma_start3A_184 = arith.constant 0 : i32
        %dma_start3A_185 = tpu.memref_slice %arg4[%mul3A_172, %dma_start3A_184] : memref<2048x64xf32, #tpu.memory_space<hbm>> -> memref<128x64xf32, #tpu.memory_space<hbm>>
        tpu.enqueue_dma source(%dma_start3A_185 : memref<128x64xf32, #tpu.memory_space<hbm>>) target(%dma_start3A_183 : memref<128x64xf32, #tpu.memory_space<vmem>>) target_semaphore(%arg10 : memref<!tpu.dma_semaphore, #tpu.memory_space<semaphore_mem>>)
      } else {
      }
      %add3A_112 = arith.constant 1 : i32
      %add3A_113 = arith.addi %mul3A_37, %add3A_112 : i32
      %dma_wait3A_114 = arith.constant 1 : i32
      %dma_wait3A_115 = arith.constant 0 : i32
      %dma_wait3A_116 = arith.constant 0 : i32
      %dma_wait3A_117 = tpu.memref_slice %arg7[%dma_wait3A_114, %dma_wait3A_115, %dma_wait3A_116] : memref<2x128x64xf32, #tpu.memory_space<vmem>> -> memref<1x128x64xf32, #tpu.memory_space<vmem>>
      %dma_wait3A_118 = tpu.memref_squeeze %dma_wait3A_117 : memref<1x128x64xf32, #tpu.memory_space<vmem>> -> memref<128x64xf32, #tpu.memory_space<vmem>>
      %dma_wait3A_119 = arith.constant 0 : i32
      %dma_wait3A_120 = arith.constant 0 : i32
      %dma_wait3A_121 = tpu.memref_slice %arg4[%dma_wait3A_119, %dma_wait3A_120] : memref<2048x64xf32, #tpu.memory_space<hbm>> -> memref<128x64xf32, #tpu.memory_space<hbm>>
      %dma_wait3A_122 = arith.constant 0 : i32
      %dma_wait3A_123 = arith.constant 0 : i32
      %dma_wait3A_124 = tpu.memref_slice %arg7[%dma_wait3A_114, %dma_wait3A_122, %dma_wait3A_123] : memref<2x128x64xf32, #tpu.memory_space<vmem>> -> memref<1x128x64xf32, #tpu.memory_space<vmem>>
      %dma_wait3A_125 = tpu.memref_squeeze %dma_wait3A_124 : memref<1x128x64xf32, #tpu.memory_space<vmem>> -> memref<128x64xf32, #tpu.memory_space<vmem>>
      %dma_wait3A_126 = arith.constant 0 : i32
      %dma_wait3A_127 = arith.constant 0 : i32
      %dma_wait3A_128 = tpu.memref_slice %arg4[%dma_wait3A_126, %dma_wait3A_127] : memref<2048x64xf32, #tpu.memory_space<hbm>> -> memref<128x64xf32, #tpu.memory_space<hbm>>
      tpu.wait_dma2 semaphore(%arg9 : memref<!tpu.dma_semaphore, #tpu.memory_space<semaphore_mem>>) src(%dma_wait3A_128 : memref<128x64xf32, #tpu.memory_space<hbm>>) dst(%dma_wait3A_125 : memref<128x64xf32, #tpu.memory_space<vmem>>)
      %dma_wait3A_129 = arith.constant 1 : i32
      %dma_wait3A_130 = arith.constant 0 : i32
      %dma_wait3A_131 = arith.constant 0 : i32
      %dma_wait3A_132 = tpu.memref_slice %arg8[%dma_wait3A_129, %dma_wait3A_130, %dma_wait3A_131] : memref<2x128x64xf32, #tpu.memory_space<vmem>> -> memref<1x128x64xf32, #tpu.memory_space<vmem>>
      %dma_wait3A_133 = tpu.memref_squeeze %dma_wait3A_132 : memref<1x128x64xf32, #tpu.memory_space<vmem>> -> memref<128x64xf32, #tpu.memory_space<vmem>>
      %dma_wait3A_134 = arith.constant 0 : i32
      %dma_wait3A_135 = arith.constant 0 : i32
      %dma_wait3A_136 = tpu.memref_slice %arg4[%dma_wait3A_134, %dma_wait3A_135] : memref<2048x64xf32, #tpu.memory_space<hbm>> -> memref<128x64xf32, #tpu.memory_space<hbm>>
      %dma_wait3A_137 = arith.constant 0 : i32
      %dma_wait3A_138 = arith.constant 0 : i32
      %dma_wait3A_139 = tpu.memref_slice %arg8[%dma_wait3A_129, %dma_wait3A_137, %dma_wait3A_138] : memref<2x128x64xf32, #tpu.memory_space<vmem>> -> memref<1x128x64xf32, #tpu.memory_space<vmem>>
      %dma_wait3A_140 = tpu.memref_squeeze %dma_wait3A_139 : memref<1x128x64xf32, #tpu.memory_space<vmem>> -> memref<128x64xf32, #tpu.memory_space<vmem>>
      %dma_wait3A_141 = arith.constant 0 : i32
      %dma_wait3A_142 = arith.constant 0 : i32
      %dma_wait3A_143 = tpu.memref_slice %arg4[%dma_wait3A_141, %dma_wait3A_142] : memref<2048x64xf32, #tpu.memory_space<hbm>> -> memref<128x64xf32, #tpu.memory_space<hbm>>
      tpu.wait_dma2 semaphore(%arg10 : memref<!tpu.dma_semaphore, #tpu.memory_space<semaphore_mem>>) src(%dma_wait3A_143 : memref<128x64xf32, #tpu.memory_space<hbm>>) dst(%dma_wait3A_140 : memref<128x64xf32, #tpu.memory_space<vmem>>)
      %scan3A_144 = arith.constant 0 : i32
      %scan3A_145 = arith.constant 0 : i32
      %scan3A_146 = arith.constant 128 : i32
      %scan3A_147 = arith.addi %scan3A_145, %scan3A_146 : i32
      %scan3A_148 = arith.constant 4 : i32
      %scan3A_149 = scf.for %scan3A_156 = %scan3A_145 to %scan3A_147 step %scan3A_148 iter_args(%scan3A_157 = %scan3A_144) -> (i32)  : i32 {
        %get3A = arith.constant 1 : i32
        %get3A_158 = arith.index_cast %get3A : i32 to index
        %get3A_159 = arith.index_cast %scan3A_156 : i32 to index
        %get3A_160 = arith.constant 0 : index
        %get3A_161 = tpu.vector_load %arg7[%get3A_158, %get3A_159, %get3A_160] {strides = array<i32>} : memref<2x128x64xf32, #tpu.memory_space<vmem>>, vector<1x1x16xf32>,
        %get3A_162 = vector.shape_cast %get3A_161 : vector<1x1x16xf32> to vector<16xf32>
        %get3A_163 = arith.constant 1 : i32
        %get3A_164 = arith.index_cast %get3A_163 : i32 to index
        %get3A_165 = arith.index_cast %scan3A_156 : i32 to index
        %get3A_166 = arith.constant 0 : index
        %get3A_167 = tpu.vector_load %arg8[%get3A_164, %get3A_165, %get3A_166] {strides = array<i32>} : memref<2x128x64xf32, #tpu.memory_space<vmem>>, vector<1x1x16xf32>,
        %get3A_168 = vector.shape_cast %get3A_167 : vector<1x1x16xf32> to vector<16xf32>
        %add3A_169 = arith.addf %get3A_162, %get3A_168 : vector<16xf32>
        %swap3A = arith.constant 1 : i32
        %swap3A_170 = arith.index_cast %swap3A : i32 to index
        %swap3A_171 = arith.index_cast %scan3A_156 : i32 to index
        %swap3A_172 = arith.constant 0 : index
        %swap3A_173 = tpu.vector_load %arg7[%swap3A_170, %swap3A_171, %swap3A_172] {strides = array<i32>} : memref<2x128x64xf32, #tpu.memory_space<vmem>>, vector<1x1x16xf32>,
        %swap3A_174 = vector.shape_cast %swap3A_173 : vector<1x1x16xf32> to vector<16xf32>
        %swap3A_175 = vector.shape_cast %add3A_169 : vector<16xf32> to vector<1x1x16xf32>
        tpu.vector_store %arg7[%swap3A_170, %swap3A_171, %swap3A_172], %swap3A_175 {strides = array<i32>} : memref<2x128x64xf32, #tpu.memory_space<vmem>>, vector<1x1x16xf32>,
        %get3A_176 = arith.constant 1 : i32
        %get3A_177 = arith.index_cast %get3A_176 : i32 to index
        %get3A_178 = arith.index_cast %scan3A_156 : i32 to index
        %get3A_179 = arith.constant 16 : index
        %get3A_180 = tpu.vector_load %arg7[%get3A_177, %get3A_178, %get3A_179] {strides = array<i32>} : memref<2x128x64xf32, #tpu.memory_space<vmem>>, vector<1x1x16xf32>,
        %get3A_181 = vector.shape_cast %get3A_180 : vector<1x1x16xf32> to vector<16xf32>
        %get3A_182 = arith.constant 1 : i32
        %get3A_183 = arith.index_cast %get3A_182 : i32 to index
        %get3A_184 = arith.index_cast %scan3A_156 : i32 to index
        %get3A_185 = arith.constant 16 : index
        %get3A_186 = tpu.vector_load %arg8[%get3A_183, %get3A_184, %get3A_185] {strides = array<i32>} : memref<2x128x64xf32, #tpu.memory_space<vmem>>, vector<1x1x16xf32>,
        %get3A_187 = vector.shape_cast %get3A_186 : vector<1x1x16xf32> to vector<16xf32>
        %add3A_188 = arith.addf %get3A_181, %get3A_187 : vector<16xf32>
        %swap3A_189 = arith.constant 1 : i32
        %swap3A_190 = arith.index_cast %swap3A_189 : i32 to index
        %swap3A_191 = arith.index_cast %scan3A_156 : i32 to index
        %swap3A_192 = arith.constant 16 : index
        %swap3A_193 = tpu.vector_load %arg7[%swap3A_190, %swap3A_191, %swap3A_192] {strides = array<i32>} : memref<2x128x64xf32, #tpu.memory_space<vmem>>, vector<1x1x16xf32>,
        %swap3A_194 = vector.shape_cast %swap3A_193 : vector<1x1x16xf32> to vector<16xf32>
        %swap3A_195 = vector.shape_cast %add3A_188 : vector<16xf32> to vector<1x1x16xf32>
        tpu.vector_store %arg7[%swap3A_190, %swap3A_191, %swap3A_192], %swap3A_195 {strides = array<i32>} : memref<2x128x64xf32, #tpu.memory_space<vmem>>, vector<1x1x16xf32>,
        %get3A_196 = arith.constant 1 : i32
        %get3A_197 = arith.index_cast %get3A_196 : i32 to index
        %get3A_198 = arith.index_cast %scan3A_156 : i32 to index
        %get3A_199 = arith.constant 32 : index
        %get3A_200 = tpu.vector_load %arg7[%get3A_197, %get3A_198, %get3A_199] {strides = array<i32>} : memref<2x128x64xf32, #tpu.memory_space<vmem>>, vector<1x1x16xf32>,
        %get3A_201 = vector.shape_cast %get3A_200 : vector<1x1x16xf32> to vector<16xf32>
        %get3A_202 = arith.constant 1 : i32
        %get3A_203 = arith.index_cast %get3A_202 : i32 to index
        %get3A_204 = arith.index_cast %scan3A_156 : i32 to index
        %get3A_205 = arith.constant 32 : index
        %get3A_206 = tpu.vector_load %arg8[%get3A_203, %get3A_204, %get3A_205] {strides = array<i32>} : memref<2x128x64xf32, #tpu.memory_space<vmem>>, vector<1x1x16xf32>,
        %get3A_207 = vector.shape_cast %get3A_206 : vector<1x1x16xf32> to vector<16xf32>
        %add3A_208 = arith.addf %get3A_201, %get3A_207 : vector<16xf32>
        %swap3A_209 = arith.constant 1 : i32
        %swap3A_210 = arith.index_cast %swap3A_209 : i32 to index
        %swap3A_211 = arith.index_cast %scan3A_156 : i32 to index
        %swap3A_212 = arith.constant 32 : index
        %swap3A_213 = tpu.vector_load %arg7[%swap3A_210, %swap3A_211, %swap3A_212] {strides = array<i32>} : memref<2x128x64xf32, #tpu.memory_space<vmem>>, vector<1x1x16xf32>,
        %swap3A_214 = vector.shape_cast %swap3A_213 : vector<1x1x16xf32> to vector<16xf32>
        %swap3A_215 = vector.shape_cast %add3A_208 : vector<16xf32> to vector<1x1x16xf32>
        tpu.vector_store %arg7[%swap3A_210, %swap3A_211, %swap3A_212], %swap3A_215 {strides = array<i32>} : memref<2x128x64xf32, #tpu.memory_space<vmem>>, vector<1x1x16xf32>,
        %get3A_216 = arith.constant 1 : i32
        %get3A_217 = arith.index_cast %get3A_216 : i32 to index
        %get3A_218 = arith.index_cast %scan3A_156 : i32 to index
        %get3A_219 = arith.constant 48 : index
        %get3A_220 = tpu.vector_load %arg7[%get3A_217, %get3A_218, %get3A_219] {strides = array<i32>} : memref<2x128x64xf32, #tpu.memory_space<vmem>>, vector<1x1x16xf32>,
        %get3A_221 = vector.shape_cast %get3A_220 : vector<1x1x16xf32> to vector<16xf32>
        %get3A_222 = arith.constant 1 : i32
        %get3A_223 = arith.index_cast %get3A_222 : i32 to index
        %get3A_224 = arith.index_cast %scan3A_156 : i32 to index
        %get3A_225 = arith.constant 48 : index
        %get3A_226 = tpu.vector_load %arg8[%get3A_223, %get3A_224, %get3A_225] {strides = array<i32>} : memref<2x128x64xf32, #tpu.memory_space<vmem>>, vector<1x1x16xf32>,
        %get3A_227 = vector.shape_cast %get3A_226 : vector<1x1x16xf32> to vector<16xf32>
        %add3A_228 = arith.addf %get3A_221, %get3A_227 : vector<16xf32>
        %swap3A_229 = arith.constant 1 : i32
        %swap3A_230 = arith.index_cast %swap3A_229 : i32 to index
        %swap3A_231 = arith.index_cast %scan3A_156 : i32 to index
        %swap3A_232 = arith.constant 48 : index
        %swap3A_233 = tpu.vector_load %arg7[%swap3A_230, %swap3A_231, %swap3A_232] {strides = array<i32>} : memref<2x128x64xf32, #tpu.memory_space<vmem>>, vector<1x1x16xf32>,
        %swap3A_234 = vector.shape_cast %swap3A_233 : vector<1x1x16xf32> to vector<16xf32>
        %swap3A_235 = vector.shape_cast %add3A_228 : vector<16xf32> to vector<1x1x16xf32>
        tpu.vector_store %arg7[%swap3A_230, %swap3A_231, %swap3A_232], %swap3A_235 {strides = array<i32>} : memref<2x128x64xf32, #tpu.memory_space<vmem>>, vector<1x1x16xf32>,
        %scan3A_236 = arith.constant 0 : i32
        %scan3A_237 = arith.constant 1 : i32
        %scan3A_238 = arith.addi %scan3A_156, %scan3A_237 : i32
        %get3A_239 = arith.constant 1 : i32
        %get3A_240 = arith.index_cast %get3A_239 : i32 to index
        %get3A_241 = arith.index_cast %scan3A_238 : i32 to index
        %get3A_242 = arith.constant 0 : index
        %get3A_243 = tpu.vector_load %arg7[%get3A_240, %get3A_241, %get3A_242] {strides = array<i32>} : memref<2x128x64xf32, #tpu.memory_space<vmem>>, vector<1x1x16xf32>,
        %get3A_244 = vector.shape_cast %get3A_243 : vector<1x1x16xf32> to vector<16xf32>
        %get3A_245 = arith.constant 1 : i32
        %get3A_246 = arith.index_cast %get3A_245 : i32 to index
        %get3A_247 = arith.index_cast %scan3A_238 : i32 to index
        %get3A_248 = arith.constant 0 : index
        %get3A_249 = tpu.vector_load %arg8[%get3A_246, %get3A_247, %get3A_248] {strides = array<i32>} : memref<2x128x64xf32, #tpu.memory_space<vmem>>, vector<1x1x16xf32>,
        %get3A_250 = vector.shape_cast %get3A_249 : vector<1x1x16xf32> to vector<16xf32>
        %add3A_251 = arith.addf %get3A_244, %get3A_250 : vector<16xf32>
        %swap3A_252 = arith.constant 1 : i32
        %swap3A_253 = arith.index_cast %swap3A_252 : i32 to index
        %swap3A_254 = arith.index_cast %scan3A_238 : i32 to index
        %swap3A_255 = arith.constant 0 : index
        %swap3A_256 = tpu.vector_load %arg7[%swap3A_253, %swap3A_254, %swap3A_255] {strides = array<i32>} : memref<2x128x64xf32, #tpu.memory_space<vmem>>, vector<1x1x16xf32>,
        %swap3A_257 = vector.shape_cast %swap3A_256 : vector<1x1x16xf32> to vector<16xf32>
        %swap3A_258 = vector.shape_cast %add3A_251 : vector<16xf32> to vector<1x1x16xf32>
        tpu.vector_store %arg7[%swap3A_253, %swap3A_254, %swap3A_255], %swap3A_258 {strides = array<i32>} : memref<2x128x64xf32, #tpu.memory_space<vmem>>, vector<1x1x16xf32>,
        %get3A_259 = arith.constant 1 : i32
        %get3A_260 = arith.index_cast %get3A_259 : i32 to index
        %get3A_261 = arith.index_cast %scan3A_238 : i32 to index
        %get3A_262 = arith.constant 16 : index
        %get3A_263 = tpu.vector_load %arg7[%get3A_260, %get3A_261, %get3A_262] {strides = array<i32>} : memref<2x128x64xf32, #tpu.memory_space<vmem>>, vector<1x1x16xf32>,
        %get3A_264 = vector.shape_cast %get3A_263 : vector<1x1x16xf32> to vector<16xf32>
        %get3A_265 = arith.constant 1 : i32
        %get3A_266 = arith.index_cast %get3A_265 : i32 to index
        %get3A_267 = arith.index_cast %scan3A_238 : i32 to index
        %get3A_268 = arith.constant 16 : index
        %get3A_269 = tpu.vector_load %arg8[%get3A_266, %get3A_267, %get3A_268] {strides = array<i32>} : memref<2x128x64xf32, #tpu.memory_space<vmem>>, vector<1x1x16xf32>,
        %get3A_270 = vector.shape_cast %get3A_269 : vector<1x1x16xf32> to vector<16xf32>
        %add3A_271 = arith.addf %get3A_264, %get3A_270 : vector<16xf32>
        %swap3A_272 = arith.constant 1 : i32
        %swap3A_273 = arith.index_cast %swap3A_272 : i32 to index
        %swap3A_274 = arith.index_cast %scan3A_238 : i32 to index
        %swap3A_275 = arith.constant 16 : index
        %swap3A_276 = tpu.vector_load %arg7[%swap3A_273, %swap3A_274, %swap3A_275] {strides = array<i32>} : memref<2x128x64xf32, #tpu.memory_space<vmem>>, vector<1x1x16xf32>,
        %swap3A_277 = vector.shape_cast %swap3A_276 : vector<1x1x16xf32> to vector<16xf32>
        %swap3A_278 = vector.shape_cast %add3A_271 : vector<16xf32> to vector<1x1x16xf32>
        tpu.vector_store %arg7[%swap3A_273, %swap3A_274, %swap3A_275], %swap3A_278 {strides = array<i32>} : memref<2x128x64xf32, #tpu.memory_space<vmem>>, vector<1x1x16xf32>,
        %get3A_279 = arith.constant 1 : i32
        %get3A_280 = arith.index_cast %get3A_279 : i32 to index
        %get3A_281 = arith.index_cast %scan3A_238 : i32 to index
        %get3A_282 = arith.constant 32 : index
        %get3A_283 = tpu.vector_load %arg7[%get3A_280, %get3A_281, %get3A_282] {strides = array<i32>} : memref<2x128x64xf32, #tpu.memory_space<vmem>>, vector<1x1x16xf32>,
        %get3A_284 = vector.shape_cast %get3A_283 : vector<1x1x16xf32> to vector<16xf32>
        %get3A_285 = arith.constant 1 : i32
        %get3A_286 = arith.index_cast %get3A_285 : i32 to index
        %get3A_287 = arith.index_cast %scan3A_238 : i32 to index
        %get3A_288 = arith.constant 32 : index
        %get3A_289 = tpu.vector_load %arg8[%get3A_286, %get3A_287, %get3A_288] {strides = array<i32>} : memref<2x128x64xf32, #tpu.memory_space<vmem>>, vector<1x1x16xf32>,
        %get3A_290 = vector.shape_cast %get3A_289 : vector<1x1x16xf32> to vector<16xf32>
        %add3A_291 = arith.addf %get3A_284, %get3A_290 : vector<16xf32>
        %swap3A_292 = arith.constant 1 : i32
        %swap3A_293 = arith.index_cast %swap3A_292 : i32 to index
        %swap3A_294 = arith.index_cast %scan3A_238 : i32 to index
        %swap3A_295 = arith.constant 32 : index
        %swap3A_296 = tpu.vector_load %arg7[%swap3A_293, %swap3A_294, %swap3A_295] {strides = array<i32>} : memref<2x128x64xf32, #tpu.memory_space<vmem>>, vector<1x1x16xf32>,
        %swap3A_297 = vector.shape_cast %swap3A_296 : vector<1x1x16xf32> to vector<16xf32>
        %swap3A_298 = vector.shape_cast %add3A_291 : vector<16xf32> to vector<1x1x16xf32>
        tpu.vector_store %arg7[%swap3A_293, %swap3A_294, %swap3A_295], %swap3A_298 {strides = array<i32>} : memref<2x128x64xf32, #tpu.memory_space<vmem>>, vector<1x1x16xf32>,
        %get3A_299 = arith.constant 1 : i32
        %get3A_300 = arith.index_cast %get3A_299 : i32 to index
        %get3A_301 = arith.index_cast %scan3A_238 : i32 to index
        %get3A_302 = arith.constant 48 : index
        %get3A_303 = tpu.vector_load %arg7[%get3A_300, %get3A_301, %get3A_302] {strides = array<i32>} : memref<2x128x64xf32, #tpu.memory_space<vmem>>, vector<1x1x16xf32>,
        %get3A_304 = vector.shape_cast %get3A_303 : vector<1x1x16xf32> to vector<16xf32>
        %get3A_305 = arith.constant 1 : i32
        %get3A_306 = arith.index_cast %get3A_305 : i32 to index
        %get3A_307 = arith.index_cast %scan3A_238 : i32 to index
        %get3A_308 = arith.constant 48 : index
        %get3A_309 = tpu.vector_load %arg8[%get3A_306, %get3A_307, %get3A_308] {strides = array<i32>} : memref<2x128x64xf32, #tpu.memory_space<vmem>>, vector<1x1x16xf32>,
        %get3A_310 = vector.shape_cast %get3A_309 : vector<1x1x16xf32> to vector<16xf32>
        %add3A_311 = arith.addf %get3A_304, %get3A_310 : vector<16xf32>
        %swap3A_312 = arith.constant 1 : i32
        %swap3A_313 = arith.index_cast %swap3A_312 : i32 to index
        %swap3A_314 = arith.index_cast %scan3A_238 : i32 to index
        %swap3A_315 = arith.constant 48 : index
        %swap3A_316 = tpu.vector_load %arg7[%swap3A_313, %swap3A_314, %swap3A_315] {strides = array<i32>} : memref<2x128x64xf32, #tpu.memory_space<vmem>>, vector<1x1x16xf32>,
        %swap3A_317 = vector.shape_cast %swap3A_316 : vector<1x1x16xf32> to vector<16xf32>
        %swap3A_318 = vector.shape_cast %add3A_311 : vector<16xf32> to vector<1x1x16xf32>
        tpu.vector_store %arg7[%swap3A_313, %swap3A_314, %swap3A_315], %swap3A_318 {strides = array<i32>} : memref<2x128x64xf32, #tpu.memory_space<vmem>>, vector<1x1x16xf32>,
        %scan3A_319 = arith.constant 0 : i32
        %scan3A_320 = arith.constant 2 : i32
        %scan3A_321 = arith.addi %scan3A_156, %scan3A_320 : i32
        %get3A_322 = arith.constant 1 : i32
        %get3A_323 = arith.index_cast %get3A_322 : i32 to index
        %get3A_324 = arith.index_cast %scan3A_321 : i32 to index
        %get3A_325 = arith.constant 0 : index
        %get3A_326 = tpu.vector_load %arg7[%get3A_323, %get3A_324, %get3A_325] {strides = array<i32>} : memref<2x128x64xf32, #tpu.memory_space<vmem>>, vector<1x1x16xf32>,
        %get3A_327 = vector.shape_cast %get3A_326 : vector<1x1x16xf32> to vector<16xf32>
        %get3A_328 = arith.constant 1 : i32
        %get3A_329 = arith.index_cast %get3A_328 : i32 to index
        %get3A_330 = arith.index_cast %scan3A_321 : i32 to index
        %get3A_331 = arith.constant 0 : index
        %get3A_332 = tpu.vector_load %arg8[%get3A_329, %get3A_330, %get3A_331] {strides = array<i32>} : memref<2x128x64xf32, #tpu.memory_space<vmem>>, vector<1x1x16xf32>,
        %get3A_333 = vector.shape_cast %get3A_332 : vector<1x1x16xf32> to vector<16xf32>
        %add3A_334 = arith.addf %get3A_327, %get3A_333 : vector<16xf32>
        %swap3A_335 = arith.constant 1 : i32
        %swap3A_336 = arith.index_cast %swap3A_335 : i32 to index
        %swap3A_337 = arith.index_cast %scan3A_321 : i32 to index
        %swap3A_338 = arith.constant 0 : index
        %swap3A_339 = tpu.vector_load %arg7[%swap3A_336, %swap3A_337, %swap3A_338] {strides = array<i32>} : memref<2x128x64xf32, #tpu.memory_space<vmem>>, vector<1x1x16xf32>,
        %swap3A_340 = vector.shape_cast %swap3A_339 : vector<1x1x16xf32> to vector<16xf32>
        %swap3A_341 = vector.shape_cast %add3A_334 : vector<16xf32> to vector<1x1x16xf32>
        tpu.vector_store %arg7[%swap3A_336, %swap3A_337, %swap3A_338], %swap3A_341 {strides = array<i32>} : memref<2x128x64xf32, #tpu.memory_space<vmem>>, vector<1x1x16xf32>,
        %get3A_342 = arith.constant 1 : i32
        %get3A_343 = arith.index_cast %get3A_342 : i32 to index
        %get3A_344 = arith.index_cast %scan3A_321 : i32 to index
        %get3A_345 = arith.constant 16 : index
        %get3A_346 = tpu.vector_load %arg7[%get3A_343, %get3A_344, %get3A_345] {strides = array<i32>} : memref<2x128x64xf32, #tpu.memory_space<vmem>>, vector<1x1x16xf32>,
        %get3A_347 = vector.shape_cast %get3A_346 : vector<1x1x16xf32> to vector<16xf32>
        %get3A_348 = arith.constant 1 : i32
        %get3A_349 = arith.index_cast %get3A_348 : i32 to index
        %get3A_350 = arith.index_cast %scan3A_321 : i32 to index
        %get3A_351 = arith.constant 16 : index
        %get3A_352 = tpu.vector_load %arg8[%get3A_349, %get3A_350, %get3A_351] {strides = array<i32>} : memref<2x128x64xf32, #tpu.memory_space<vmem>>, vector<1x1x16xf32>,
        %get3A_353 = vector.shape_cast %get3A_352 : vector<1x1x16xf32> to vector<16xf32>
        %add3A_354 = arith.addf %get3A_347, %get3A_353 : vector<16xf32>
        %swap3A_355 = arith.constant 1 : i32
        %swap3A_356 = arith.index_cast %swap3A_355 : i32 to index
        %swap3A_357 = arith.index_cast %scan3A_321 : i32 to index
        %swap3A_358 = arith.constant 16 : index
        %swap3A_359 = tpu.vector_load %arg7[%swap3A_356, %swap3A_357, %swap3A_358] {strides = array<i32>} : memref<2x128x64xf32, #tpu.memory_space<vmem>>, vector<1x1x16xf32>,
        %swap3A_360 = vector.shape_cast %swap3A_359 : vector<1x1x16xf32> to vector<16xf32>
        %swap3A_361 = vector.shape_cast %add3A_354 : vector<16xf32> to vector<1x1x16xf32>
        tpu.vector_store %arg7[%swap3A_356, %swap3A_357, %swap3A_358], %swap3A_361 {strides = array<i32>} : memref<2x128x64xf32, #tpu.memory_space<vmem>>, vector<1x1x16xf32>,
        %get3A_362 = arith.constant 1 : i32
        %get3A_363 = arith.index_cast %get3A_362 : i32 to index
        %get3A_364 = arith.index_cast %scan3A_321 : i32 to index
        %get3A_365 = arith.constant 32 : index
        %get3A_366 = tpu.vector_load %arg7[%get3A_363, %get3A_364, %get3A_365] {strides = array<i32>} : memref<2x128x64xf32, #tpu.memory_space<vmem>>, vector<1x1x16xf32>,
        %get3A_367 = vector.shape_cast %get3A_366 : vector<1x1x16xf32> to vector<16xf32>
        %get3A_368 = arith.constant 1 : i32
        %get3A_369 = arith.index_cast %get3A_368 : i32 to index
        %get3A_370 = arith.index_cast %scan3A_321 : i32 to index
        %get3A_371 = arith.constant 32 : index
        %get3A_372 = tpu.vector_load %arg8[%get3A_369, %get3A_370, %get3A_371] {strides = array<i32>} : memref<2x128x64xf32, #tpu.memory_space<vmem>>, vector<1x1x16xf32>,
        %get3A_373 = vector.shape_cast %get3A_372 : vector<1x1x16xf32> to vector<16xf32>
        %add3A_374 = arith.addf %get3A_367, %get3A_373 : vector<16xf32>
        %swap3A_375 = arith.constant 1 : i32
        %swap3A_376 = arith.index_cast %swap3A_375 : i32 to index
        %swap3A_377 = arith.index_cast %scan3A_321 : i32 to index
        %swap3A_378 = arith.constant 32 : index
        %swap3A_379 = tpu.vector_load %arg7[%swap3A_376, %swap3A_377, %swap3A_378] {strides = array<i32>} : memref<2x128x64xf32, #tpu.memory_space<vmem>>, vector<1x1x16xf32>,
        %swap3A_380 = vector.shape_cast %swap3A_379 : vector<1x1x16xf32> to vector<16xf32>
        %swap3A_381 = vector.shape_cast %add3A_374 : vector<16xf32> to vector<1x1x16xf32>
        tpu.vector_store %arg7[%swap3A_376, %swap3A_377, %swap3A_378], %swap3A_381 {strides = array<i32>} : memref<2x128x64xf32, #tpu.memory_space<vmem>>, vector<1x1x16xf32>,
        %get3A_382 = arith.constant 1 : i32
        %get3A_383 = arith.index_cast %get3A_382 : i32 to index
        %get3A_384 = arith.index_cast %scan3A_321 : i32 to index
        %get3A_385 = arith.constant 48 : index
        %get3A_386 = tpu.vector_load %arg7[%get3A_383, %get3A_384, %get3A_385] {strides = array<i32>} : memref<2x128x64xf32, #tpu.memory_space<vmem>>, vector<1x1x16xf32>,
        %get3A_387 = vector.shape_cast %get3A_386 : vector<1x1x16xf32> to vector<16xf32>
        %get3A_388 = arith.constant 1 : i32
        %get3A_389 = arith.index_cast %get3A_388 : i32 to index
        %get3A_390 = arith.index_cast %scan3A_321 : i32 to index
        %get3A_391 = arith.constant 48 : index
        %get3A_392 = tpu.vector_load %arg8[%get3A_389, %get3A_390, %get3A_391] {strides = array<i32>} : memref<2x128x64xf32, #tpu.memory_space<vmem>>, vector<1x1x16xf32>,
        %get3A_393 = vector.shape_cast %get3A_392 : vector<1x1x16xf32> to vector<16xf32>
        %add3A_394 = arith.addf %get3A_387, %get3A_393 : vector<16xf32>
        %swap3A_395 = arith.constant 1 : i32
        %swap3A_396 = arith.index_cast %swap3A_395 : i32 to index
        %swap3A_397 = arith.index_cast %scan3A_321 : i32 to index
        %swap3A_398 = arith.constant 48 : index
        %swap3A_399 = tpu.vector_load %arg7[%swap3A_396, %swap3A_397, %swap3A_398] {strides = array<i32>} : memref<2x128x64xf32, #tpu.memory_space<vmem>>, vector<1x1x16xf32>,
        %swap3A_400 = vector.shape_cast %swap3A_399 : vector<1x1x16xf32> to vector<16xf32>
        %swap3A_401 = vector.shape_cast %add3A_394 : vector<16xf32> to vector<1x1x16xf32>
        tpu.vector_store %arg7[%swap3A_396, %swap3A_397, %swap3A_398], %swap3A_401 {strides = array<i32>} : memref<2x128x64xf32, #tpu.memory_space<vmem>>, vector<1x1x16xf32>,
        %scan3A_402 = arith.constant 0 : i32
        %scan3A_403 = arith.constant 3 : i32
        %scan3A_404 = arith.addi %scan3A_156, %scan3A_403 : i32
        %get3A_405 = arith.constant 1 : i32
        %get3A_406 = arith.index_cast %get3A_405 : i32 to index
        %get3A_407 = arith.index_cast %scan3A_404 : i32 to index
        %get3A_408 = arith.constant 0 : index
        %get3A_409 = tpu.vector_load %arg7[%get3A_406, %get3A_407, %get3A_408] {strides = array<i32>} : memref<2x128x64xf32, #tpu.memory_space<vmem>>, vector<1x1x16xf32>,
        %get3A_410 = vector.shape_cast %get3A_409 : vector<1x1x16xf32> to vector<16xf32>
        %get3A_411 = arith.constant 1 : i32
        %get3A_412 = arith.index_cast %get3A_411 : i32 to index
        %get3A_413 = arith.index_cast %scan3A_404 : i32 to index
        %get3A_414 = arith.constant 0 : index
        %get3A_415 = tpu.vector_load %arg8[%get3A_412, %get3A_413, %get3A_414] {strides = array<i32>} : memref<2x128x64xf32, #tpu.memory_space<vmem>>, vector<1x1x16xf32>,
        %get3A_416 = vector.shape_cast %get3A_415 : vector<1x1x16xf32> to vector<16xf32>
        %add3A_417 = arith.addf %get3A_410, %get3A_416 : vector<16xf32>
        %swap3A_418 = arith.constant 1 : i32
        %swap3A_419 = arith.index_cast %swap3A_418 : i32 to index
        %swap3A_420 = arith.index_cast %scan3A_404 : i32 to index
        %swap3A_421 = arith.constant 0 : index
        %swap3A_422 = tpu.vector_load %arg7[%swap3A_419, %swap3A_420, %swap3A_421] {strides = array<i32>} : memref<2x128x64xf32, #tpu.memory_space<vmem>>, vector<1x1x16xf32>,
        %swap3A_423 = vector.shape_cast %swap3A_422 : vector<1x1x16xf32> to vector<16xf32>
        %swap3A_424 = vector.shape_cast %add3A_417 : vector<16xf32> to vector<1x1x16xf32>
        tpu.vector_store %arg7[%swap3A_419, %swap3A_420, %swap3A_421], %swap3A_424 {strides = array<i32>} : memref<2x128x64xf32, #tpu.memory_space<vmem>>, vector<1x1x16xf32>,
        %get3A_425 = arith.constant 1 : i32
        %get3A_426 = arith.index_cast %get3A_425 : i32 to index
        %get3A_427 = arith.index_cast %scan3A_404 : i32 to index
        %get3A_428 = arith.constant 16 : index
        %get3A_429 = tpu.vector_load %arg7[%get3A_426, %get3A_427, %get3A_428] {strides = array<i32>} : memref<2x128x64xf32, #tpu.memory_space<vmem>>, vector<1x1x16xf32>,
        %get3A_430 = vector.shape_cast %get3A_429 : vector<1x1x16xf32> to vector<16xf32>
        %get3A_431 = arith.constant 1 : i32
        %get3A_432 = arith.index_cast %get3A_431 : i32 to index
        %get3A_433 = arith.index_cast %scan3A_404 : i32 to index
        %get3A_434 = arith.constant 16 : index
        %get3A_435 = tpu.vector_load %arg8[%get3A_432, %get3A_433, %get3A_434] {strides = array<i32>} : memref<2x128x64xf32, #tpu.memory_space<vmem>>, vector<1x1x16xf32>,
        %get3A_436 = vector.shape_cast %get3A_435 : vector<1x1x16xf32> to vector<16xf32>
        %add3A_437 = arith.addf %get3A_430, %get3A_436 : vector<16xf32>
        %swap3A_438 = arith.constant 1 : i32
        %swap3A_439 = arith.index_cast %swap3A_438 : i32 to index
        %swap3A_440 = arith.index_cast %scan3A_404 : i32 to index
        %swap3A_441 = arith.constant 16 : index
        %swap3A_442 = tpu.vector_load %arg7[%swap3A_439, %swap3A_440, %swap3A_441] {strides = array<i32>} : memref<2x128x64xf32, #tpu.memory_space<vmem>>, vector<1x1x16xf32>,
        %swap3A_443 = vector.shape_cast %swap3A_442 : vector<1x1x16xf32> to vector<16xf32>
        %swap3A_444 = vector.shape_cast %add3A_437 : vector<16xf32> to vector<1x1x16xf32>
        tpu.vector_store %arg7[%swap3A_439, %swap3A_440, %swap3A_441], %swap3A_444 {strides = array<i32>} : memref<2x128x64xf32, #tpu.memory_space<vmem>>, vector<1x1x16xf32>,
        %get3A_445 = arith.constant 1 : i32
        %get3A_446 = arith.index_cast %get3A_445 : i32 to index
        %get3A_447 = arith.index_cast %scan3A_404 : i32 to index
        %get3A_448 = arith.constant 32 : index
        %get3A_449 = tpu.vector_load %arg7[%get3A_446, %get3A_447, %get3A_448] {strides = array<i32>} : memref<2x128x64xf32, #tpu.memory_space<vmem>>, vector<1x1x16xf32>,
        %get3A_450 = vector.shape_cast %get3A_449 : vector<1x1x16xf32> to vector<16xf32>
        %get3A_451 = arith.constant 1 : i32
        %get3A_452 = arith.index_cast %get3A_451 : i32 to index
        %get3A_453 = arith.index_cast %scan3A_404 : i32 to index
        %get3A_454 = arith.constant 32 : index
        %get3A_455 = tpu.vector_load %arg8[%get3A_452, %get3A_453, %get3A_454] {strides = array<i32>} : memref<2x128x64xf32, #tpu.memory_space<vmem>>, vector<1x1x16xf32>,
        %get3A_456 = vector.shape_cast %get3A_455 : vector<1x1x16xf32> to vector<16xf32>
        %add3A_457 = arith.addf %get3A_450, %get3A_456 : vector<16xf32>
        %swap3A_458 = arith.constant 1 : i32
        %swap3A_459 = arith.index_cast %swap3A_458 : i32 to index
        %swap3A_460 = arith.index_cast %scan3A_404 : i32 to index
        %swap3A_461 = arith.constant 32 : index
        %swap3A_462 = tpu.vector_load %arg7[%swap3A_459, %swap3A_460, %swap3A_461] {strides = array<i32>} : memref<2x128x64xf32, #tpu.memory_space<vmem>>, vector<1x1x16xf32>,
        %swap3A_463 = vector.shape_cast %swap3A_462 : vector<1x1x16xf32> to vector<16xf32>
        %swap3A_464 = vector.shape_cast %add3A_457 : vector<16xf32> to vector<1x1x16xf32>
        tpu.vector_store %arg7[%swap3A_459, %swap3A_460, %swap3A_461], %swap3A_464 {strides = array<i32>} : memref<2x128x64xf32, #tpu.memory_space<vmem>>, vector<1x1x16xf32>,
        %get3A_465 = arith.constant 1 : i32
        %get3A_466 = arith.index_cast %get3A_465 : i32 to index
        %get3A_467 = arith.index_cast %scan3A_404 : i32 to index
        %get3A_468 = arith.constant 48 : index
        %get3A_469 = tpu.vector_load %arg7[%get3A_466, %get3A_467, %get3A_468] {strides = array<i32>} : memref<2x128x64xf32, #tpu.memory_space<vmem>>, vector<1x1x16xf32>,
        %get3A_470 = vector.shape_cast %get3A_469 : vector<1x1x16xf32> to vector<16xf32>
        %get3A_471 = arith.constant 1 : i32
        %get3A_472 = arith.index_cast %get3A_471 : i32 to index
        %get3A_473 = arith.index_cast %scan3A_404 : i32 to index
        %get3A_474 = arith.constant 48 : index
        %get3A_475 = tpu.vector_load %arg8[%get3A_472, %get3A_473, %get3A_474] {strides = array<i32>} : memref<2x128x64xf32, #tpu.memory_space<vmem>>, vector<1x1x16xf32>,
        %get3A_476 = vector.shape_cast %get3A_475 : vector<1x1x16xf32> to vector<16xf32>
        %add3A_477 = arith.addf %get3A_470, %get3A_476 : vector<16xf32>
        %swap3A_478 = arith.constant 1 : i32
        %swap3A_479 = arith.index_cast %swap3A_478 : i32 to index
        %swap3A_480 = arith.index_cast %scan3A_404 : i32 to index
        %swap3A_481 = arith.constant 48 : index
        %swap3A_482 = tpu.vector_load %arg7[%swap3A_479, %swap3A_480, %swap3A_481] {strides = array<i32>} : memref<2x128x64xf32, #tpu.memory_space<vmem>>, vector<1x1x16xf32>,
        %swap3A_483 = vector.shape_cast %swap3A_482 : vector<1x1x16xf32> to vector<16xf32>
        %swap3A_484 = vector.shape_cast %add3A_477 : vector<16xf32> to vector<1x1x16xf32>
        tpu.vector_store %arg7[%swap3A_479, %swap3A_480, %swap3A_481], %swap3A_484 {strides = array<i32>} : memref<2x128x64xf32, #tpu.memory_space<vmem>>, vector<1x1x16xf32>,
        %scan3A_485 = arith.constant 0 : i32
        scf.yield %scan3A_485 : i32
      }
      %scan3A_150 = arith.constant 128 : i32
      %mul3A_151 = arith.constant 128 : i32
      %mul3A_152 = arith.muli %add3A_113, %mul3A_151 : i32
      %add3A_153 = arith.addi %mul3A_2, %mul3A_152 : i32
      %run_scoped3A_154 = arith.constant 1 : i32
      "tpu.region"() ({
        %run_scoped3A_156 = tpu.sem_alloc : memref<!tpu.dma_semaphore, #tpu.memory_space<semaphore_mem>>
        %dma_start3A_157 = arith.constant 0 : i32
        %dma_start3A_158 = arith.constant 0 : i32
        %dma_start3A_159 = tpu.memref_slice %arg7[%run_scoped3A_154, %dma_start3A_157, %dma_start3A_158] : memref<2x128x64xf32, #tpu.memory_space<vmem>> -> memref<1x128x64xf32, #tpu.memory_space<vmem>>
        %dma_start3A_160 = tpu.memref_squeeze %dma_start3A_159 : memref<1x128x64xf32, #tpu.memory_space<vmem>> -> memref<128x64xf32, #tpu.memory_space<vmem>>
        %dma_start3A_161 = arith.constant 0 : i32
        %dma_start3A_162 = tpu.memref_slice %arg5[%add3A_153, %dma_start3A_161] : memref<131072x64xf32, #tpu.memory_space<hbm>> -> memref<128x64xf32, #tpu.memory_space<hbm>>
        %dma_start3A_163 = arith.constant 0 : i32
        %dma_start3A_164 = tpu.memref_slice %arg5[%add3A_153, %dma_start3A_163] : memref<131072x64xf32, #tpu.memory_space<hbm>> -> memref<128x64xf32, #tpu.memory_space<hbm>>
        %dma_start3A_165 = arith.constant 0 : i32
        %dma_start3A_166 = arith.constant 0 : i32
        %dma_start3A_167 = tpu.memref_slice %arg7[%run_scoped3A_154, %dma_start3A_165, %dma_start3A_166] : memref<2x128x64xf32, #tpu.memory_space<vmem>> -> memref<1x128x64xf32, #tpu.memory_space<vmem>>
        %dma_start3A_168 = tpu.memref_squeeze %dma_start3A_167 : memref<1x128x64xf32, #tpu.memory_space<vmem>> -> memref<128x64xf32, #tpu.memory_space<vmem>>
        tpu.enqueue_dma source(%dma_start3A_168 : memref<128x64xf32, #tpu.memory_space<vmem>>) target(%dma_start3A_164 : memref<128x64xf32, #tpu.memory_space<hbm>>) target_semaphore(%run_scoped3A_156 : memref<!tpu.dma_semaphore, #tpu.memory_space<semaphore_mem>>)
        %dma_wait3A_169 = arith.constant 0 : i32
        %dma_wait3A_170 = arith.constant 0 : i32
        %dma_wait3A_171 = tpu.memref_slice %arg7[%run_scoped3A_154, %dma_wait3A_169, %dma_wait3A_170] : memref<2x128x64xf32, #tpu.memory_space<vmem>> -> memref<1x128x64xf32, #tpu.memory_space<vmem>>
        %dma_wait3A_172 = tpu.memref_squeeze %dma_wait3A_171 : memref<1x128x64xf32, #tpu.memory_space<vmem>> -> memref<128x64xf32, #tpu.memory_space<vmem>>
        %dma_wait3A_173 = arith.constant 0 : i32
        %dma_wait3A_174 = tpu.memref_slice %arg5[%add3A_153, %dma_wait3A_173] : memref<131072x64xf32, #tpu.memory_space<hbm>> -> memref<128x64xf32, #tpu.memory_space<hbm>>
        %dma_wait3A_175 = arith.constant 0 : i32
        %dma_wait3A_176 = tpu.memref_slice %arg5[%add3A_153, %dma_wait3A_175] : memref<131072x64xf32, #tpu.memory_space<hbm>> -> memref<128x64xf32, #tpu.memory_space<hbm>>
        %dma_wait3A_177 = arith.constant 0 : i32
        %dma_wait3A_178 = arith.constant 0 : i32
        %dma_wait3A_179 = tpu.memref_slice %arg7[%run_scoped3A_154, %dma_wait3A_177, %dma_wait3A_178] : memref<2x128x64xf32, #tpu.memory_space<vmem>> -> memref<1x128x64xf32, #tpu.memory_space<vmem>>
        %dma_wait3A_180 = tpu.memref_squeeze %dma_wait3A_179 : memref<1x128x64xf32, #tpu.memory_space<vmem>> -> memref<128x64xf32, #tpu.memory_space<vmem>>
        tpu.wait_dma2 semaphore(%run_scoped3A_156 : memref<!tpu.dma_semaphore, #tpu.memory_space<semaphore_mem>>) src(%dma_wait3A_180 : memref<128x64xf32, #tpu.memory_space<vmem>>) dst(%dma_wait3A_176 : memref<128x64xf32, #tpu.memory_space<hbm>>)
        tpu.yield
      }) : () -> ()
      %scan3A_155 = arith.constant 0 : i32
      scf.yield %scan3A_155 : i32
    }
    %scan3A_33 = arith.constant 16 : i32
    return
  }
}

</mosaic_0001>

<sc_bundles>
// kernel: kernel.3.cloned.1.call-start
scs
__scs_entry_jumppad:
0x0: {  	(pc) =	sbr.rel $0x88, $3  }
0x1: {  	(tag) =	ssettag $0x0;
	lr =	simm.s32 $0x1  }
0x2: {  	[smem:$0x3F9E] =	sst lr;
	_ =	strace $0xD0000000  }
0x3: {  	_ = 	snop  }
0x4: {  	_ = 	snop  }
0x5: {  	_ = 	snop  }
0x6: {  	_ = 	snop  }
0x7: {  	_ = 	snop  }
__scs_overlays_trampoline_lowered:
0x8: {  	[smem:$0x3FAD] =	sst s0  }
0x9: {  	[smem:$0x3FAE] =	sst s1  }
0xa: {  	[smem:$0x3FAF] =	sst s2  }
0xb: {  	[smem:$0x3FB0] =	sst s3  }
0xc: {  	[smem:$0x3FB1] =	sst s4  }
0xd: {  	[smem:$0x3FB2] =	sst s5  }
0xe: {  	[smem:$0x3FB3] =	sst s6  }
0xf: {  	[smem:$0x3FB4] =	sst s7  }
0x10: {  	[smem:$0x3FB5] =	sst s8  }
0x11: {  	[smem:$0x3FB6] =	sst s9;
	s0 =	simm.s32 @!p0 $0x0  }
0x12: {  	s1 =	sld [smem:$0x3F9C];
	s0 =	simm.s32 @p0 $0x1  }
0x13: {  	[smem:$0x3FB7] =	sst s0;
	s0 =	simm.s32 @!p1 $0x0  }
0x14: {  	s2 =	sld [smem:$0x3F9B];
	s0 =	simm.s32 @p1 $0x1  }
0x15: {  	[smem:$0x3FB8] =	sst s0;
	s0 =	simm.s32 @!p2 $0x0  }
0x16: {  	s3 =	sld [smem:$0x3FDB];
	s0 =	simm.s32 @p2 $0x1  }
0x17: {  	s4 =	simm.s32 $0x1BF5;
	[smem:$0x3FBA] =	sst s0  }
0x18: {  	s0 =	sld [smem:$0x3F9D];
	_ =	swait.ge [sflag:s4], $0x0  }
0x19: {  	s7 =	sld [smem:$0x3F9E]  }
0x1a: {  	s8 =	sadd.s32 $0xFFFFE003, lr  }
0x1b: {  	s9 =	sadd.s32 $0xFFFFFEF7, lr;
	s5 =	simm.s32 $0xFFFFFFFF;
	p2 =	slt.u32 s8, $0xFFFFF086  }
0x1c: {  	p1 =	slt.u32 s9, $0xF7A;
	s5 =	simm.s32 @!p2 $0x0  }
0x1d: {  	s5 =	simm.s32 @p1 $0x1;
	p0 =	seq.s32 s7, s2  }
0x1e: {  	s7 =	smul.u32 @!p0 $0xF7A, s2;
	p2 =	seq.s32 @!p0 s5, $0x0  }
0x1f: {  	s9 =	smul.u32 $0xF7A, s1;
	s8 =	simm.s32 @!p0 $0x1BF5;
	p2 =	por !p2, p0  }
0x20: {  	[sflag:s8] =	ssyncset.s32 @!p0 $0xFFFFF086;
	s6 =	sadd.s32 @!p0 s3, s7;
	s7 =	simm.s32 @!p0 $0x108  }
0x21: {  	s3 =	sadd.s32 s3, s9;
	s6 =	sadd.s32 @!p0 $0x88, s6;
	s7 =	simm.s32 @p2 $0x1082  }
0x22: {  	[simem:s7], [sflag:s8] =	dma.local @!p0 [hbm:s6], $0xF7A  }
0x23: {  	s9 =	sor.u32 $0xD0000000, s2;
	s6 =	simm.s32 $0x108;
	_ =	swait.ge @!p0 [sflag:s8], $0x0  }
0x24: {  	s3 =	sadd.s32 $0x88, s3;
	s6 =	simm.s32 @!p1 $0x1082;
	[sflag:s4] =	ssyncset.s32 $0xFFFFF086  }
0x25: {  	[simem:s6], [sflag:s4] =	dma.local [hbm:s3], $0xF7A  }
0x26: {  	[smem:$0x3F9E] =	sst s1;
	(tag) =	ssettag s2;
	_ =	strace s9  }
0x27: {  	s1 =	sld [smem:$0x3FAE]  }
0x28: {  	s2 =	sld [smem:$0x3FAF]  }
0x29: {  	s4 =	sld [smem:$0x3FB1]  }
0x2a: {  	p0 =	seq.s32 s5, $0x0;
	s5 =	sld [smem:$0x3FB2]  }
0x2b: {  	s6 =	sld [smem:$0x3FB3]  }
0x2c: {  	s7 =	sld [smem:$0x3FB4]  }
0x2d: {  	s3 =	simm.s32 $0x108;
	s8 =	sld [smem:$0x3FB5]  }
0x2e: {  	s3 =	simm.s32 @!p0 $0x1082;
	s9 =	sld [smem:$0x3FB6]  }
0x2f: {  	lr =	sadd.s32 s0, s3;
	s0 =	sld [smem:$0x3FAD]  }
0x30: {  	s3 =	sld [smem:$0x3FB0]  }
0x31: {  	[smem:$0x3FB9] =	sst s10  }
0x32: {  	s10 =	sld [smem:$0x3FB7];
	_ =	sdelay $0x3  }
0x33: {  	p0 =	seq.s32 s10, $0x1;
	s10 =	sld [smem:$0x3FB9];
	_ =	sdelay $0x3  }
0x34: {  	[smem:$0x3FB9] =	sst s10  }
0x35: {  	s10 =	sld [smem:$0x3FB8];
	_ =	sdelay $0x3  }
0x36: {  	p1 =	seq.s32 s10, $0x1;
	s10 =	sld [smem:$0x3FB9];
	_ =	sdelay $0x3  }
0x37: {  	[smem:$0x3FB9] =	sst s10  }
0x38: {  	s10 =	sld [smem:$0x3FBA]  }
0x39: {  	_ = 	snop;
	(pc) =	sbr.ind lr, $3  }
0x3a: {  	_ = 	snop  }
0x3b: {  	_ = 	snop  }
0x3c: {  	p2 =	seq.s32 s10, $0x1;
	s10 =	sld [smem:$0x3FB9]  }
0x3d: {  	_ =	shalt  }
0x3e: {  	_ =	shalt  }
0x3f: {  	_ =	shalt  }
0x40: {  	_ =	shalt  }
0x41: {  	_ =	shalt  }
0x42: {  	_ =	shalt  }
0x43: {  	_ =	shalt  }
0x44: {  	_ =	shalt  }
0x45: {  	_ =	shalt  }
0x46: {  	_ =	shalt  }
0x47: {  	_ =	shalt  }
0x48: {  	_ =	shalt  }
0x49: {  	_ =	shalt  }
0x4a: {  	_ =	shalt  }
0x4b: {  	_ =	shalt  }
0x4c: {  	_ =	shalt  }
0x4d: {  	_ =	shalt  }
0x4e: {  	_ =	shalt  }
0x4f: {  	_ =	shalt  }
0x50: {  	_ =	shalt  }
0x51: {  	_ =	shalt  }
0x52: {  	_ =	shalt  }
0x53: {  	_ =	shalt  }
0x54: {  	_ =	shalt  }
0x55: {  	_ =	shalt  }
0x56: {  	_ =	shalt  }
0x57: {  	_ =	shalt  }
0x58: {  	_ =	shalt  }
0x59: {  	_ =	shalt  }
0x5a: {  	_ =	shalt  }
0x5b: {  	_ =	shalt  }
0x5c: {  	_ =	shalt  }
0x5d: {  	_ =	shalt  }
0x5e: {  	_ =	shalt  }
0x5f: {  	_ =	shalt  }
0x60: {  	_ =	shalt  }
0x61: {  	_ =	shalt  }
0x62: {  	_ =	shalt  }
0x63: {  	_ =	shalt  }
0x64: {  	_ =	shalt  }
0x65: {  	_ =	shalt  }
0x66: {  	_ =	shalt  }
0x67: {  	_ =	shalt  }
0x68: {  	_ =	shalt  }
0x69: {  	_ =	shalt  }
0x6a: {  	_ =	shalt  }
0x6b: {  	_ =	shalt  }
0x6c: {  	_ =	shalt  }
0x6d: {  	_ =	shalt  }
0x6e: {  	_ =	shalt  }
0x6f: {  	_ =	shalt  }
0x70: {  	_ =	shalt  }
0x71: {  	_ =	shalt  }
0x72: {  	_ =	shalt  }
0x73: {  	_ =	shalt  }
0x74: {  	_ =	shalt  }
0x75: {  	_ =	shalt  }
0x76: {  	_ =	shalt  }
0x77: {  	_ =	shalt  }
0x78: {  	_ =	shalt  }
0x79: {  	_ =	shalt  }
0x7a: {  	_ =	shalt  }
0x7b: {  	_ =	shalt  }
0x7c: {  	_ =	shalt  }
0x7d: {  	_ =	shalt  }
0x7e: {  	_ =	shalt  }
0x7f: {  	_ =	shalt  }
0x80: {  	_ =	shalt  }
0x81: {  	_ =	shalt  }
0x82: {  	_ =	shalt  }
0x83: {  	_ =	shalt  }
0x84: {  	_ =	shalt  }
0x85: {  	_ =	shalt  }
0x86: {  	_ =	shalt  }
0x87: {  	_ =	shalt  }
.Lfunc_end0:
.L_simem_size_0:
called_computation.1_lowered:
.L_overlay_start_0:
0x88: {  	s2 =	sld [smem:$0x3FD9]  }
0x89: {  	s3 =	sld [smem:$0x3FFE];
	_ =	sdelay $0x1  }
0x8a: {  	s1 =	srdreg.scid  }
0x8b: {  	s0 =	sand.u32 $0x1, s1  }
0x8c: {  	s17 =	sshll.u32 s0, $0xA;
	s2 =	sadd.s32 s3, s2  }
0x8d: {  	s2 =	sadd.s32 s2, s17  }
0x8e: {  	[smem:$0x3FC5] =	sst s2  }
0x8f: {  	_ = 	snop  }
0x90: {  	s2 =	sld [smem:$0x3FD0];
	(tm) =	ssettm $0x1  }
0x91: {  	s18 =	sld [smem:$0x3FFB];
	_ =	sdelay $0x3  }
0x92: {  	_ =	strace s18  }
0x93: {  	s3 =	sld [smem:$0x3FFC];
	_ =	sdelay $0x3  }
0x94: {  	_ =	strace s3  }
0x95: {  	s3 =	sld [smem:$0x3FFD];
	_ =	sdelay $0x3  }
0x96: {  	_ =	strace s3  }
0x97: {  	_ =	strace $0x8FFFFFFF  }
0x98: {  	s19 =	sld [smem:$0x3FDB];
	_ =	sdelay $0x1  }
0x99: {  	s4 =	simm.s32 $_scs_section_size  }
0x9a: {  	s5 =	simm.s32 $_size__tile_overlayer_lowered;
	s6 =	simm.s32 $_tile_overlayer_lowered  }
0x9b: {  	s22 =	simm.s32 $0x1BFF;
	s21 =	sshll.u32 s6, $0x1;
	s3 =	sadd.s32 s4, s19  }
0x9c: {  	s7 =	simm.s32 $0x0;
	s20 =	sshll.u32 s5, $0x1;
	s5 =	sadd.s32 s21, s3  }
0x9d: {  	[timem:s7], [sflag:s22] =	dma.local [hbm:s5], s20  }
0x9e: {  	_ =	swait.ge [sflag:s22], s20  }
0x9f: {  	s4 =	ssub.s32 $0x0, s20;
	[sflag:s22] =	ssyncset.done $0x0  }
0xa0: {  	[sflag:s22] =	ssyncadd.s32 s4;
	_ =	sdelay $0x1  }
0xa1: {  	s23 =	simm.s32 $0x1B8B  }
0xa2: {  	_ =	swait.ge [sflag:s23], $0x1  }
0xa3: {  	[sflag:s23] =	ssyncset.done $0x0  }
0xa4: {  	s25 =	simm.s32 $0x1B8E;
	s24 =	sld [smem:$0x3FFE];
	[sflag:s23] =	ssyncadd.s32 $0xFFFFFFFF  }
0xa5: {  	s26 =	simm.s32 $execute0_lowered;
	[smem:$0x3FD2] =	sst s25  }
0xa6: {  	s5 =	sshll.u32 s26, $0x1;
	_ =	strace $0x80000046;
	[dreg:$0x1] =	wrdreg $0xFFFFFFFF  }
0xa7: {  	s28 =	simm.s32 $_size_execute0_lowered;
	s3 =	sadd.s32 s3, s5;
	[dreg:$0x0] =	wrdreg $0x0  }
0xa8: {  	s5 =	sshll.u32 s28, $0x1;
	[dreg:$0x2] =	wrdreg s3  }
0xa9: {  	[dreg:$0x3] =	wrdreg s5  }
0xaa: {  	[dreg:$0x4] =	wrdreg $0xC0  }
0xab: {  	_ =	task [dreg:s7], $0x5FFFF  }
0xac: {  	[dreg:$0x1] =	wrdreg $0xFFFFFFFF  }
0xad: {  	[dreg:$0x0] =	wrdreg $0x60  }
0xae: {  	[dreg:$0x2] =	wrdreg s24  }
0xaf: {  	[dreg:$0x3] =	wrdreg s2  }
0xb0: {  	[dreg:$0x4] =	wrdreg $0x9  }
0xb1: {  	_ =	task.clear_ibuf [dreg:s7], $0x5FFFF;
	_ =	strace $0x90000046  }
0xb2: {  	s29 =	simm.s32 $0x9;
	_ =	strace $0x80000048  }
0xb3: {  	_ =	swait.ge [sflag:s29], $0x1  }
0xb4: {  	[sflag:s29] =	ssyncadd.s32 $0xFFFFFFFF  }
0xb5: {  	_ =	strace $0x90000048  }
0xb6: {  	_ =	sfence  }
0xb7: {  	s30 =	sld [smem:$0x0];
	_ =	sdelay $0x2  }
0xb8: {  	s31 =	sshll.u32 s1, $0xD;
	s1 =	sshrl.u32 s1, $0x2  }
0xb9: {  	s3 =	sand.u32 $0x4000, s31;
	s1 =	sadd.s32 s1, s30  }
0xba: {  	s0 =	sor.u32 s3, s0;
	s1 =	sshll.u32 s1, $0x11  }
0xbb: {  	s0 =	sor.u32 s1, s0  }
0xbc: {  	s0 =	sadd.s32 $0x8F2B, s0  }
0xbd: {  	[sflag:s0] =	ssyncadd.remote.s32 $0x1  }
0xbe: {  	_ =	sfence.sel $0xFFFF  }
0xbf: {  	[dreg:$0x0] =	wrdreg $0xFFFFFFFF;
	(pc) =	sbr.abs _section_cstart, $3  }
0xc0: {  	[dreg:$0x1] =	wrdreg $0xFFFFFFFF  }
0xc1: {  	_ =	task.clear_ibuf [dreg:s7], $0x2FFFF;
	_ =	strace $0x9FFFFFFF  }
0xc2: {  	(tm) =	ssettm $0x7FFFFFFF  }
0xc3: {  	_ =	shalt  }
tec
execute0_lowered:
.L_overlay_start_1:
0x0: {  	(tag) =	ssettag $0x1  }
0x1: {  	s0 =	rddreg [dreg:$0x0];
	s2 =	simm.s32 $0x0  }
0x2: {  	s3 =	srdreg.scid;
	s1 =	stileid.u32;
	s11 =	simm.s32 $0x3  }
0x3: {  	[smem:$0x7FF] =	sst s2;
	s4 =	sadd.s32 $0x800, s0;
	s3 =	sand.u32 $0x1, s3  }
0x4: {  	s5 =	sadd.s32 $0x4800, s0;
	s7 =	sshll.u32 s1, $0xD;
	s8 =	sshll.u32 s3, $0xC  }
0x5: {  	s29 =	sadd.s32 $0xF46C00, s0;
	_ =	strace $0x80000047;
	s7 =	sor.u32 s8, s7  }
0x6: {  	s30 =	ssub.s32 $0x2, s3;
	[dreg:$0x3] =	wrdreg s29;
	s8 =	sshrl.u32 s7, $0x3  }
0x7: {  	s3 =	sshrl.u32 s30, $0x1;
	s9 =	sshll.u32 s7, $0x4;
	s31 =	sadd.s32 s4, s8  }
0x8: {  	s0 =	ssub.s32 s30, s3;
	s1 =	sadd.s32 s29, s9;
	[dreg:$0x4] =	wrdreg s31  }
0x9: {  	s14 =	simm.s32 $0x1;
	s0 =	smax.u32 s0, $0x1;
	[dreg:$0x5] =	wrdreg s1  }
0xa: {  	s15 =	simm.s32 $0x2;
	[dreg:$0x6] =	wrdreg s0;
	s1 =	simm.s32 $0x0  }
.LBB2_1:
0xb: {  	[dreg:$0x7] =	wrdreg s1  }
0xc: {  	s0 =	rddreg [dreg:$0x4]  }
0xd: {  	[tilespmem:s2], [sflag:$0x3] =	stream.linear.gather [hbm4b:s0+s2], $0x80, $0x38;
	[tilespmem:$0x10100] =	vst v63  }
0xe: {  	_ =	swait.ge [sflag:s11], $0x80  }
0xf: {  	[sflag:s11] =	ssyncset.done $0x0  }
0x10: {  	[sflag:s11] =	ssyncadd.s32 $0xFFFFFF80  }
0x11: {  	v0 =	vld [tilespmem:s2+$0x0];
	_ =	sdelay $0x4  }
0x12: {  	v0 =	vshll.u32 v0, $0x4  }
0x13: {  	(v2sf) =	vpush v0, $0x0  }
0x14: {  	(v2sf) =	vpush v0, $0x1  }
0x15: {  	(v2sf) =	vpush v0, $0x2;
	_ =	sdelay $0x1  }
0x16: {  	(v2sf) =	vpush v0, $0x4;
	_ =	sdelay $0x1  }
0x17: {  	(v2sf) =	vpush v0, $0x3  }
0x18: {  	(v2sf) =	vpush v0, $0x5  }
0x19: {  	s20 =	simm.s32 $0x2000;
	s19 =	simm.s32 $0x0;
	s21 =	simm.s32 $0x0;
	(v2sf) =	vpush v0, $0x6  }
.LBB2_2:
0x1a: {  	p0 =	sne.s32 s20, $0xE000  }
0x1b: {  	s18 =	sadd.s32 $0x180, s19;
	s25 =	sadd.s32 $0x680, s19;
	s22 =	smov.u32 s20  }
0x1c: {  	s20 =	sadd.s32 $0x2000, s20;
	s3 =	sadd.s32 $0x480, s19;
	s23 =	sadd.s32 $0x700, s19;
	(v2sf) =	vpush v0, $0x7  }
0x1d: {  	s10 =	sadd.s32 $0x380, s19;
	s0 =	sadd.s32 $0x500, s19;
	s24 =	sadd.s32 $0x780, s19  }
0x1e: {  	s28 =	sadd.s32 $0x100, s19;
	s29 =	sadd.s32 $0x300, s19;
	(v2sf) =	vpush v0, $0x8  }
0x1f: {  	s30 =	sadd.s32 $0x400, s19;
	s21 =	sadd.s32 $0x10, s21  }
0x20: {  	s31 =	sadd.s32 $0x200, s19;
	s26 =	sadd.s32 $0x600, s19;
	s8 =	spop (v2sf);
	(v2sf) =	vpush v0, $0x9  }
0x21: {  	s12 =	sand.u32 $0x1FFFFFF0, s8;
	s8 =	sadd.s32 $0x580, s19;
	s13 =	spop (v2sf)  }
0x22: {  	s12 =	sadd.s32 s5, s12;
	s13 =	sand.u32 $0x1FFFFFF0, s13;
	s16 =	spop (v2sf);
	(v2sf) =	vpush v0, $0xA  }
0x23: {  	[tilespmem:s28], [sflag:$0x1] =	stream.linear.gather [hbm4b:s12+s2], $0x80, $0x38;
	[tilespmem:$0x10100] =	vst v63  }
0x24: {  	s12 =	sadd.s32 s5, s13;
	s13 =	sadd.s32 $0x280, s19;
	s28 =	spop (v2sf);
	(v2sf) =	vpush v0, $0xB  }
0x25: {  	[tilespmem:s18], [sflag:$0x1] =	stream.linear.gather [hbm4b:s12+s2], $0x80, $0x38;
	[tilespmem:$0x10100] =	vst v63  }
0x26: {  	s12 =	sand.u32 $0x1FFFFFF0, s16;
	s16 =	sand.u32 $0x1FFFFFF0, s28;
	s18 =	spop (v2sf);
	(v2sf) =	vpush v0, $0xC  }
0x27: {  	s12 =	sadd.s32 s5, s12;
	s18 =	sand.u32 $0x1FFFFFF0, s18;
	s28 =	spop (v2sf)  }
0x28: {  	[tilespmem:s31], [sflag:$0x1] =	stream.linear.gather [hbm4b:s12+s2], $0x80, $0x38;
	(v2sf) =	vpush v0, $0xD;
	[tilespmem:$0x10100] =	vst v63  }
0x29: {  	s12 =	sadd.s32 s5, s18;
	s18 =	sand.u32 $0x1FFFFFF0, s28;
	s28 =	spop (v2sf)  }
0x2a: {  	[tilespmem:s13], [sflag:$0x1] =	stream.linear.gather [hbm4b:s12+s2], $0x80, $0x38;
	(v2sf) =	vpush v0, $0xE;
	[tilespmem:$0x10100] =	vst v63  }
0x2b: {  	s12 =	sadd.s32 s5, s16;
	s13 =	sand.u32 $0x1FFFFFF0, s28;
	s16 =	spop (v2sf)  }
0x2c: {  	[tilespmem:s29], [sflag:$0x1] =	stream.linear.gather [hbm4b:s12+s2], $0x80, $0x38;
	(v2sf) =	vpush v0, $0xF;
	[tilespmem:$0x10100] =	vst v63  }
0x2d: {  	s12 =	sadd.s32 s5, s18;
	s16 =	sand.u32 $0x1FFFFFF0, s16;
	s18 =	spop (v2sf)  }
0x2e: {  	[tilespmem:s10], [sflag:$0x1] =	stream.linear.gather [hbm4b:s12+s2], $0x80, $0x38;
	[tilespmem:$0x10100] =	vst v63  }
0x2f: {  	s10 =	sadd.s32 s5, s13;
	s12 =	sand.u32 $0x1FFFFFF0, s18;
	s13 =	spop (v2sf)  }
0x30: {  	[tilespmem:s30], [sflag:$0x1] =	stream.linear.gather [hbm4b:s10+s2], $0x80, $0x38;
	[tilespmem:$0x10100] =	vst v63  }
0x31: {  	s10 =	sadd.s32 s5, s16;
	s13 =	sand.u32 $0x1FFFFFF0, s13;
	s16 =	spop (v2sf)  }
0x32: {  	[tilespmem:s3], [sflag:$0x1] =	stream.linear.gather [hbm4b:s10+s2], $0x80, $0x38;
	[tilespmem:$0x10100] =	vst v63  }
0x33: {  	s3 =	sadd.s32 s5, s12;
	s10 =	sand.u32 $0x1FFFFFF0, s16;
	s12 =	spop (v2sf)  }
0x34: {  	[tilespmem:s0], [sflag:$0x1] =	stream.linear.gather [hbm4b:s3+s2], $0x80, $0x38;
	[tilespmem:$0x10100] =	vst v63  }
0x35: {  	s0 =	sadd.s32 s5, s13;
	s3 =	sand.u32 $0x1FFFFFF0, s12;
	s12 =	spop (v2sf)  }
0x36: {  	[tilespmem:s8], [sflag:$0x1] =	stream.linear.gather [hbm4b:s0+s2], $0x80, $0x38;
	[tilespmem:$0x10100] =	vst v63  }
0x37: {  	s0 =	sadd.s32 s5, s10;
	s8 =	sand.u32 $0x1FFFFFF0, s12;
	s10 =	spop (v2sf)  }
0x38: {  	[tilespmem:s26], [sflag:$0x1] =	stream.linear.gather [hbm4b:s0+s2], $0x80, $0x38;
	[tilespmem:$0x10100] =	vst v63  }
0x39: {  	s0 =	sadd.s32 s5, s3;
	s3 =	sand.u32 $0x1FFFFFF0, s10;
	s10 =	spop (v2sf)  }
0x3a: {  	[tilespmem:s25], [sflag:$0x1] =	stream.linear.gather [hbm4b:s0+s2], $0x80, $0x38;
	[tilespmem:$0x10100] =	vst v63  }
0x3b: {  	s0 =	sadd.s32 s5, s8;
	s8 =	sand.u32 $0x1FFFFFF0, s10;
	s10 =	spop (v2sf)  }
0x3c: {  	[tilespmem:s23], [sflag:$0x1] =	stream.linear.gather [hbm4b:s0+s2], $0x80, $0x38;
	[tilespmem:$0x10100] =	vst v63  }
0x3d: {  	s0 =	sadd.s32 s5, s3;
	s3 =	sand.u32 $0x1FFFFFF0, s10  }
0x3e: {  	[tilespmem:s24], [sflag:$0x1] =	stream.linear.gather [hbm4b:s0+s2], $0x80, $0x38;
	[tilespmem:$0x10100] =	vst v63  }
0x3f: {  	s8 =	sadd.s32 s5, s8;
	s0 =	sadd.s32 $0x800, s19  }
0x40: {  	[tilespmem:s0], [sflag:$0x1] =	stream.linear.gather [hbm4b:s8+s2], $0x80, $0x38;
	[tilespmem:$0x10100] =	vst v63  }
0x41: {  	s3 =	sadd.s32 s5, s3;
	s0 =	sadd.s32 $0x880, s19  }
0x42: {  	[tilespmem:s0], [sflag:$0x1] =	stream.linear.gather [hbm4b:s3+s2], $0x80, $0x38;
	[tilespmem:$0x10100] =	vst v63  }
0x43: {  	v0 =	vld [tilespmem:s21+$0x0];
	_ =	sdelay $0x4  }
0x44: {  	v0 =	vshll.u32 v0, $0x4  }
0x45: {  	(v2sf) =	vpush v0, $0x0  }
0x46: {  	(v2sf) =	vpush v0, $0x1  }
0x47: {  	(v2sf) =	vpush v0, $0x2;
	_ =	sdelay $0x1  }
0x48: {  	(v2sf) =	vpush v0, $0x4  }
.Ltmp0:
0x49: {  	(pc) =	sbr.rel @p0 .LBB2_2-.Ltmp0, $3  }
0x4a: {  	(v2sf) =	vpush v0, $0x3  }
0x4b: {  	(v2sf) =	vpush v0, $0x5;
	_ =	sdelay $0x1  }
0x4c: {  	s19 =	sshra.s32 s22, $0x2;
	(v2sf) =	vpush v0, $0x6  }
0x4d: {  	_ =	sdelay $0x1  }
0x4e: {  	s10 =	sadd.s32 $0x180, s19;
	s8 =	sadd.s32 $0x680, s19  }
0x4f: {  	s12 =	sadd.s32 $0x480, s19;
	s0 =	sadd.s32 $0x700, s19;
	(v2sf) =	vpush v0, $0x7;
	s13 =	sadd.s32 $0x380, s19  }
0x50: {  	s16 =	sadd.s32 $0x500, s19;
	s3 =	sadd.s32 $0x780, s19;
	s18 =	sadd.s32 $0x100, s19  }
0x51: {  	s20 =	sadd.s32 $0x300, s19;
	s21 =	sadd.s32 $0x400, s19;
	(v2sf) =	vpush v0, $0x8;
	s22 =	spop (v2sf)  }
0x52: {  	s23 =	sadd.s32 $0x200, s19;
	s22 =	sand.u32 $0x1FFFFFF0, s22;
	s24 =	spop (v2sf)  }
0x53: {  	(v2sf) =	vpush v0, $0x9;
	s22 =	sadd.s32 s5, s22;
	s24 =	sand.u32 $0x1FFFFFF0, s24;
	s25 =	spop (v2sf)  }
0x54: {  	[tilespmem:s18], [sflag:$0x1] =	stream.linear.gather [hbm4b:s22+s2], $0x80, $0x38;
	[tilespmem:$0x10100] =	vst v63  }
0x55: {  	s26 =	sadd.s32 $0x280, s19;
	(v2sf) =	vpush v0, $0xA;
	s28 =	sadd.s32 s5, s24;
	s29 =	spop (v2sf)  }
0x56: {  	[tilespmem:s10], [sflag:$0x1] =	stream.linear.gather [hbm4b:s28+s2], $0x80, $0x38;
	[tilespmem:$0x10100] =	vst v63  }
0x57: {  	s18 =	sadd.s32 $0x600, s19;
	s30 =	sand.u32 $0x1FFFFFF0, s25;
	(v2sf) =	vpush v0, $0xB;
	s31 =	spop (v2sf)  }
0x58: {  	s22 =	sadd.s32 s5, s30;
	s10 =	sadd.s32 $0x580, s19;
	s25 =	sand.u32 $0x1FFFFFF0, s31  }
0x59: {  	(v2sf) =	vpush v0, $0xC;
	[tilespmem:s23], [sflag:$0x1] =	stream.linear.gather [hbm4b:s22+s2], $0x80, $0x38;
	[tilespmem:$0x10100] =	vst v63  }
0x5a: {  	s1 =	sand.u32 $0x1FFFFFF0, s29;
	s6 =	spop (v2sf);
	s9 =	sadd.s32 s5, s25  }
0x5b: {  	(v2sf) =	vpush v0, $0xD;
	[tilespmem:s26], [sflag:$0x1] =	stream.linear.gather [hbm4b:s9+s2], $0x80, $0x38;
	[tilespmem:$0x10100] =	vst v63  }
0x5c: {  	s22 =	sadd.s32 s5, s1;
	s23 =	sand.u32 $0x1FFFFFF0, s6;
	s17 =	spop (v2sf)  }
0x5d: {  	(v2sf) =	vpush v0, $0xE;
	[tilespmem:s20], [sflag:$0x1] =	stream.linear.gather [hbm4b:s22+s2], $0x80, $0x38;
	[tilespmem:$0x10100] =	vst v63  }
0x5e: {  	s23 =	sadd.s32 s5, s23;
	s25 =	sand.u32 $0x1FFFFFF0, s17;
	s26 =	spop (v2sf)  }
0x5f: {  	(v2sf) =	vpush v0, $0xF;
	[tilespmem:s13], [sflag:$0x1] =	stream.linear.gather [hbm4b:s23+s2], $0x80, $0x38;
	[tilespmem:$0x10100] =	vst v63  }
0x60: {  	s28 =	sand.u32 $0x1FFFFFF0, s26;
	s29 =	spop (v2sf);
	s20 =	sadd.s32 s5, s25  }
0x61: {  	[tilespmem:s21], [sflag:$0x1] =	stream.linear.gather [hbm4b:s20+s2], $0x80, $0x38;
	[tilespmem:$0x10100] =	vst v63  }
0x62: {  	s30 =	sand.u32 $0x1FFFFFF0, s29;
	s13 =	sadd.s32 s5, s28;
	s31 =	spop (v2sf)  }
0x63: {  	[tilespmem:s12], [sflag:$0x1] =	stream.linear.gather [hbm4b:s13+s2], $0x80, $0x38;
	[tilespmem:$0x10100] =	vst v63  }
0x64: {  	s20 =	sadd.s32 s5, s30;
	s1 =	sand.u32 $0x1FFFFFF0, s31;
	s6 =	spop (v2sf)  }
0x65: {  	[tilespmem:s16], [sflag:$0x1] =	stream.linear.gather [hbm4b:s20+s2], $0x80, $0x38;
	[tilespmem:$0x10100] =	vst v63  }
0x66: {  	s13 =	sand.u32 $0x1FFFFFF0, s6;
	s12 =	sadd.s32 s5, s1;
	s9 =	spop (v2sf)  }
0x67: {  	[tilespmem:s10], [sflag:$0x1] =	stream.linear.gather [hbm4b:s12+s2], $0x80, $0x38;
	[tilespmem:$0x10100] =	vst v63  }
0x68: {  	s13 =	sadd.s32 s5, s13;
	s17 =	sand.u32 $0x1FFFFFF0, s9;
	s20 =	spop (v2sf)  }
0x69: {  	[tilespmem:s18], [sflag:$0x1] =	stream.linear.gather [hbm4b:s13+s2], $0x80, $0x38;
	[tilespmem:$0x10100] =	vst v63  }
0x6a: {  	s10 =	sadd.s32 s5, s17;
	s12 =	sand.u32 $0x1FFFFFF0, s20;
	s21 =	spop (v2sf)  }
0x6b: {  	[tilespmem:s8], [sflag:$0x1] =	stream.linear.gather [hbm4b:s10+s2], $0x80, $0x38;
	[tilespmem:$0x10100] =	vst v63  }
0x6c: {  	s22 =	sand.u32 $0x1FFFFFF0, s21;
	s12 =	sadd.s32 s5, s12;
	s23 =	spop (v2sf)  }
0x6d: {  	[tilespmem:s0], [sflag:$0x1] =	stream.linear.gather [hbm4b:s12+s2], $0x80, $0x38;
	[tilespmem:$0x10100] =	vst v63  }
0x6e: {  	s24 =	sand.u32 $0x1FFFFFF0, s23;
	s25 =	spop (v2sf);
	s8 =	sadd.s32 s5, s22  }
0x6f: {  	[tilespmem:s3], [sflag:$0x1] =	stream.linear.gather [hbm4b:s8+s2], $0x80, $0x38;
	[tilespmem:$0x10100] =	vst v63  }
0x70: {  	s28 =	sadd.s32 $0x800, s19;
	s26 =	sand.u32 $0x1FFFFFF0, s25;
	s0 =	sadd.s32 s5, s24  }
0x71: {  	[tilespmem:s28], [sflag:$0x1] =	stream.linear.gather [hbm4b:s0+s2], $0x80, $0x38;
	[tilespmem:$0x10100] =	vst v63  }
0x72: {  	s29 =	sadd.s32 $0x880, s19;
	s30 =	simm.s32 $0x0;
	s3 =	sadd.s32 s5, s26  }
0x73: {  	[tilespmem:s29], [sflag:$0x1] =	stream.linear.gather [hbm4b:s3+s2], $0x80, $0x38;
	[tilespmem:$0x10100] =	vst v63  }
0x74: {  	s31 =	rddreg [dreg:$0x1];
	s1 =	simm.s32 $0x8100;
	s20 =	simm.s32 $0x0  }
0x75: {  	[tilespmem:s1], [sflag:$0x2] =	stream.linear.gather [hbm4b:s31+s30], $0x4000, $0x38;
	[tilespmem:$0x10100] =	vst v63  }
.LBB2_4:
0x76: {  	s23 =	sshllo.u32 s20, $0x1  }
0x77: {  	s0 =	sshll.u32 s23, $0x7  }
0x78: {  	s21 =	sadd.s32 s7, s0  }
0x79: {  	s0 =	sshrl.u32 s21, $0x3  }
0x7a: {  	s25 =	simm.s32 $0x80;
	s1 =	simm.s32 $0x0;
	s0 =	sadd.s32 s4, s0  }
0x7b: {  	[tilespmem:s25], [sflag:$0x3] =	stream.linear.gather [hbm4b:s0+s1], $0x80, $0x38;
	[tilespmem:$0x10100] =	vst v63  }
0x7c: {  	_ =	swait.ge [sflag:s11], $0x80  }
0x7d: {  	[sflag:s11] =	ssyncset.done $0x0  }
0x7e: {  	[sflag:s11] =	ssyncadd.s32 $0xFFFFFF80  }
0x7f: {  	v0 =	vld [tilespmem:s25+$0x0];
	_ =	sdelay $0x4  }
0x80: {  	v0 =	vshll.u32 v0, $0x4  }
0x81: {  	(v2sf) =	vpush v0, $0x0  }
0x82: {  	(v2sf) =	vpush v0, $0x1  }
0x83: {  	(v2sf) =	vpush v0, $0x2;
	_ =	sdelay $0x1  }
0x84: {  	(v2sf) =	vpush v0, $0x4;
	_ =	sdelay $0x1  }
0x85: {  	(v2sf) =	vpush v0, $0x3  }
0x86: {  	(v2sf) =	vpush v0, $0x5  }
0x87: {  	s22 =	sshll.u32 s20, $0x1;
	s26 =	simm.s32 $0x2000;
	s24 =	simm.s32 $0x0;
	(v2sf) =	vpush v0, $0x6  }
.LBB2_5:
0x88: {  	p0 =	sne.s32 s26, $0xE000  }
0x89: {  	s12 =	sadd.s32 $0x4180, s24;
	s31 =	sadd.s32 $0x4680, s24;
	s28 =	smov.u32 s26  }
0x8a: {  	s26 =	sadd.s32 $0x2000, s26;
	s8 =	sadd.s32 $0x4480, s24;
	s29 =	sadd.s32 $0x4700, s24;
	(v2sf) =	vpush v0, $0x7  }
0x8b: {  	s18 =	sadd.s32 $0x4380, s24;
	s3 =	sadd.s32 $0x4500, s24;
	s30 =	sadd.s32 $0x4780, s24  }
0x8c: {  	s13 =	sadd.s32 $0x4100, s24;
	s16 =	sadd.s32 $0x4300, s24;
	(v2sf) =	vpush v0, $0x8  }
0x8d: {  	s17 =	sadd.s32 $0x4400, s24;
	s25 =	sadd.s32 $0x10, s25  }
0x8e: {  	s19 =	sadd.s32 $0x4200, s24;
	s0 =	sadd.s32 $0x4600, s24;
	s10 =	spop (v2sf);
	(v2sf) =	vpush v0, $0x9  }
0x8f: {  	s1 =	sand.u32 $0x1FFFFFF0, s10;
	s10 =	sadd.s32 $0x4580, s24;
	s6 =	spop (v2sf)  }
0x90: {  	s1 =	sadd.s32 s5, s1;
	s6 =	sand.u32 $0x1FFFFFF0, s6;
	s9 =	spop (v2sf);
	(v2sf) =	vpush v0, $0xA  }
0x91: {  	[tilespmem:s13], [sflag:$0x1] =	stream.linear.gather [hbm4b:s1+s2], $0x80, $0x38;
	[tilespmem:$0x10100] =	vst v63  }
0x92: {  	s1 =	sadd.s32 s5, s6;
	s6 =	sadd.s32 $0x4280, s24;
	s13 =	spop (v2sf);
	(v2sf) =	vpush v0, $0xB  }
0x93: {  	[tilespmem:s12], [sflag:$0x1] =	stream.linear.gather [hbm4b:s1+s2], $0x80, $0x38;
	[tilespmem:$0x10100] =	vst v63  }
0x94: {  	s1 =	sand.u32 $0x1FFFFFF0, s9;
	s9 =	sand.u32 $0x1FFFFFF0, s13;
	s12 =	spop (v2sf);
	(v2sf) =	vpush v0, $0xC  }
0x95: {  	s1 =	sadd.s32 s5, s1;
	s12 =	sand.u32 $0x1FFFFFF0, s12;
	s13 =	spop (v2sf)  }
0x96: {  	[tilespmem:s19], [sflag:$0x1] =	stream.linear.gather [hbm4b:s1+s2], $0x80, $0x38;
	(v2sf) =	vpush v0, $0xD;
	[tilespmem:$0x10100] =	vst v63  }
0x97: {  	s1 =	sadd.s32 s5, s12;
	s12 =	sand.u32 $0x1FFFFFF0, s13;
	s13 =	spop (v2sf)  }
0x98: {  	[tilespmem:s6], [sflag:$0x1] =	stream.linear.gather [hbm4b:s1+s2], $0x80, $0x38;
	(v2sf) =	vpush v0, $0xE;
	[tilespmem:$0x10100] =	vst v63  }
0x99: {  	s1 =	sadd.s32 s5, s9;
	s6 =	sand.u32 $0x1FFFFFF0, s13;
	s9 =	spop (v2sf)  }
0x9a: {  	[tilespmem:s16], [sflag:$0x1] =	stream.linear.gather [hbm4b:s1+s2], $0x80, $0x38;
	(v2sf) =	vpush v0, $0xF;
	[tilespmem:$0x10100] =	vst v63  }
0x9b: {  	s1 =	sadd.s32 s5, s12;
	s9 =	sand.u32 $0x1FFFFFF0, s9;
	s12 =	spop (v2sf)  }
0x9c: {  	[tilespmem:s18], [sflag:$0x1] =	stream.linear.gather [hbm4b:s1+s2], $0x80, $0x38;
	[tilespmem:$0x10100] =	vst v63  }
0x9d: {  	s1 =	sadd.s32 s5, s6;
	s6 =	sand.u32 $0x1FFFFFF0, s12;
	s12 =	spop (v2sf)  }
0x9e: {  	[tilespmem:s17], [sflag:$0x1] =	stream.linear.gather [hbm4b:s1+s2], $0x80, $0x38;
	[tilespmem:$0x10100] =	vst v63  }
0x9f: {  	s1 =	sadd.s32 s5, s9;
	s9 =	sand.u32 $0x1FFFFFF0, s12;
	s12 =	spop (v2sf)  }
0xa0: {  	[tilespmem:s8], [sflag:$0x1] =	stream.linear.gather [hbm4b:s1+s2], $0x80, $0x38;
	[tilespmem:$0x10100] =	vst v63  }
0xa1: {  	s1 =	sadd.s32 s5, s6;
	s6 =	sand.u32 $0x1FFFFFF0, s12;
	s8 =	spop (v2sf)  }
0xa2: {  	[tilespmem:s3], [sflag:$0x1] =	stream.linear.gather [hbm4b:s1+s2], $0x80, $0x38;
	[tilespmem:$0x10100] =	vst v63  }
0xa3: {  	s1 =	sadd.s32 s5, s9;
	s3 =	sand.u32 $0x1FFFFFF0, s8;
	s8 =	spop (v2sf)  }
0xa4: {  	[tilespmem:s10], [sflag:$0x1] =	stream.linear.gather [hbm4b:s1+s2], $0x80, $0x38;
	[tilespmem:$0x10100] =	vst v63  }
0xa5: {  	s1 =	sadd.s32 s5, s6;
	s6 =	sand.u32 $0x1FFFFFF0, s8;
	s8 =	spop (v2sf)  }
0xa6: {  	[tilespmem:s0], [sflag:$0x1] =	stream.linear.gather [hbm4b:s1+s2], $0x80, $0x38;
	[tilespmem:$0x10100] =	vst v63  }
0xa7: {  	s0 =	sadd.s32 s5, s3;
	s1 =	sand.u32 $0x1FFFFFF0, s8;
	s3 =	spop (v2sf)  }
0xa8: {  	[tilespmem:s31], [sflag:$0x1] =	stream.linear.gather [hbm4b:s0+s2], $0x80, $0x38;
	[tilespmem:$0x10100] =	vst v63  }
0xa9: {  	s0 =	sadd.s32 s5, s6;
	s3 =	sand.u32 $0x1FFFFFF0, s3;
	s6 =	spop (v2sf)  }
0xaa: {  	[tilespmem:s29], [sflag:$0x1] =	stream.linear.gather [hbm4b:s0+s2], $0x80, $0x38;
	[tilespmem:$0x10100] =	vst v63  }
0xab: {  	s0 =	sadd.s32 s5, s1;
	s1 =	sand.u32 $0x1FFFFFF0, s6  }
0xac: {  	[tilespmem:s30], [sflag:$0x1] =	stream.linear.gather [hbm4b:s0+s2], $0x80, $0x38;
	[tilespmem:$0x10100] =	vst v63  }
0xad: {  	s3 =	sadd.s32 s5, s3;
	s0 =	sadd.s32 $0x4800, s24  }
0xae: {  	[tilespmem:s0], [sflag:$0x1] =	stream.linear.gather [hbm4b:s3+s2], $0x80, $0x38;
	[tilespmem:$0x10100] =	vst v63  }
0xaf: {  	s1 =	sadd.s32 s5, s1;
	s0 =	sadd.s32 $0x4880, s24  }
0xb0: {  	[tilespmem:s0], [sflag:$0x1] =	stream.linear.gather [hbm4b:s1+s2], $0x80, $0x38;
	[tilespmem:$0x10100] =	vst v63  }
0xb1: {  	v0 =	vld [tilespmem:s25+$0x0];
	_ =	sdelay $0x4  }
0xb2: {  	v0 =	vshll.u32 v0, $0x4  }
0xb3: {  	(v2sf) =	vpush v0, $0x0  }
0xb4: {  	(v2sf) =	vpush v0, $0x1  }
0xb5: {  	(v2sf) =	vpush v0, $0x2;
	_ =	sdelay $0x1  }
0xb6: {  	(v2sf) =	vpush v0, $0x4  }
.Ltmp1:
0xb7: {  	(pc) =	sbr.rel @p0 .LBB2_5-.Ltmp1, $3  }
0xb8: {  	(v2sf) =	vpush v0, $0x3  }
0xb9: {  	(v2sf) =	vpush v0, $0x5;
	_ =	sdelay $0x1  }
0xba: {  	s24 =	sshra.s32 s28, $0x2;
	(v2sf) =	vpush v0, $0x6  }
0xbb: {  	_ =	sdelay $0x1  }
0xbc: {  	s1 =	sadd.s32 $0x4180, s24  }
0xbd: {  	s8 =	sadd.s32 $0x4680, s24;
	s6 =	sadd.s32 $0x4480, s24;
	s0 =	sadd.s32 $0x4700, s24;
	(v2sf) =	vpush v0, $0x7  }
0xbe: {  	s9 =	sadd.s32 $0x4380, s24;
	s10 =	sadd.s32 $0x4500, s24;
	s3 =	sadd.s32 $0x4780, s24  }
0xbf: {  	s12 =	sadd.s32 $0x4100, s24;
	s13 =	sadd.s32 $0x4300, s24;
	(v2sf) =	vpush v0, $0x8;
	s17 =	spop (v2sf)  }
0xc0: {  	s16 =	sadd.s32 $0x4400, s24;
	s17 =	sand.u32 $0x1FFFFFF0, s17;
	s19 =	spop (v2sf)  }
0xc1: {  	(v2sf) =	vpush v0, $0x9;
	s17 =	sadd.s32 s5, s17;
	s19 =	sand.u32 $0x1FFFFFF0, s19;
	s25 =	spop (v2sf)  }
0xc2: {  	[tilespmem:s12], [sflag:$0x1] =	stream.linear.gather [hbm4b:s17+s2], $0x80, $0x38;
	[tilespmem:$0x10100] =	vst v63  }
0xc3: {  	s18 =	sadd.s32 $0x4200, s24;
	(v2sf) =	vpush v0, $0xA;
	s30 =	sadd.s32 s5, s19;
	s31 =	spop (v2sf)  }
0xc4: {  	[tilespmem:s1], [sflag:$0x1] =	stream.linear.gather [hbm4b:s30+s2], $0x80, $0x38;
	[tilespmem:$0x10100] =	vst v63  }
0xc5: {  	s26 =	sadd.s32 $0x4280, s24;
	s28 =	sand.u32 $0x1FFFFFF0, s25;
	s29 =	spop (v2sf)  }
0xc6: {  	s12 =	sadd.s32 $0x4600, s24;
	(v2sf) =	vpush v0, $0xB;
	s17 =	sadd.s32 s5, s28;
	s25 =	sand.u32 $0x1FFFFFF0, s29  }
0xc7: {  	[tilespmem:s18], [sflag:$0x1] =	stream.linear.gather [hbm4b:s17+s2], $0x80, $0x38;
	[tilespmem:$0x10100] =	vst v63  }
0xc8: {  	s30 =	sand.u32 $0x1FFFFFF0, s31;
	(v2sf) =	vpush v0, $0xC;
	s31 =	spop (v2sf);
	s28 =	sadd.s32 s5, s25  }
0xc9: {  	[tilespmem:s26], [sflag:$0x1] =	stream.linear.gather [hbm4b:s28+s2], $0x80, $0x38;
	[tilespmem:$0x10100] =	vst v63  }
0xca: {  	(v2sf) =	vpush v0, $0xD;
	s17 =	sadd.s32 s5, s30;
	s18 =	sand.u32 $0x1FFFFFF0, s31;
	s29 =	spop (v2sf)  }
0xcb: {  	[tilespmem:s13], [sflag:$0x1] =	stream.linear.gather [hbm4b:s17+s2], $0x80, $0x38;
	[tilespmem:$0x10100] =	vst v63  }
0xcc: {  	(v2sf) =	vpush v0, $0xE;
	s18 =	sadd.s32 s5, s18;
	s30 =	sand.u32 $0x1FFFFFF0, s29;
	s31 =	spop (v2sf)  }
0xcd: {  	[tilespmem:s9], [sflag:$0x1] =	stream.linear.gather [hbm4b:s18+s2], $0x80, $0x38;
	[tilespmem:$0x10100] =	vst v63  }
0xce: {  	(v2sf) =	vpush v0, $0xF;
	s19 =	spop (v2sf);
	s13 =	sadd.s32 s5, s30;
	s18 =	sand.u32 $0x1FFFFFF0, s31  }
0xcf: {  	[tilespmem:s16], [sflag:$0x1] =	stream.linear.gather [hbm4b:s13+s2], $0x80, $0x38;
	[tilespmem:$0x10100] =	vst v63  }
0xd0: {  	s25 =	sand.u32 $0x1FFFFFF0, s19;
	s9 =	sadd.s32 s5, s18;
	s26 =	spop (v2sf)  }
0xd1: {  	[tilespmem:s6], [sflag:$0x1] =	stream.linear.gather [hbm4b:s9+s2], $0x80, $0x38;
	[tilespmem:$0x10100] =	vst v63  }
0xd2: {  	s1 =	sadd.s32 $0x4580, s24;
	s13 =	sadd.s32 s5, s25;
	s29 =	spop (v2sf)  }
0xd3: {  	s28 =	sand.u32 $0x1FFFFFF0, s26;
	s26 =	sadd.s32 $0x4800, s24;
	s9 =	sand.u32 $0x1FFFFFF0, s29  }
0xd4: {  	[tilespmem:s10], [sflag:$0x1] =	stream.linear.gather [hbm4b:s13+s2], $0x80, $0x38;
	[tilespmem:$0x10100] =	vst v63  }
0xd5: {  	s6 =	sadd.s32 s5, s28;
	s28 =	sadd.s32 $0x4880, s24;
	s30 =	spop (v2sf)  }
0xd6: {  	[tilespmem:s1], [sflag:$0x1] =	stream.linear.gather [hbm4b:s6+s2], $0x80, $0x38;
	[tilespmem:$0x10100] =	vst v63  }
0xd7: {  	s9 =	sadd.s32 s5, s9;
	s31 =	sand.u32 $0x1FFFFFF0, s30;
	s10 =	spop (v2sf)  }
0xd8: {  	[tilespmem:s12], [sflag:$0x1] =	stream.linear.gather [hbm4b:s9+s2], $0x80, $0x38;
	[tilespmem:$0x10100] =	vst v63  }
0xd9: {  	s1 =	sadd.s32 s5, s31;
	s6 =	sand.u32 $0x1FFFFFF0, s10;
	s13 =	spop (v2sf)  }
0xda: {  	[tilespmem:s8], [sflag:$0x1] =	stream.linear.gather [hbm4b:s1+s2], $0x80, $0x38;
	[tilespmem:$0x10100] =	vst v63  }
0xdb: {  	s16 =	sand.u32 $0x1FFFFFF0, s13;
	s6 =	sadd.s32 s5, s6;
	s17 =	spop (v2sf)  }
0xdc: {  	[tilespmem:s0], [sflag:$0x1] =	stream.linear.gather [hbm4b:s6+s2], $0x80, $0x38;
	[tilespmem:$0x10100] =	vst v63  }
0xdd: {  	s18 =	sand.u32 $0x1FFFFFF0, s17;
	s19 =	spop (v2sf);
	s1 =	sadd.s32 s5, s16  }
0xde: {  	[tilespmem:s3], [sflag:$0x1] =	stream.linear.gather [hbm4b:s1+s2], $0x80, $0x38;
	[tilespmem:$0x10100] =	vst v63  }
0xdf: {  	s29 =	sshll.u32 s23, $0xB;
	s25 =	sand.u32 $0x1FFFFFF0, s19;
	s0 =	sadd.s32 s5, s18  }
0xe0: {  	[tilespmem:s26], [sflag:$0x1] =	stream.linear.gather [hbm4b:s0+s2], $0x80, $0x38;
	[tilespmem:$0x10100] =	vst v63  }
0xe1: {  	s30 =	rddreg [dreg:$0x1];
	s1 =	sadd.s32 s5, s25;
	s0 =	sand.u32 $0x7800, s29  }
0xe2: {  	[tilespmem:s28], [sflag:$0x1] =	stream.linear.gather [hbm4b:s1+s2], $0x80, $0x38;
	[tilespmem:$0x10100] =	vst v63  }
0xe3: {  	s31 =	simm.s32 $0xC100;
	s0 =	sadd.s32 s30, s0  }
0xe4: {  	[tilespmem:s31], [sflag:$0x2] =	stream.linear.gather [hbm4b:s0+s2], $0x4000, $0x38;
	[tilespmem:$0x10100] =	vst v63  }
0xe5: {  	_ =	swait.ge [sflag:s14], $0x4000  }
0xe6: {  	[sflag:s14] =	ssyncset.done $0x0  }
0xe7: {  	[sflag:s14] =	ssyncadd.s32 $0xFFFFC000  }
0xe8: {  	_ =	swait.ge [sflag:s15], $0x4000  }
0xe9: {  	[sflag:s15] =	ssyncset.done $0x0  }
0xea: {  	s23 =	simm.s32 $0x200;
	[sflag:s15] =	ssyncadd.s32 $0xFFFFC000  }
0xeb: {  	s24 =	simm.s32 $0x8200;
	v0 =	vld [tilespmem:s23+$0xFFFFFF00]  }
0xec: {  	v1 =	vld [tilespmem:s24+$0xFFFFFF00];
	_ =	sdelay $0x4  }
0xed: {  	v0 =	vadd.f32 v1, v0;
	_ =	sdelay $0x1  }
0xee: {  	[tilespmem:s23+$0xFFFFFF00] =	vst v0;
	v0 =	vld [tilespmem:s23+$0xFFFFFF10]  }
0xef: {  	v1 =	vld [tilespmem:s24+$0xFFFFFF10];
	_ =	sdelay $0x4  }
0xf0: {  	v0 =	vadd.f32 v1, v0;
	_ =	sdelay $0x1  }
0xf1: {  	[tilespmem:s23+$0xFFFFFF10] =	vst v0;
	v0 =	vld [tilespmem:s23+$0xFFFFFF20]  }
0xf2: {  	v1 =	vld [tilespmem:s24+$0xFFFFFF20];
	_ =	sdelay $0x4  }
0xf3: {  	v0 =	vadd.f32 v1, v0;
	_ =	sdelay $0x1  }
0xf4: {  	[tilespmem:s23+$0xFFFFFF20] =	vst v0;
	v0 =	vld [tilespmem:s23+$0xFFFFFF30]  }
0xf5: {  	v1 =	vld [tilespmem:s24+$0xFFFFFF30];
	_ =	sdelay $0x4  }
0xf6: {  	v0 =	vadd.f32 v1, v0;
	_ =	sdelay $0x1  }
0xf7: {  	[tilespmem:s23+$0xFFFFFF30] =	vst v0;
	v0 =	vld [tilespmem:s23+$0xFFFFFF80]  }
0xf8: {  	v1 =	vld [tilespmem:s24+$0xFFFFFF80];
	_ =	sdelay $0x4  }
0xf9: {  	v0 =	vadd.f32 v1, v0;
	_ =	sdelay $0x1  }
0xfa: {  	[tilespmem:s23+$0xFFFFFF80] =	vst v0;
	v0 =	vld [tilespmem:s23+$0xFFFFFF90]  }
0xfb: {  	v1 =	vld [tilespmem:s24+$0xFFFFFF90];
	_ =	sdelay $0x4  }
0xfc: {  	v0 =	vadd.f32 v1, v0;
	_ =	sdelay $0x1  }
0xfd: {  	[tilespmem:s23+$0xFFFFFF90] =	vst v0;
	v0 =	vld [tilespmem:s23+$0xFFFFFFA0]  }
0xfe: {  	v1 =	vld [tilespmem:s24+$0xFFFFFFA0];
	_ =	sdelay $0x4  }
0xff: {  	v0 =	vadd.f32 v1, v0;
	_ =	sdelay $0x1  }
0x100: {  	[tilespmem:s23+$0xFFFFFFA0] =	vst v0;
	v0 =	vld [tilespmem:s23+$0xFFFFFFB0]  }
0x101: {  	v1 =	vld [tilespmem:s24+$0xFFFFFFB0];
	_ =	sdelay $0x4  }
0x102: {  	v0 =	vadd.f32 v1, v0;
	_ =	sdelay $0x1  }
0x103: {  	[tilespmem:s23+$0xFFFFFFB0] =	vst v0;
	v0 =	vld [tilespmem:s23+$0x0]  }
0x104: {  	v1 =	vld [tilespmem:s24+$0x0];
	_ =	sdelay $0x4  }
0x105: {  	v0 =	vadd.f32 v1, v0;
	_ =	sdelay $0x1  }
0x106: {  	[tilespmem:s23+$0x0] =	vst v0;
	v0 =	vld [tilespmem:s23+$0x10]  }
0x107: {  	v1 =	vld [tilespmem:s24+$0x10];
	_ =	sdelay $0x4  }
0x108: {  	v0 =	vadd.f32 v1, v0;
	_ =	sdelay $0x1  }
0x109: {  	[tilespmem:s23+$0x10] =	vst v0;
	v0 =	vld [tilespmem:s23+$0x20]  }
0x10a: {  	v1 =	vld [tilespmem:s24+$0x20];
	_ =	sdelay $0x4  }
0x10b: {  	v0 =	vadd.f32 v1, v0;
	_ =	sdelay $0x1  }
0x10c: {  	[tilespmem:s23+$0x20] =	vst v0;
	v0 =	vld [tilespmem:s23+$0x30]  }
0x10d: {  	v1 =	vld [tilespmem:s24+$0x30];
	_ =	sdelay $0x4  }
0x10e: {  	v0 =	vadd.f32 v1, v0;
	_ =	sdelay $0x1  }
0x10f: {  	[tilespmem:s23+$0x30] =	vst v0;
	v0 =	vld [tilespmem:s23+$0x80]  }
0x110: {  	v1 =	vld [tilespmem:s24+$0x80];
	_ =	sdelay $0x4  }
0x111: {  	v0 =	vadd.f32 v1, v0;
	_ =	sdelay $0x1  }
0x112: {  	[tilespmem:s23+$0x80] =	vst v0;
	v0 =	vld [tilespmem:s23+$0x90]  }
0x113: {  	v1 =	vld [tilespmem:s24+$0x90];
	_ =	sdelay $0x4  }
0x114: {  	v0 =	vadd.f32 v1, v0;
	_ =	sdelay $0x1  }
0x115: {  	[tilespmem:s23+$0x90] =	vst v0;
	v0 =	vld [tilespmem:s23+$0xA0]  }
0x116: {  	v1 =	vld [tilespmem:s24+$0xA0];
	_ =	sdelay $0x4  }
0x117: {  	v0 =	vadd.f32 v1, v0;
	_ =	sdelay $0x1  }
0x118: {  	[tilespmem:s23+$0xA0] =	vst v0;
	v0 =	vld [tilespmem:s23+$0xB0]  }
0x119: {  	v1 =	vld [tilespmem:s24+$0xB0];
	_ =	sdelay $0x4  }
0x11a: {  	v0 =	vadd.f32 v1, v0  }
0x11b: {  	s25 =	simm.s32 $0x0;
	s26 =	simm.s32 $0x400  }
.LBB2_7:
0x11c: {  	v1 =	vld [tilespmem:s26+$0xFFFFFF00];
	[tilespmem:s23+$0xB0] =	vst v0;
	s24 =	sadd.s32 $0x200, s24;
	s23 =	smov.u32 s26  }
0x11d: {  	s25 =	sadd.s32 $0x4, s25;
	v0 =	vld [tilespmem:s24+$0xFFFFFF00]  }
0x11e: {  	p0 =	slt.u32 s25, $0x7C;
	_ =	sdelay $0x3  }
0x11f: {  	v0 =	vadd.f32 v0, v1;
	_ =	sdelay $0x1  }
0x120: {  	[tilespmem:s26+$0xFFFFFF00] =	vst v0;
	v0 =	vld [tilespmem:s26+$0xFFFFFF10]  }
0x121: {  	v1 =	vld [tilespmem:s24+$0xFFFFFF10];
	_ =	sdelay $0x4  }
0x122: {  	v0 =	vadd.f32 v1, v0;
	_ =	sdelay $0x1  }
0x123: {  	[tilespmem:s26+$0xFFFFFF10] =	vst v0;
	v0 =	vld [tilespmem:s26+$0xFFFFFF20]  }
0x124: {  	v1 =	vld [tilespmem:s24+$0xFFFFFF20];
	_ =	sdelay $0x4  }
0x125: {  	v0 =	vadd.f32 v1, v0;
	_ =	sdelay $0x1  }
0x126: {  	[tilespmem:s26+$0xFFFFFF20] =	vst v0;
	v0 =	vld [tilespmem:s26+$0xFFFFFF30]  }
0x127: {  	v1 =	vld [tilespmem:s24+$0xFFFFFF30];
	_ =	sdelay $0x4  }
0x128: {  	v0 =	vadd.f32 v1, v0;
	_ =	sdelay $0x1  }
0x129: {  	[tilespmem:s26+$0xFFFFFF30] =	vst v0;
	v0 =	vld [tilespmem:s26+$0xFFFFFF80]  }
0x12a: {  	v1 =	vld [tilespmem:s24+$0xFFFFFF80];
	_ =	sdelay $0x4  }
0x12b: {  	v0 =	vadd.f32 v1, v0;
	_ =	sdelay $0x1  }
0x12c: {  	[tilespmem:s26+$0xFFFFFF80] =	vst v0;
	v0 =	vld [tilespmem:s26+$0xFFFFFF90]  }
0x12d: {  	v1 =	vld [tilespmem:s24+$0xFFFFFF90];
	_ =	sdelay $0x4  }
0x12e: {  	v0 =	vadd.f32 v1, v0;
	_ =	sdelay $0x1  }
0x12f: {  	[tilespmem:s26+$0xFFFFFF90] =	vst v0;
	v0 =	vld [tilespmem:s26+$0xFFFFFFA0]  }
0x130: {  	v1 =	vld [tilespmem:s24+$0xFFFFFFA0];
	_ =	sdelay $0x4  }
0x131: {  	v0 =	vadd.f32 v1, v0;
	_ =	sdelay $0x1  }
0x132: {  	[tilespmem:s26+$0xFFFFFFA0] =	vst v0;
	v0 =	vld [tilespmem:s26+$0xFFFFFFB0]  }
0x133: {  	v1 =	vld [tilespmem:s24+$0xFFFFFFB0];
	_ =	sdelay $0x4  }
0x134: {  	v0 =	vadd.f32 v1, v0;
	_ =	sdelay $0x1  }
0x135: {  	[tilespmem:s26+$0xFFFFFFB0] =	vst v0;
	v0 =	vld [tilespmem:s26+$0x0]  }
0x136: {  	v1 =	vld [tilespmem:s24+$0x0];
	_ =	sdelay $0x4  }
0x137: {  	v0 =	vadd.f32 v1, v0;
	_ =	sdelay $0x1  }
0x138: {  	[tilespmem:s26+$0x0] =	vst v0;
	v0 =	vld [tilespmem:s26+$0x10]  }
0x139: {  	v1 =	vld [tilespmem:s24+$0x10];
	_ =	sdelay $0x4  }
0x13a: {  	v0 =	vadd.f32 v1, v0;
	_ =	sdelay $0x1  }
0x13b: {  	[tilespmem:s26+$0x10] =	vst v0;
	v0 =	vld [tilespmem:s26+$0x20]  }
0x13c: {  	v1 =	vld [tilespmem:s24+$0x20];
	_ =	sdelay $0x4  }
0x13d: {  	v0 =	vadd.f32 v1, v0;
	_ =	sdelay $0x1  }
0x13e: {  	[tilespmem:s26+$0x20] =	vst v0;
	v0 =	vld [tilespmem:s26+$0x30]  }
0x13f: {  	v1 =	vld [tilespmem:s24+$0x30];
	_ =	sdelay $0x4  }
0x140: {  	v0 =	vadd.f32 v1, v0;
	_ =	sdelay $0x1  }
0x141: {  	[tilespmem:s26+$0x30] =	vst v0;
	v0 =	vld [tilespmem:s26+$0x80]  }
0x142: {  	v1 =	vld [tilespmem:s24+$0x80];
	_ =	sdelay $0x4  }
0x143: {  	v0 =	vadd.f32 v1, v0;
	_ =	sdelay $0x1  }
0x144: {  	[tilespmem:s26+$0x80] =	vst v0;
	v0 =	vld [tilespmem:s26+$0x90]  }
0x145: {  	v1 =	vld [tilespmem:s24+$0x90];
	_ =	sdelay $0x4  }
0x146: {  	v0 =	vadd.f32 v1, v0;
	_ =	sdelay $0x1  }
0x147: {  	[tilespmem:s26+$0x90] =	vst v0;
	v0 =	vld [tilespmem:s26+$0xA0]  }
0x148: {  	v1 =	vld [tilespmem:s24+$0xA0];
	_ =	sdelay $0x4  }
0x149: {  	v0 =	vadd.f32 v1, v0;
	_ =	sdelay $0x1  }
0x14a: {  	[tilespmem:s26+$0xA0] =	vst v0;
	v0 =	vld [tilespmem:s26+$0xB0]  }
0x14b: {  	v1 =	vld [tilespmem:s24+$0xB0];
	_ =	sdelay $0x1  }
.Ltmp2:
0x14c: {  	(pc) =	sbr.rel @p0 .LBB2_7-.Ltmp2, $3  }
0x14d: {  	_ =	sdelay $0x1  }
0x14e: {  	v0 =	vadd.f32 v1, v0  }
0x14f: {  	s26 =	sadd.s32 $0x200, s26  }
0x150: {  	s0 =	sshll.u32 s20, $0xC;
	s1 =	rddreg [dreg:$0x5];
	p0 =	seq.s32 s20, $0xF  }
.Ltmp3:
0x151: {  	[tilespmem:s23+$0xB0] =	vst v0;
	s31 =	simm.s32 $0x100;
	s0 =	sadd.s32 s0, s1;
	(pc) =	sbr.rel @p0 .LBB2_12-.Ltmp3, $4  }
0x152: {  	[hbm4b:s0+s2] =	stream.linear.scatter [tilespmem:s31], [sflag:$0x3], $0x4000, $0x38;
	[tilespmem:$0x10100] =	vst v63  }
0x153: {  	_ =	swait.ge [sflag:s11], $0x4000  }
0x154: {  	[sflag:s11] =	ssyncset.done $0x0  }
0x155: {  	[sflag:s11] =	ssyncadd.s32 $0xFFFFC000  }
0x156: {  	s22 =	sadd.s32 $0x2, s22  }
0x157: {  	s0 =	sshll.u32 s22, $0x7  }
0x158: {  	s0 =	sadd.s32 s7, s0  }
0x159: {  	s0 =	sshrl.u32 s0, $0x3  }
0x15a: {  	s24 =	simm.s32 $0x0;
	s0 =	sadd.s32 s4, s0  }
0x15b: {  	[tilespmem:s24], [sflag:$0x3] =	stream.linear.gather [hbm4b:s0+s24], $0x80, $0x38;
	[tilespmem:$0x10100] =	vst v63  }
0x15c: {  	_ =	swait.ge [sflag:s11], $0x80  }
0x15d: {  	[sflag:s11] =	ssyncset.done $0x0  }
0x15e: {  	[sflag:s11] =	ssyncadd.s32 $0xFFFFFF80  }
0x15f: {  	v0 =	vld [tilespmem:s24+$0x0];
	_ =	sdelay $0x4  }
0x160: {  	v0 =	vshll.u32 v0, $0x4  }
0x161: {  	(v2sf) =	vpush v0, $0x0  }
0x162: {  	(v2sf) =	vpush v0, $0x1  }
0x163: {  	(v2sf) =	vpush v0, $0x2;
	_ =	sdelay $0x1  }
0x164: {  	(v2sf) =	vpush v0, $0x4;
	_ =	sdelay $0x1  }
0x165: {  	(v2sf) =	vpush v0, $0x3  }
0x166: {  	(v2sf) =	vpush v0, $0x5  }
0x167: {  	s25 =	simm.s32 $0x2000;
	s23 =	simm.s32 $0x0;
	(v2sf) =	vpush v0, $0x6  }
.LBB2_10:
0x168: {  	p0 =	sne.s32 s25, $0xE000  }
0x169: {  	s1 =	sadd.s32 $0x180, s23;
	s30 =	sadd.s32 $0x680, s23;
	s26 =	smov.u32 s25  }
0x16a: {  	s25 =	sadd.s32 $0x2000, s25;
	s8 =	sadd.s32 $0x480, s23;
	s28 =	sadd.s32 $0x700, s23;
	(v2sf) =	vpush v0, $0x7  }
0x16b: {  	s18 =	sadd.s32 $0x380, s23;
	s3 =	sadd.s32 $0x500, s23;
	s29 =	sadd.s32 $0x780, s23  }
0x16c: {  	s6 =	sadd.s32 $0x100, s23;
	s9 =	sadd.s32 $0x300, s23;
	(v2sf) =	vpush v0, $0x8  }
0x16d: {  	s12 =	sadd.s32 $0x400, s23;
	s24 =	sadd.s32 $0x10, s24  }
0x16e: {  	s13 =	sadd.s32 $0x200, s23;
	s0 =	sadd.s32 $0x600, s23;
	s10 =	spop (v2sf);
	(v2sf) =	vpush v0, $0x9  }
0x16f: {  	s16 =	sand.u32 $0x1FFFFFF0, s10;
	s10 =	sadd.s32 $0x580, s23;
	s17 =	spop (v2sf)  }
0x170: {  	s16 =	sadd.s32 s5, s16;
	s17 =	sand.u32 $0x1FFFFFF0, s17;
	s19 =	spop (v2sf);
	(v2sf) =	vpush v0, $0xA  }
0x171: {  	[tilespmem:s6], [sflag:$0x1] =	stream.linear.gather [hbm4b:s16+s2], $0x80, $0x38;
	[tilespmem:$0x10100] =	vst v63  }
0x172: {  	s6 =	sadd.s32 s5, s17;
	s16 =	sadd.s32 $0x280, s23;
	s17 =	spop (v2sf);
	(v2sf) =	vpush v0, $0xB  }
0x173: {  	[tilespmem:s1], [sflag:$0x1] =	stream.linear.gather [hbm4b:s6+s2], $0x80, $0x38;
	[tilespmem:$0x10100] =	vst v63  }
0x174: {  	s1 =	sand.u32 $0x1FFFFFF0, s19;
	s6 =	sand.u32 $0x1FFFFFF0, s17;
	s17 =	spop (v2sf);
	(v2sf) =	vpush v0, $0xC  }
0x175: {  	s1 =	sadd.s32 s5, s1;
	s17 =	sand.u32 $0x1FFFFFF0, s17;
	s19 =	spop (v2sf)  }
0x176: {  	[tilespmem:s13], [sflag:$0x1] =	stream.linear.gather [hbm4b:s1+s2], $0x80, $0x38;
	(v2sf) =	vpush v0, $0xD;
	[tilespmem:$0x10100] =	vst v63  }
0x177: {  	s1 =	sadd.s32 s5, s17;
	s13 =	sand.u32 $0x1FFFFFF0, s19;
	s17 =	spop (v2sf)  }
0x178: {  	[tilespmem:s16], [sflag:$0x1] =	stream.linear.gather [hbm4b:s1+s2], $0x80, $0x38;
	(v2sf) =	vpush v0, $0xE;
	[tilespmem:$0x10100] =	vst v63  }
0x179: {  	s1 =	sadd.s32 s5, s6;
	s6 =	sand.u32 $0x1FFFFFF0, s17;
	s16 =	spop (v2sf)  }
0x17a: {  	[tilespmem:s9], [sflag:$0x1] =	stream.linear.gather [hbm4b:s1+s2], $0x80, $0x38;
	(v2sf) =	vpush v0, $0xF;
	[tilespmem:$0x10100] =	vst v63  }
0x17b: {  	s1 =	sadd.s32 s5, s13;
	s9 =	sand.u32 $0x1FFFFFF0, s16;
	s13 =	spop (v2sf)  }
0x17c: {  	[tilespmem:s18], [sflag:$0x1] =	stream.linear.gather [hbm4b:s1+s2], $0x80, $0x38;
	[tilespmem:$0x10100] =	vst v63  }
0x17d: {  	s1 =	sadd.s32 s5, s6;
	s6 =	sand.u32 $0x1FFFFFF0, s13;
	s13 =	spop (v2sf)  }
0x17e: {  	[tilespmem:s12], [sflag:$0x1] =	stream.linear.gather [hbm4b:s1+s2], $0x80, $0x38;
	[tilespmem:$0x10100] =	vst v63  }
0x17f: {  	s1 =	sadd.s32 s5, s9;
	s9 =	sand.u32 $0x1FFFFFF0, s13;
	s12 =	spop (v2sf)  }
0x180: {  	[tilespmem:s8], [sflag:$0x1] =	stream.linear.gather [hbm4b:s1+s2], $0x80, $0x38;
	[tilespmem:$0x10100] =	vst v63  }
0x181: {  	s1 =	sadd.s32 s5, s6;
	s6 =	sand.u32 $0x1FFFFFF0, s12;
	s8 =	spop (v2sf)  }
0x182: {  	[tilespmem:s3], [sflag:$0x1] =	stream.linear.gather [hbm4b:s1+s2], $0x80, $0x38;
	[tilespmem:$0x10100] =	vst v63  }
0x183: {  	s1 =	sadd.s32 s5, s9;
	s3 =	sand.u32 $0x1FFFFFF0, s8;
	s8 =	spop (v2sf)  }
0x184: {  	[tilespmem:s10], [sflag:$0x1] =	stream.linear.gather [hbm4b:s1+s2], $0x80, $0x38;
	[tilespmem:$0x10100] =	vst v63  }
0x185: {  	s1 =	sadd.s32 s5, s6;
	s6 =	sand.u32 $0x1FFFFFF0, s8;
	s8 =	spop (v2sf)  }
0x186: {  	[tilespmem:s0], [sflag:$0x1] =	stream.linear.gather [hbm4b:s1+s2], $0x80, $0x38;
	[tilespmem:$0x10100] =	vst v63  }
0x187: {  	s0 =	sadd.s32 s5, s3;
	s1 =	sand.u32 $0x1FFFFFF0, s8;
	s3 =	spop (v2sf)  }
0x188: {  	[tilespmem:s30], [sflag:$0x1] =	stream.linear.gather [hbm4b:s0+s2], $0x80, $0x38;
	[tilespmem:$0x10100] =	vst v63  }
0x189: {  	s0 =	sadd.s32 s5, s6;
	s3 =	sand.u32 $0x1FFFFFF0, s3;
	s6 =	spop (v2sf)  }
0x18a: {  	[tilespmem:s28], [sflag:$0x1] =	stream.linear.gather [hbm4b:s0+s2], $0x80, $0x38;
	[tilespmem:$0x10100] =	vst v63  }
0x18b: {  	s0 =	sadd.s32 s5, s1;
	s1 =	sand.u32 $0x1FFFFFF0, s6  }
0x18c: {  	[tilespmem:s29], [sflag:$0x1] =	stream.linear.gather [hbm4b:s0+s2], $0x80, $0x38;
	[tilespmem:$0x10100] =	vst v63  }
0x18d: {  	s3 =	sadd.s32 s5, s3;
	s0 =	sadd.s32 $0x800, s23  }
0x18e: {  	[tilespmem:s0], [sflag:$0x1] =	stream.linear.gather [hbm4b:s3+s2], $0x80, $0x38;
	[tilespmem:$0x10100] =	vst v63  }
0x18f: {  	s1 =	sadd.s32 s5, s1;
	s0 =	sadd.s32 $0x880, s23  }
0x190: {  	[tilespmem:s0], [sflag:$0x1] =	stream.linear.gather [hbm4b:s1+s2], $0x80, $0x38;
	[tilespmem:$0x10100] =	vst v63  }
0x191: {  	v0 =	vld [tilespmem:s24+$0x0];
	_ =	sdelay $0x4  }
0x192: {  	v0 =	vshll.u32 v0, $0x4  }
0x193: {  	(v2sf) =	vpush v0, $0x0  }
0x194: {  	(v2sf) =	vpush v0, $0x1  }
0x195: {  	(v2sf) =	vpush v0, $0x2;
	_ =	sdelay $0x1  }
0x196: {  	(v2sf) =	vpush v0, $0x4  }
.Ltmp4:
0x197: {  	(pc) =	sbr.rel @p0 .LBB2_10-.Ltmp4, $3  }
0x198: {  	(v2sf) =	vpush v0, $0x3  }
0x199: {  	(v2sf) =	vpush v0, $0x5;
	_ =	sdelay $0x1  }
0x19a: {  	s23 =	sshra.s32 s26, $0x2;
	(v2sf) =	vpush v0, $0x6  }
0x19b: {  	_ =	sdelay $0x1  }
0x19c: {  	s1 =	sadd.s32 $0x180, s23;
	(v2sf) =	vpush v0, $0x7  }
0x19d: {  	s8 =	sadd.s32 $0x680, s23;
	s6 =	sadd.s32 $0x480, s23;
	s0 =	sadd.s32 $0x700, s23  }
0x19e: {  	s9 =	sadd.s32 $0x380, s23;
	s10 =	sadd.s32 $0x500, s23;
	s3 =	sadd.s32 $0x780, s23;
	(v2sf) =	vpush v0, $0x8  }
0x19f: {  	s12 =	sadd.s32 $0x100, s23;
	s13 =	sadd.s32 $0x300, s23;
	s17 =	spop (v2sf)  }
0x1a0: {  	s16 =	sadd.s32 $0x400, s23;
	s17 =	sand.u32 $0x1FFFFFF0, s17;
	s19 =	spop (v2sf)  }
0x1a1: {  	s17 =	sadd.s32 s5, s17;
	s19 =	sand.u32 $0x1FFFFFF0, s19;
	s24 =	spop (v2sf)  }
0x1a2: {  	(v2sf) =	vpush v0, $0x9;
	[tilespmem:s12], [sflag:$0x1] =	stream.linear.gather [hbm4b:s17+s2], $0x80, $0x38;
	[tilespmem:$0x10100] =	vst v63  }
0x1a3: {  	s18 =	sadd.s32 $0x200, s23;
	s28 =	sadd.s32 s5, s19;
	s29 =	spop (v2sf)  }
0x1a4: {  	(v2sf) =	vpush v0, $0xA;
	[tilespmem:s1], [sflag:$0x1] =	stream.linear.gather [hbm4b:s28+s2], $0x80, $0x38;
	[tilespmem:$0x10100] =	vst v63  }
0x1a5: {  	s25 =	sadd.s32 $0x280, s23;
	s30 =	sand.u32 $0x1FFFFFF0, s24;
	s31 =	spop (v2sf)  }
0x1a6: {  	s12 =	sadd.s32 $0x600, s23;
	(v2sf) =	vpush v0, $0xB;
	s17 =	sadd.s32 s5, s30;
	s24 =	sand.u32 $0x1FFFFFF0, s31  }
0x1a7: {  	[tilespmem:s18], [sflag:$0x1] =	stream.linear.gather [hbm4b:s17+s2], $0x80, $0x38;
	[tilespmem:$0x10100] =	vst v63  }
0x1a8: {  	s26 =	sand.u32 $0x1FFFFFF0, s29;
	(v2sf) =	vpush v0, $0xC;
	s28 =	spop (v2sf);
	s29 =	sadd.s32 s5, s24  }
0x1a9: {  	[tilespmem:s25], [sflag:$0x1] =	stream.linear.gather [hbm4b:s29+s2], $0x80, $0x38;
	[tilespmem:$0x10100] =	vst v63  }
0x1aa: {  	s1 =	sadd.s32 $0x580, s23;
	(v2sf) =	vpush v0, $0xD;
	s18 =	sand.u32 $0x1FFFFFF0, s28;
	s30 =	spop (v2sf)  }
0x1ab: {  	s17 =	sadd.s32 s5, s26;
	s18 =	sadd.s32 s5, s18;
	s19 =	spop (v2sf)  }
0x1ac: {  	(v2sf) =	vpush v0, $0xE;
	[tilespmem:s13], [sflag:$0x1] =	stream.linear.gather [hbm4b:s17+s2], $0x80, $0x38;
	[tilespmem:$0x10100] =	vst v63  }
0x1ad: {  	s31 =	sand.u32 $0x1FFFFFF0, s30;
	s24 =	sand.u32 $0x1FFFFFF0, s19;
	s25 =	spop (v2sf)  }
0x1ae: {  	(v2sf) =	vpush v0, $0xF;
	[tilespmem:s9], [sflag:$0x1] =	stream.linear.gather [hbm4b:s18+s2], $0x80, $0x38;
	[tilespmem:$0x10100] =	vst v63  }
0x1af: {  	s13 =	sadd.s32 s5, s31;
	s26 =	sand.u32 $0x1FFFFFF0, s25;
	s9 =	sadd.s32 s5, s24  }
0x1b0: {  	[tilespmem:s16], [sflag:$0x1] =	stream.linear.gather [hbm4b:s13+s2], $0x80, $0x38;
	[tilespmem:$0x10100] =	vst v63  }
0x1b1: {  	s13 =	sadd.s32 s5, s26;
	s26 =	sadd.s32 $0x800, s23;
	s28 =	spop (v2sf)  }
0x1b2: {  	[tilespmem:s6], [sflag:$0x1] =	stream.linear.gather [hbm4b:s9+s2], $0x80, $0x38;
	[tilespmem:$0x10100] =	vst v63  }
0x1b3: {  	s29 =	sand.u32 $0x1FFFFFF0, s28;
	s30 =	spop (v2sf);
	s28 =	sadd.s32 $0x880, s23  }
0x1b4: {  	[tilespmem:s10], [sflag:$0x1] =	stream.linear.gather [hbm4b:s13+s2], $0x80, $0x38;
	[tilespmem:$0x10100] =	vst v63  }
0x1b5: {  	s9 =	sand.u32 $0x1FFFFFF0, s30;
	s6 =	sadd.s32 s5, s29;
	s31 =	spop (v2sf)  }
0x1b6: {  	[tilespmem:s1], [sflag:$0x1] =	stream.linear.gather [hbm4b:s6+s2], $0x80, $0x38;
	[tilespmem:$0x10100] =	vst v63  }
0x1b7: {  	s9 =	sadd.s32 s5, s9;
	s10 =	sand.u32 $0x1FFFFFF0, s31;
	s13 =	spop (v2sf)  }
0x1b8: {  	[tilespmem:s12], [sflag:$0x1] =	stream.linear.gather [hbm4b:s9+s2], $0x80, $0x38;
	[tilespmem:$0x10100] =	vst v63  }
0x1b9: {  	s1 =	sadd.s32 s5, s10;
	s6 =	sand.u32 $0x1FFFFFF0, s13;
	s16 =	spop (v2sf)  }
0x1ba: {  	[tilespmem:s8], [sflag:$0x1] =	stream.linear.gather [hbm4b:s1+s2], $0x80, $0x38;
	[tilespmem:$0x10100] =	vst v63  }
0x1bb: {  	s17 =	sand.u32 $0x1FFFFFF0, s16;
	s6 =	sadd.s32 s5, s6;
	s18 =	spop (v2sf)  }
0x1bc: {  	[tilespmem:s0], [sflag:$0x1] =	stream.linear.gather [hbm4b:s6+s2], $0x80, $0x38;
	[tilespmem:$0x10100] =	vst v63  }
0x1bd: {  	s19 =	sand.u32 $0x1FFFFFF0, s18;
	s24 =	spop (v2sf);
	s1 =	sadd.s32 s5, s17  }
0x1be: {  	[tilespmem:s3], [sflag:$0x1] =	stream.linear.gather [hbm4b:s1+s2], $0x80, $0x38;
	[tilespmem:$0x10100] =	vst v63  }
0x1bf: {  	s29 =	sshll.u32 s22, $0xB;
	s25 =	sand.u32 $0x1FFFFFF0, s24;
	s0 =	sadd.s32 s5, s19  }
0x1c0: {  	[tilespmem:s26], [sflag:$0x1] =	stream.linear.gather [hbm4b:s0+s2], $0x80, $0x38;
	[tilespmem:$0x10100] =	vst v63  }
0x1c1: {  	s30 =	rddreg [dreg:$0x1];
	s1 =	sadd.s32 s5, s25;
	s0 =	sand.u32 $0x7000, s29  }
0x1c2: {  	[tilespmem:s28], [sflag:$0x1] =	stream.linear.gather [hbm4b:s1+s2], $0x80, $0x38;
	[tilespmem:$0x10100] =	vst v63  }
0x1c3: {  	s31 =	simm.s32 $0x8100;
	s0 =	sadd.s32 s30, s0  }
0x1c4: {  	[tilespmem:s31], [sflag:$0x2] =	stream.linear.gather [hbm4b:s0+s2], $0x4000, $0x38;
	[tilespmem:$0x10100] =	vst v63  }
.LBB2_12:
0x1c5: {  	_ =	swait.ge [sflag:s14], $0x4000  }
0x1c6: {  	[sflag:s14] =	ssyncset.done $0x0  }
0x1c7: {  	[sflag:s14] =	ssyncadd.s32 $0xFFFFC000  }
0x1c8: {  	_ =	swait.ge [sflag:s15], $0x4000  }
0x1c9: {  	[sflag:s15] =	ssyncset.done $0x0  }
0x1ca: {  	s22 =	simm.s32 $0x0;
	[sflag:s15] =	ssyncadd.s32 $0xFFFFC000  }
0x1cb: {  	v8 =	vld [tilespmem:s22+$0xC100]  }
0x1cc: {  	v4 =	vld [tilespmem:s22+$0xC2B0]  }
0x1cd: {  	v5 =	vld [tilespmem:s22+$0x42B0]  }
0x1ce: {  	v0 =	vld [tilespmem:s22+$0xC2A0]  }
0x1cf: {  	v1 =	vld [tilespmem:s22+$0x4290]  }
0x1d0: {  	v2 =	vld [tilespmem:s22+$0xC290]  }
0x1d1: {  	v3 =	vld [tilespmem:s22+$0x4280]  }
0x1d2: {  	v9 =	vld [tilespmem:s22+$0xC230]  }
0x1d3: {  	v11 =	vld [tilespmem:s22+$0x4230]  }
0x1d4: {  	v12 =	vld [tilespmem:s22+$0x4100]  }
0x1d5: {  	v6 =	vld [tilespmem:s22+$0xC210]  }
0x1d6: {  	v10 =	vld [tilespmem:s22+$0x4210]  }
0x1d7: {  	v7 =	vld [tilespmem:s22+$0xC200]  }
0x1d8: {  	v13 =	vld [tilespmem:s22+$0x4200]  }
0x1d9: {  	v14 =	vld [tilespmem:s22+$0x41B0]  }
0x1da: {  	v15 =	vld [tilespmem:s22+$0x4190]  }
0x1db: {  	v16 =	vld [tilespmem:s22+$0xC1A0]  }
0x1dc: {  	v17 =	vld [tilespmem:s22+$0xC190]  }
0x1dd: {  	v18 =	vld [tilespmem:s22+$0x41A0];
	v5 =	vadd.f32 v4, v5  }
0x1de: {  	v19 =	vld [tilespmem:s22+$0xC180]  }
0x1df: {  	[tilespmem:s22+$0x42B0] =	vst v5;
	v5 =	vld [tilespmem:s22+$0xC1B0]  }
0x1e0: {  	v20 =	vld [tilespmem:s22+$0x4180]  }
0x1e1: {  	v4 =	vld [tilespmem:s22+$0x4220];
	v13 =	vadd.f32 v7, v13  }
0x1e2: {  	v7 =	vld [tilespmem:s22+$0xC130]  }
0x1e3: {  	v12 =	vadd.f32 v8, v12;
	v8 =	vld [tilespmem:s22+$0xC220];
	[tilespmem:s22+$0x4200] =	vst v13;
	v13 =	vadd.f32 v6, v10  }
0x1e4: {  	v63 =	vadd.f32 v9, v11;
	v11 =	vld [tilespmem:s22+$0x4110];
	v14 =	vadd.f32 v5, v14  }
0x1e5: {  	v10 =	vld [tilespmem:s22+$0x4130];
	[tilespmem:s22+$0x4210] =	vst v13  }
0x1e6: {  	v13 =	vld [tilespmem:s22+$0xC280];
	[tilespmem:s22+$0x41B0] =	vst v14;
	v14 =	vadd.f32 v16, v18  }
0x1e7: {  	v6 =	vld [tilespmem:s22+$0xC110];
	[tilespmem:s22+$0x4100] =	vst v12  }
0x1e8: {  	v12 =	vld [tilespmem:s22+$0x42A0];
	[tilespmem:s22+$0x41A0] =	vst v14;
	v14 =	vadd.f32 v19, v20  }
0x1e9: {  	s23 =	simm.s32 $0x0;
	s24 =	simm.s32 $0x800;
	v9 =	vadd.f32 v17, v15;
	[tilespmem:s22+$0x4230] =	vst v63;
	v5 =	vld [tilespmem:s22+$0xC120]  }
.LBB2_13:
0x1ea: {  	s0 =	sshra.s32 s24, $0x2;
	s23 =	sadd.s32 $0x4, s23;
	v15 =	vld [tilespmem:s22+$0x4120];
	v7 =	vadd.f32 v7, v10;
	[tilespmem:s22+$0x4180] =	vst v14  }
0x1eb: {  	v1 =	vadd.f32 v2, v1;
	v14 =	vld [tilespmem:s0+$0xC100];
	p0 =	slt.u32 s23, $0x7C;
	v3 =	vadd.f32 v13, v3  }
0x1ec: {  	v10 =	vld [tilespmem:s0+$0xC2B0];
	[tilespmem:s22+$0x4130] =	vst v7;
	v4 =	vadd.f32 v8, v4  }
0x1ed: {  	v7 =	vld [tilespmem:s0+$0x42B0];
	[tilespmem:s22+$0x4280] =	vst v3;
	v2 =	vadd.f32 v0, v12  }
0x1ee: {  	v0 =	vld [tilespmem:s0+$0xC2A0];
	v6 =	vadd.f32 v6, v11;
	[tilespmem:s22+$0x4290] =	vst v1  }
0x1ef: {  	v1 =	vld [tilespmem:s0+$0x4290];
	[tilespmem:s22+$0x42A0] =	vst v2  }
0x1f0: {  	v5 =	vadd.f32 v5, v15;
	v2 =	vld [tilespmem:s0+$0xC290];
	[tilespmem:s22+$0x4190] =	vst v9  }
0x1f1: {  	v3 =	vld [tilespmem:s0+$0x4280];
	[tilespmem:s22+$0x4110] =	vst v6  }
0x1f2: {  	v9 =	vld [tilespmem:s0+$0xC230];
	v6 =	vadd.f32 v10, v7;
	[tilespmem:s22+$0x4120] =	vst v5  }
0x1f3: {  	v11 =	vld [tilespmem:s0+$0x4230];
	[tilespmem:s22+$0x4220] =	vst v4;
	s22 =	smov.u32 s0  }
0x1f4: {  	v4 =	vld [tilespmem:s22+$0x4220];
	[tilespmem:s22+$0x42B0] =	vst v6  }
0x1f5: {  	v8 =	vld [tilespmem:s22+$0x4100]  }
0x1f6: {  	v6 =	vld [tilespmem:s22+$0xC210]  }
0x1f7: {  	v10 =	vld [tilespmem:s22+$0x4210]  }
0x1f8: {  	v5 =	vld [tilespmem:s22+$0xC200]  }
0x1f9: {  	v7 =	vld [tilespmem:s22+$0x4200]  }
0x1fa: {  	v12 =	vld [tilespmem:s22+$0xC1B0]  }
0x1fb: {  	v13 =	vld [tilespmem:s22+$0x41B0]  }
0x1fc: {  	v15 =	vld [tilespmem:s22+$0x4190]  }
0x1fd: {  	v16 =	vld [tilespmem:s22+$0xC1A0]  }
0x1fe: {  	v17 =	vld [tilespmem:s22+$0xC190]  }
0x1ff: {  	v18 =	vld [tilespmem:s22+$0x41A0]  }
0x200: {  	v19 =	vld [tilespmem:s22+$0xC180];
	v12 =	vadd.f32 v12, v13  }
0x201: {  	v20 =	vadd.f32 v5, v7;
	v13 =	vld [tilespmem:s22+$0x4180]  }
0x202: {  	v5 =	vld [tilespmem:s22+$0xC120];
	[tilespmem:s22+$0x41B0] =	vst v12  }
0x203: {  	v12 =	vadd.f32 v6, v10;
	v7 =	vld [tilespmem:s22+$0xC130];
	[tilespmem:s22+$0x4200] =	vst v20  }
0x204: {  	v10 =	vld [tilespmem:s22+$0x4130];
	v16 =	vadd.f32 v16, v18  }
.Ltmp5:
0x205: {  	v6 =	vld [tilespmem:s22+$0xC110];
	[tilespmem:s22+$0x4210] =	vst v12;
	(pc) =	sbr.rel @p0 .LBB2_13-.Ltmp5, $4  }
0x206: {  	v12 =	vadd.f32 v14, v8;
	v14 =	vadd.f32 v19, v13;
	[tilespmem:s22+$0x41A0] =	vst v16;
	v13 =	vld [tilespmem:s22+$0xC280]  }
0x207: {  	v16 =	vadd.f32 v9, v11;
	v8 =	vld [tilespmem:s22+$0xC220]  }
0x208: {  	[tilespmem:s22+$0x4100] =	vst v12;
	v12 =	vld [tilespmem:s22+$0x42A0]  }
0x209: {  	s24 =	sadd.s32 $0x800, s24;
	v9 =	vadd.f32 v17, v15;
	v11 =	vld [tilespmem:s22+$0x4110];
	[tilespmem:s22+$0x4230] =	vst v16  }
0x20a: {  	v7 =	vadd.f32 v7, v10;
	[tilespmem:s22+$0x4180] =	vst v14  }
0x20b: {  	v15 =	vld [tilespmem:s22+$0x4120];
	v1 =	vadd.f32 v2, v1;
	[tilespmem:s22+$0x4190] =	vst v9  }
0x20c: {  	v3 =	vadd.f32 v13, v3;
	[tilespmem:s22+$0x4130] =	vst v7  }
0x20d: {  	[tilespmem:s22+$0x4290] =	vst v1;
	v63 =	vadd.f32 v8, v4  }
0x20e: {  	[tilespmem:s22+$0x4280] =	vst v3;
	v0 =	vadd.f32 v0, v12  }
0x20f: {  	v61 =	vadd.f32 v6, v11;
	[tilespmem:s22+$0x4220] =	vst v63  }
0x210: {  	s20 =	sadd.s32 $0x1, s20;
	[tilespmem:s22+$0x42A0] =	vst v0;
	v62 =	vadd.f32 v5, v15  }
0x211: {  	s0 =	sshll.u32 s21, $0x4;
	s1 =	rddreg [dreg:$0x3];
	p0 =	sne.s32 s20, $0x10;
	[tilespmem:s22+$0x4110] =	vst v61  }
.Ltmp6:
0x212: {  	s31 =	simm.s32 $0x4100;
	s0 =	sadd.s32 s1, s0;
	[tilespmem:s22+$0x4120] =	vst v62;
	(pc) =	sbr.rel @p0 .LBB2_4-.Ltmp6, $4  }
0x213: {  	[hbm4b:s0+s2] =	stream.linear.scatter [tilespmem:s31], [sflag:$0x3], $0x4000, $0x38;
	[tilespmem:$0x10100] =	vst v63  }
0x214: {  	_ =	swait.ge [sflag:s11], $0x4000  }
0x215: {  	[sflag:s11] =	ssyncset.done $0x0  }
0x216: {  	[sflag:s11] =	ssyncadd.s32 $0xFFFFC000  }
0x217: {  	s1 =	rddreg [dreg:$0x7]  }
0x218: {  	s0 =	rddreg [dreg:$0x6];
	s1 =	sadd.s32 $0x1, s1  }
0x219: {  	p0 =	sne.s32 s1, s0  }
.Ltmp7:
0x21a: {  	_ = 	snop;
	(pc) =	sbr.rel @p0 .LBB2_1-.Ltmp7, $1  }
0x21b: {  	_ =	sdelay $0x3  }
0x21c: {  	_ =	sfence.sel $0x180000  }
0x21d: {  	[bflag:$0x0] =	sbarrier.arrive $0xFFFF  }
0x21e: {  	_ =	strace $0x90000047  }
0x21f: {  	s0 =	stileid.u32;
	[bflag:$0x2] =	sbarrier.arrive $0xFFFF  }
0x220: {  	p0 =	sne.s32 s0, $0x0;
	s0 =	rddreg [dreg:$0x2]  }
0x221: {  	s0 =	sadd.s32 @!p0 $0x100000, s0  }
0x222: {  	[sflag:s0] =	ssyncadd.tile.s32 @!p0 $0x1;
	_ =	shalt  }
.Lfunc_end2:
_tile_overlayer_lowered:
.L_overlay_start_2:
0x223: {  	(tag) =	ssettag $0x2  }
0x224: {  	s0 =	rddreg [dreg:$0x0];
	s2 =	stileid.u32  }
0x225: {  	s1 =	rddreg [dreg:$0x1];
	p0 =	sne.s32 s2, $0x0  }
0x226: {  	s3 =	rddreg [dreg:$0x2];
	[bflag:$0x3] =	sbarrier.arrive $0xFFFF;
	s2 =	simm.s32 @!p0 $0x1C03  }
0x227: {  	[timem:s3], [sflag:s2] =	dma.local @!p0 [hbm:s0], s1  }
0x228: {  	s0 =	simm.s32 @!p0 $0x3  }
0x229: {  	_ =	swait.ge @!p0 [sflag:s0], s1  }
0x22a: {  	s1 =	ssub.s32 @!p0 $0x0, s1;
	[sflag:s0] =	ssyncset.done @!p0 $0x0  }
0x22b: {  	[sflag:s0] =	ssyncadd.s32 @!p0 s1  }
0x22c: {  	[bflag:$0x3] =	sbarrier.arrive $0xFFFF  }
0x22d: {  	_ =	shalt  }

// kernel: sparse-core-data-format-call.cloned.1.call-start
scs
called_computation_lowered:
.L_overlay_start_0:
0x0: {  	s2 =	sld [smem:$0x3FD9]  }
0x1: {  	s3 =	sld [smem:$0x3FFE];
	_ =	sdelay $0x1  }
0x2: {  	s1 =	srdreg.scid  }
0x3: {  	s0 =	sand.u32 $0x1, s1  }
0x4: {  	s18 =	sshll.u32 s0, $0xA;
	s2 =	sadd.s32 s3, s2  }
0x5: {  	s2 =	sadd.s32 s2, s18  }
0x6: {  	[smem:$0x3FC5] =	sst s2  }
0x7: {  	_ = 	snop  }
0x8: {  	s2 =	sld [smem:$0x3FD0];
	(tm) =	ssettm $0x1  }
0x9: {  	s19 =	sld [smem:$0x3FFB];
	_ =	sdelay $0x3  }
0xa: {  	_ =	strace s19  }
0xb: {  	s3 =	sld [smem:$0x3FFC];
	_ =	sdelay $0x3  }
0xc: {  	_ =	strace s3  }
0xd: {  	s3 =	sld [smem:$0x3FFD];
	_ =	sdelay $0x3  }
0xe: {  	_ =	strace s3  }
0xf: {  	_ =	strace $0x8FFFFFFF  }
0x10: {  	s20 =	sld [smem:$0x3FDB];
	_ =	sdelay $0x1  }
0x11: {  	s4 =	simm.s32 $_scs_section_size  }
0x12: {  	s5 =	simm.s32 $_size__tile_overlayer_lowered;
	s6 =	simm.s32 $_tile_overlayer_lowered  }
0x13: {  	s23 =	simm.s32 $0x1BFF;
	s22 =	sshll.u32 s6, $0x1;
	s3 =	sadd.s32 s4, s20  }
0x14: {  	s7 =	simm.s32 $0x0;
	s21 =	sshll.u32 s5, $0x1;
	s5 =	sadd.s32 s22, s3  }
0x15: {  	[timem:s7], [sflag:s23] =	dma.local [hbm:s5], s21  }
0x16: {  	_ =	swait.ge [sflag:s23], s21  }
0x17: {  	s4 =	ssub.s32 $0x0, s21;
	[sflag:s23] =	ssyncset.done $0x0  }
0x18: {  	[sflag:s23] =	ssyncadd.s32 s4;
	_ =	sdelay $0x1  }
0x19: {  	s24 =	simm.s32 $0x1B8B  }
0x1a: {  	_ =	swait.ge [sflag:s24], $0x1  }
0x1b: {  	[sflag:s24] =	ssyncset.done $0x0  }
0x1c: {  	s26 =	simm.s32 $0x1B8E;
	s25 =	sld [smem:$0x3FFE];
	[sflag:s24] =	ssyncadd.s32 $0xFFFFFFFF  }
0x1d: {  	s27 =	simm.s32 $execute0_lowered;
	[smem:$0x3FD2] =	sst s26  }
0x1e: {  	s5 =	sshll.u32 s27, $0x1;
	_ =	strace $0x80000049;
	[dreg:$0x1] =	wrdreg $0xFFFFFFFF  }
0x1f: {  	s28 =	simm.s32 $_size_execute0_lowered;
	s3 =	sadd.s32 s3, s5;
	[dreg:$0x0] =	wrdreg $0x0  }
0x20: {  	s5 =	sshll.u32 s28, $0x1;
	[dreg:$0x2] =	wrdreg s3  }
0x21: {  	[dreg:$0x3] =	wrdreg s5  }
0x22: {  	[dreg:$0x4] =	wrdreg $0xC0  }
0x23: {  	_ =	task [dreg:s7], $0x5FFFF  }
0x24: {  	[dreg:$0x1] =	wrdreg $0xFFFFFFFF  }
0x25: {  	[dreg:$0x0] =	wrdreg $0x60  }
0x26: {  	[dreg:$0x2] =	wrdreg s25  }
0x27: {  	[dreg:$0x3] =	wrdreg s2  }
0x28: {  	[dreg:$0x4] =	wrdreg $0x9  }
0x29: {  	_ =	task.clear_ibuf [dreg:s7], $0x5FFFF;
	_ =	strace $0x90000049  }
0x2a: {  	s29 =	simm.s32 $0x9;
	_ =	strace $0x8000004B  }
0x2b: {  	_ =	swait.ge [sflag:s29], $0x1  }
0x2c: {  	[sflag:s29] =	ssyncadd.s32 $0xFFFFFFFF  }
0x2d: {  	_ =	strace $0x9000004B  }
0x2e: {  	_ =	sfence  }
0x2f: {  	s30 =	sld [smem:$0x0];
	_ =	sdelay $0x2  }
0x30: {  	s31 =	sshll.u32 s1, $0xD;
	s1 =	sshrl.u32 s1, $0x2  }
0x31: {  	s3 =	sand.u32 $0x4000, s31;
	s1 =	sadd.s32 s1, s30  }
0x32: {  	s0 =	sor.u32 s3, s0;
	s1 =	sshll.u32 s1, $0x11  }
0x33: {  	s0 =	sor.u32 s1, s0  }
0x34: {  	s0 =	sadd.s32 $0x8F2B, s0  }
0x35: {  	[sflag:s0] =	ssyncadd.remote.s32 $0x1  }
0x36: {  	_ =	sfence.sel $0xFFFF  }
0x37: {  	[dreg:$0x0] =	wrdreg $0xFFFFFFFF;
	(pc) =	sbr.abs _section_cstart, $3  }
0x38: {  	[dreg:$0x1] =	wrdreg $0xFFFFFFFF  }
0x39: {  	_ =	task.clear_ibuf [dreg:s7], $0x2FFFF;
	_ =	strace $0x9FFFFFFF  }
0x3a: {  	(tm) =	ssettm $0x7FFFFFFF  }
0x3b: {  	_ =	shalt  }
tec
execute0_lowered:
.L_overlay_start_1:
0x0: {  	(tag) =	ssettag $0x1  }
0x1: {  	s0 =	srdreg.scid  }
0x2: {  	s7 =	rddreg [dreg:$0x0];
	s1 =	sshll.u32 s0, $0x4  }
0x3: {  	s3 =	rddreg [dreg:$0x1];
	s0 =	stileid.u32;
	s1 =	sand.u32 $0x10, s1  }
0x4: {  	s6 =	simm.s32 $0x1;
	s31 =	simm.s32 $0x2;
	s1 =	sor.u32 s0, s1  }
0x5: {  	s13 =	simm.s32 $0x0;
	s9 =	simm.s32 $0x4000;
	s2 =	sshll.u32 s1, $0x1  }
0x6: {  	s14 =	simm.s32 $0x0;
	s10 =	simm.s32 $0x0;
	s4 =	ssub.s32 $0x40, s2  }
0x7: {  	s12 =	simm.s32 $0x0;
	s1 =	rddreg [dreg:$0x2];
	s5 =	sand.u32 $0x3E, s4  }
.Ltmp0:
0x8: {  	_ =	strace $0x8000004A;
	p0 =	sne.s32 s5, $0x0;
	(pc) =	sbr.rel .LBB1_1-.Ltmp0, $4  }
0x9: {  	s11 =	smov.u32 s2;
	s8 =	sshrl.u32 s4, $0x6;
	s6 =	simm.s32 @!p0 $0x0  }
0xa: {  	s4 =	sadd.s32 $0xF46C00, s7;
	s5 =	simm.s32 $0x1;
	s6 =	sadd.s32 s6, s8  }
0xb: {  	s7 =	sadd.s32 $0xF4EC00, s7;
	[sflag:s5] =	ssyncpa.u1 $0x0;
	s6 =	sshll.u32 s6, $0x4  }
0xc: {  	p0 =	por $0x0, $0x0;
	[sflag:s31] =	ssyncpa.u1 $0x0;
	s8 =	sor.u32 $0x1, s6  }
.LBB1_7:
0xd: {  	s15 =	sadd.s32 $0x80, s10  }
0xe: {  	s13 =	sadd.s32 $0x40, s11;
	s17 =	smov.u32 s11;
	p2 =	sgt.s32 s15, $0x7FF  }
0xf: {  	s17 =	smov.u32 @p2 s13  }
0x10: {  	s15 =	simm.s32 @p2 $0x0;
	p2 =	sgt.s32 s17, $0x3F  }
0x11: {  	s17 =	smov.u32 @p2 s2;
	p2 =	sne.s32 s12, s8  }
.Ltmp1:
0x12: {  	p1 =	slt.u32 s12, $0x2;
	(pc) =	sbr.rel @!p2 .LBB1_8-.Ltmp1, $4  }
0x13: {  	s16 =	simm.s32 @!p1 $0x2  }
0x14: {  	s14 =	smov.u32 s11;
	p0 =	por !p0, !p0;
	_ =	swait.ge @!p1 [sflag:s16], $0x4000  }
0x15: {  	s13 =	smov.u32 s10;
	[sflag:s16] =	ssyncset.done @!p1 $0x0;
	s10 =	smov.u32 s15  }
0x16: {  	s12 =	sadd.s32 $0x1, s12;
	[sflag:s16] =	ssyncadd.s32 @!p1 $0xFFFFC000;
	s11 =	smov.u32 s17  }
.LBB1_1:
0x17: {  	p1 =	sge.u32 s12, s6  }
0x18: {  	s15 =	sxor.u32 @!p1 $0xFFFFFFFF, s12;
	s16 =	sshll.u32 @!p1 s11, $0xF  }
0x19: {  	s17 =	sshll.u32 @!p1 s10, $0x4;
	s19 =	simm.s32 @!p1 $0x40;
	s20 =	simm.s32 @!p1 $0x80  }
0x1a: {  	s15 =	sshll.u32 @!p1 s15, $0xE;
	s17 =	sand.u32 @!p1 $0x7FF0, s17;
	s18 =	sadd.s32 @!p1 s4, s16  }
0x1b: {  	s16 =	sadd.s32 @!p1 s16, s7;
	s15 =	sand.u32 @!p1 $0x4000, s15;
	s18 =	sadd.s32 @!p1 s17, s18  }
0x1c: {  	[tilespmem:s15], [sflag:$0x1] =	stream.strided.gather @!p1 [hbm4b:s18+s19], $0x2000, s20, s19, $0x38;
	[tilespmem:$0x10100] =	vst v63  }
0x1d: {  	s31 =	sadd.s32 $0xFFFFFFFF, s12;
	s16 =	sadd.s32 @!p1 s17, s16;
	s15 =	sor.u32 @!p1 $0x2000, s15  }
0x1e: {  	[tilespmem:s15], [sflag:$0x1] =	stream.strided.gather @!p1 [hbm4b:s16+s19], $0x2000, s20, s19, $0x38;
	[tilespmem:$0x10100] =	vst v63  }
0x1f: {  	p1 =	sge.u32 s31, s6  }
.Ltmp2:
0x20: {  	_ = 	snop;
	(pc) =	sbr.rel @p1 .LBB1_7-.Ltmp2, $1  }
0x21: {  	_ =	sdelay $0x3  }
0x22: {  	s15 =	simm.s32 $0x1;
	s17 =	sand.u32 $0x1, s12  }
0x23: {  	_ =	swait.ge [sflag:s5], $0x4000;
	s15 =	simm.s32 @!p0 $0x0;
	s17 =	smul.u32 $0x10200, s17  }
0x24: {  	p2 =	por $0x1, $0x1;
	[sflag:s5] =	ssyncset.done $0x0;
	s16 =	smul.u32 $0x10200, s15  }
0x25: {  	s18 =	sshll.u32 s15, $0x10;
	[sflag:s5] =	ssyncadd.s32 $0xFFFFC000;
	s30 =	sshrl.u32 s17, $0x2  }
0x26: {  	s31 =	sshrl.u32 s18, $0x2;
	s18 =	simm.s32 $0x0;
	s16 =	sshrl.u32 s16, $0x2  }
0x27: {  	s15 =	sor.u32 $0x8000, s30;
	s17 =	sadd.s32 $0x20, s31;
	s16 =	sor.u32 $0x8000, s16  }
.LBB1_3:
0x28: {  	s19 =	sshll.u32 s18, $0xD  }
0x29: {  	s19 =	sand.u32 $0x3FFFE000, s19  }
0x2a: {  	s21 =	sadd.s32 s19, s17  }
0x2b: {  	s31 =	smul.u32 $0x8100, s18;
	v3 =	vld [tilespmem:s21+$0x10]  }
0x2c: {  	v1 =	vld [tilespmem:s21+$0xFFFFFFF0]  }
0x2d: {  	s18 =	sshra.s32 s31, $0x2;
	v0 =	vld [tilespmem:s21+$0x0]  }
0x2e: {  	s18 =	sadd.s32 s18, s16;
	v2 =	vld [tilespmem:s21+$0xFFFFFFE0]  }
0x2f: {  	s19 =	sadd.s32 $0x0, s18  }
0x30: {  	p1 =	por p2, p2;
	s20 =	simm.s32 $0x4;
	s21 =	sadd.s32 $0x40, s21;
	[tilespmem:s19+$0x1830 ss:$0x81] =	vst.msk $0xffff, v3  }
.LBB1_4:
0x31: {  	v3 =	vld [tilespmem:s21+$0x10];
	p2 =	sne.s32 s20, $0x1FC;
	[tilespmem:s19+$0x810 ss:$0x81] =	vst.msk $0xffff, v1;
	s22 =	smov.u32 s20;
	s20 =	sadd.s32 $0x4, s20  }
.Ltmp3:
0x32: {  	v1 =	vld [tilespmem:s21+$0xFFFFFFF0];
	[tilespmem:s19+$0x1020 ss:$0x81] =	vst.msk $0xffff, v0;
	(pc) =	sbr.rel @p2 .LBB1_4-.Ltmp3, $4  }
0x33: {  	v0 =	vld [tilespmem:s21+$0x0];
	[tilespmem:s19+$0x0 ss:$0x81] =	vst.msk $0xffff, v2  }
0x34: {  	s19 =	sshra.s32 s22, $0x2;
	v2 =	vld [tilespmem:s21+$0xFFFFFFE0]  }
0x35: {  	s19 =	sadd.s32 s19, s18  }
0x36: {  	s21 =	sadd.s32 $0x40, s21;
	[tilespmem:s19+$0x1830 ss:$0x81] =	vst.msk $0xffff, v3  }
.Ltmp4:
0x37: {  	(pc) =	sbr.rel @p1 .LBB1_3-.Ltmp4, $4  }
0x38: {  	_ = 	snop  }
0x39: {  	[tilespmem:s19+$0x810 ss:$0x81] =	vst.msk $0xffff, v1  }
0x3a: {  	[tilespmem:s19+$0x1020 ss:$0x81] =	vst.msk $0xffff, v0  }
0x3b: {  	s18 =	simm.s32 $0x1;
	p2 =	por $0x0, $0x0;
	[tilespmem:s19+$0x0 ss:$0x81] =	vst.msk $0xffff, v2  }
0x3c: {  	s16 =	sshll.u32 s13, $0x3;
	s17 =	sand.u32 $0x78, s13;
	s14 =	sshll.u32 s14, $0xE  }
.Ltmp5:
0x3d: {  	s30 =	sand.u32 $0x3F00, s13;
	s16 =	sand.u32 $0x400, s16;
	(pc) =	sbr.rel .LBB1_7-.Ltmp5, $4  }
0x3e: {  	s31 =	sand.u32 $0x7, s13;
	s14 =	sadd.s32 s3, s14;
	s16 =	sor.u32 s17, s16  }
0x3f: {  	s13 =	sshll.u32 s31, $0x12;
	s14 =	sadd.s32 s30, s14;
	s16 =	sshrl.u32 s16, $0x3  }
0x40: {  	s13 =	sor.u32 $0x400, s13;
	s14 =	sadd.s32 s16, s14  }
0x41: {  	[hbm4b:s14+s13] =	stream.strided.scatter [tilespmem:s15], [sflag:$0x2], $0x4000, s9, s13, $0x20;
	[tilespmem:$0x10100] =	vst v63  }
.LBB1_8:
0x42: {  	_ =	sfence.sel $0x180000  }
0x43: {  	s2 =	simm.s32 $0x1;
	[bflag:$0x0] =	sbarrier.arrive $0xFFFF  }
0x44: {  	s31 =	simm.s32 $0x2;
	[sflag:s2] =	ssyncpa.u1 $0x1  }
0x45: {  	[sflag:s31] =	ssyncpa.u1 $0x1  }
0x46: {  	p0 =	sne.s32 s0, $0x0;
	_ =	strace $0x9000004A  }
0x47: {  	s0 =	sadd.s32 @!p0 $0x100000, s1;
	[bflag:$0x2] =	sbarrier.arrive $0xFFFF  }
0x48: {  	[sflag:s0] =	ssyncadd.tile.s32 @!p0 $0x1;
	_ =	shalt  }
.Lfunc_end1:
_tile_overlayer_lowered:
.L_overlay_start_2:
0x49: {  	(tag) =	ssettag $0x2  }
0x4a: {  	s0 =	rddreg [dreg:$0x0];
	s2 =	stileid.u32  }
0x4b: {  	s1 =	rddreg [dreg:$0x1];
	p0 =	sne.s32 s2, $0x0  }
0x4c: {  	s3 =	rddreg [dreg:$0x2];
	[bflag:$0x3] =	sbarrier.arrive $0xFFFF;
	s2 =	simm.s32 @!p0 $0x1C01  }
0x4d: {  	[timem:s3], [sflag:s2] =	dma.local @!p0 [hbm:s0], s1  }
0x4e: {  	s0 =	simm.s32 @!p0 $0x1  }
0x4f: {  	_ =	swait.ge @!p0 [sflag:s0], s1  }
0x50: {  	s1 =	ssub.s32 @!p0 $0x0, s1;
	[sflag:s0] =	ssyncset.done @!p0 $0x0  }
0x51: {  	[sflag:s0] =	ssyncadd.s32 @!p0 s1  }
0x52: {  	[bflag:$0x3] =	sbarrier.arrive $0xFFFF  }
0x53: {  	_ =	shalt  }

</sc_bundles>
